<compile_context>
chip_gen: v7x
topology: tpu7x:2x2x1
jax: 0.10.2.dev20260603
libtpu: 0.0.44.dev20260713+nightly
codegen_flags: <defaults>
</compile_context>

<pallas_src>
import functools

import jax
import jax.numpy as jnp
from jax import lax
from jax.experimental import pallas as pl
from jax.experimental.pallas import tpu as pltpu
from jax.experimental.pallas import tpu_sc as plsc

_B = 262144
_D = 256
_K = 5

_BSC = 24576
_BLK = 8192
assert _BSC % _BLK == 0

_NC = 2
_NS = 16
_NW = _NC * _NS
_RW = _BSC // _NW
_C = 64
_G = _C // 16
_NCH = _RW // _C
_L = 16
_U = 4
assert _NCH % 2 == 0


def _round_bf16(v):
    u = plsc.bitcast(v, jnp.int32)
    r = (u + jnp.int32(0x8000)) & jnp.int32(-65536)
    return plsc.bitcast(r, jnp.float32)


def _sc_body(x_hbm, w_hbm, out_hbm, xbuf, wbuf, wrbuf, obuf, sem0, sem1):
    wid = lax.axis_index("c") * _NS + lax.axis_index("s")
    wbase = wid * _RW
    sems = (sem0, sem1)

    pltpu.sync_copy(w_hbm, wbuf)

    lanes = lax.iota(jnp.int32, _L)
    rowidx = [lanes + g * _L for g in range(_G)]
    ksplat = [jnp.broadcast_to(jnp.int32(k), (_L,)) for k in range(_K)]

    def wbody(d, w2accs):
        dsp = jnp.broadcast_to(d, (_L,))
        out = []
        for k in range(_K):
            wv = plsc.load_gather(wbuf, [ksplat[k], dsp])
            out.append(w2accs[k] + wv * wv)
        return tuple(out)

    w2s = lax.fori_loop(
        0, _D, wbody,
        tuple(jnp.zeros((_L,), jnp.float32) for _ in range(_K)))

    for k in range(_K):
        for v in range(_D // _L):
            wrbuf[k, pl.ds(v * _L, _L)] = _round_bf16(wbuf[k, pl.ds(v * _L, _L)])

    def fire(ci, slot):
        pltpu.make_async_copy(
            x_hbm.at[pl.ds(wbase + ci * _C, _C)],
            xbuf.at[slot],
            sems[slot],
        ).start()

    fire(0, 0)
    fire(1, 1)

    def process(ci, slot):
        pltpu.make_async_copy(
            x_hbm.at[pl.ds(wbase + ci * _C, _C)],
            xbuf.at[slot],
            sems[slot],
        ).wait()
        xr = xbuf.at[slot]

        init = tuple(
            tuple(jnp.zeros((_L,), jnp.float32) for _ in range(_K))
            for _ in range(_G)
        )

        @plsc.parallel_loop(0, _D, unroll=_U, carry=init)
        def accs(d, accs):
            dimidx = (jnp.broadcast_to(d, (_L,)) + lanes) & jnp.int32(_D - 1)
            wvals = [plsc.load_gather(wrbuf, [ksplat[k], dimidx])
                     for k in range(_K)]
            out = []
            for g in range(_G):
                xg = _round_bf16(plsc.load_gather(xr, [rowidx[g], dimidx]))
                out.append(tuple(accs[g][k] + xg * wvals[k]
                                 for k in range(_K)))
            return tuple(out)

        for g in range(_G):
            best = w2s[0] - 2.0 * accs[g][0]
            bi = jnp.zeros((_L,), jnp.int32)
            for k in range(1, _K):
                sk = w2s[k] - 2.0 * accs[g][k]
                m = sk < best
                best = jnp.where(m, sk, best)
                bi = jnp.where(m, jnp.int32(k), bi)
            obuf[pl.ds(ci * _C + g * _L, _L)] = bi

        @pl.when(ci + 2 < _NCH)
        def _():
            fire(ci + 2, slot)

    def outer(i, carry):
        for b in range(2):
            process(2 * i + b, b)
        return carry

    lax.fori_loop(0, _NCH // 2, outer, 0)

    pltpu.sync_copy(obuf, out_hbm.at[pl.ds(wbase, _RW)])


def _sc_call(x, weights):
    f = pl.kernel(
        _sc_body,
        out_type=jax.ShapeDtypeStruct((_BSC,), jnp.int32),
        mesh=plsc.VectorSubcoreMesh(core_axis_name="c", subcore_axis_name="s"),
        compiler_params=pltpu.CompilerParams(
            needs_layout_passes=False,
            use_tc_tiling_on_sc=True,
        ),
        scratch_types=[
            pltpu.VMEM((2, _C, _D), jnp.float32),
            pltpu.VMEM((_K, _D), jnp.float32),
            pltpu.VMEM((_K, _D), jnp.float32),
            pltpu.VMEM((_RW,), jnp.int32),
            pltpu.SemaphoreType.DMA,
            pltpu.SemaphoreType.DMA,
        ],
    )
    return f(x, weights)


def _tc_body(x_ref, w_ref, out_ref):
    xb = x_ref[...]
    wb = w_ref[...]
    dots = lax.dot_general(wb, xb, (((1,), (1,)), ((), ())),
                           preferred_element_type=jnp.float32)
    w2 = jnp.sum(wb * wb, axis=1, keepdims=True)
    s = w2 - 2.0 * dots
    k = s.shape[0]
    min_s = jnp.min(s, axis=0, keepdims=True)
    iota_k = lax.broadcasted_iota(jnp.int32, s.shape, 0)
    idx = jnp.min(jnp.where(s == min_s, iota_k, k), axis=0)
    out_ref[...] = idx.astype(jnp.int32)


def _tc_call(x, weights):
    b, d = x.shape
    off = _BSC // _BLK
    grid = ((b - _BSC) // _BLK,)
    return pl.pallas_call(
        _tc_body,
        grid=grid,
        in_specs=[
            pl.BlockSpec((_BLK, d), lambda i: (i + off, 0)),
            pl.BlockSpec(weights.shape, lambda i: (0, 0)),
        ],
        out_specs=pl.BlockSpec((_BLK,), lambda i: (i,)),
        out_shape=jax.ShapeDtypeStruct((b - _BSC,), jnp.int32),
        compiler_params=pltpu.CompilerParams(
            dimension_semantics=("arbitrary",),
        ),
    )(x, weights)


@jax.jit
def kernel(x, weights):
    out_sc = _sc_call(x, weights)
    out_tc = _tc_call(x, weights)
    return jnp.concatenate([out_sc, out_tc])

# --- scband reference (transcript-rebuilt; emitter-appended) ---
"""Pipeline reference for scband-dpsom-somonly-32779190403188 (READ-ONLY COPY).

The authoritative reference and input builder live on the scoring server;
editing this copy changes nothing except your own understanding.
"""

import jax, jax.numpy as jnp
import numpy as np

B = 262144
D = 256
K = 5

def setup_inputs(seed: int = 0) -> dict:
    key = jax.random.key(seed)
    kx, kw = jax.random.split(key)
    x = jax.random.normal(kx, (B, D), dtype=jnp.float32)
    weights = jax.random.normal(kw, (K, D), dtype=jnp.float32)
    return {"x": x, "weights": weights}

def _cdist(x, w):
    # Euclidean distance via expansion: ||x||^2 + ||w||^2 - 2 x.w^T (matches torch.cdist p=2)
    x2 = jnp.sum(x * x, axis=1, keepdims=True)          # [B, 1]
    w2 = jnp.sum(w * w, axis=1)[None, :]                # [1, K]
    d2 = x2 + w2 - 2.0 * (x @ w.T)                      # [B, K]
    return jnp.sqrt(jnp.maximum(d2, 0.0))

def reference(x, weights):
    cluster_distances = _cdist(x, weights)              # SOM.forward
    cluster_assignments = jnp.argmin(cluster_distances, axis=1)  # DPSOM_SOMOnly.forward
    return cluster_assignments

if __name__ == "__main__":
    import jax
    _d = setup_inputs()
    print(jax.jit(kernel)(*tuple(_d.values())))

</pallas_src>

<mosaic_0001>
#map = affine_map<(d0, d1) -> (0, 0)>
#map1 = affine_map<(d0, d1) -> (0)>
module attributes {stable_mosaic.version = 14 : i64} {
  func.func @_sc_body(%arg0: i32, %arg1: i32, %arg2: memref<262144x256xf32, #tpu.memory_space<hbm>>, %arg3: memref<5x256xf32, #tpu.memory_space<hbm>>, %arg4: memref<24576xi32, #tpu.memory_space<hbm>>, %arg5: memref<2x64x256xf32, #tpu.memory_space<vmem>>, %arg6: memref<5x256xf32, #tpu.memory_space<vmem>>, %arg7: memref<5x256xf32, #tpu.memory_space<vmem>>, %arg8: memref<768xi32, #tpu.memory_space<vmem>>, %arg9: memref<!tpu.dma_semaphore, #tpu.memory_space<semaphore_mem>>, %arg10: memref<!tpu.dma_semaphore, #tpu.memory_space<semaphore_mem>>) attributes {dimension_semantics = [#tpu.dimension_semantics<core_parallel>, #tpu.dimension_semantics<subcore_parallel>], iteration_bounds = array<i64: 2, 16>, scalar_prefetch = 0 : i64, scratch_operands = 6 : i64, tpu.core_type = #tpu.core_type<sc_vector_subcore>, window_params = [{transform_indices = #map}, {transform_indices = #map}, {transform_indices = #map1}]} {
    %mul3A = arith.constant 16 : i32
    %mul3A_0 = arith.muli %arg0, %mul3A : i32
    %add3A = arith.addi %mul3A_0, %arg1 : i32
    %mul3A_1 = arith.constant 768 : i32
    %mul3A_2 = arith.muli %add3A, %mul3A_1 : i32
    "tpu.region"() ({
      %run_scoped3A = tpu.sem_alloc : memref<!tpu.dma_semaphore, #tpu.memory_space<semaphore_mem>>
      tpu.enqueue_dma source(%arg3 : memref<5x256xf32, #tpu.memory_space<hbm>>) target(%arg6 : memref<5x256xf32, #tpu.memory_space<vmem>>) target_semaphore(%run_scoped3A : memref<!tpu.dma_semaphore, #tpu.memory_space<semaphore_mem>>)
      tpu.wait_dma2 semaphore(%run_scoped3A : memref<!tpu.dma_semaphore, #tpu.memory_space<semaphore_mem>>) src(%arg3 : memref<5x256xf32, #tpu.memory_space<hbm>>) dst(%arg6 : memref<5x256xf32, #tpu.memory_space<vmem>>)
      tpu.yield
    }) : () -> ()
    %iota3A = tpu.iota {dimensions = array<i32: 0>} : vector<16xi32>
    %add3A_3 = arith.constant 0 : i32
    %add3A_4 = vector.broadcast %add3A_3 : i32 to vector<16xi32>
    %add3A_5 = arith.addi %iota3A, %add3A_4 : vector<16xi32>
    %add3A_6 = arith.constant 16 : i32
    %add3A_7 = vector.broadcast %add3A_6 : i32 to vector<16xi32>
    %add3A_8 = arith.addi %iota3A, %add3A_7 : vector<16xi32>
    %add3A_9 = arith.constant 32 : i32
    %add3A_10 = vector.broadcast %add3A_9 : i32 to vector<16xi32>
    %add3A_11 = arith.addi %iota3A, %add3A_10 : vector<16xi32>
    %add3A_12 = arith.constant 48 : i32
    %add3A_13 = vector.broadcast %add3A_12 : i32 to vector<16xi32>
    %add3A_14 = arith.addi %iota3A, %add3A_13 : vector<16xi32>
    %broadcast_in_dim3A = arith.constant 0 : i32
    %broadcast_in_dim3A_15 = vector.broadcast %broadcast_in_dim3A : i32 to vector<16xi32>
    %broadcast_in_dim3A_16 = arith.constant 1 : i32
    %broadcast_in_dim3A_17 = vector.broadcast %broadcast_in_dim3A_16 : i32 to vector<16xi32>
    %broadcast_in_dim3A_18 = arith.constant 2 : i32
    %broadcast_in_dim3A_19 = vector.broadcast %broadcast_in_dim3A_18 : i32 to vector<16xi32>
    %broadcast_in_dim3A_20 = arith.constant 3 : i32
    %broadcast_in_dim3A_21 = vector.broadcast %broadcast_in_dim3A_20 : i32 to vector<16xi32>
    %broadcast_in_dim3A_22 = arith.constant 4 : i32
    %broadcast_in_dim3A_23 = vector.broadcast %broadcast_in_dim3A_22 : i32 to vector<16xi32>
    %broadcast_in_dim3A_24 = arith.constant 0.000000e+00 : f32
    %broadcast_in_dim3A_25 = vector.broadcast %broadcast_in_dim3A_24 : f32 to vector<16xf32>
    %broadcast_in_dim3A_26 = arith.constant 0.000000e+00 : f32
    %broadcast_in_dim3A_27 = vector.broadcast %broadcast_in_dim3A_26 : f32 to vector<16xf32>
    %broadcast_in_dim3A_28 = arith.constant 0.000000e+00 : f32
    %broadcast_in_dim3A_29 = vector.broadcast %broadcast_in_dim3A_28 : f32 to vector<16xf32>
    %broadcast_in_dim3A_30 = arith.constant 0.000000e+00 : f32
    %broadcast_in_dim3A_31 = vector.broadcast %broadcast_in_dim3A_30 : f32 to vector<16xf32>
    %broadcast_in_dim3A_32 = arith.constant 0.000000e+00 : f32
    %broadcast_in_dim3A_33 = vector.broadcast %broadcast_in_dim3A_32 : f32 to vector<16xf32>
    %scan3A = arith.constant 0 : i32
    %scan3A_34 = arith.constant 256 : i32
    %scan3A_35 = arith.addi %scan3A, %scan3A_34 : i32
    %scan3A_36 = arith.constant 1 : i32
    %scan3A_37:5 = scf.for %scan3A_1350 = %scan3A to %scan3A_35 step %scan3A_36 iter_args(%scan3A_1351 = %broadcast_in_dim3A_25, %scan3A_1352 = %broadcast_in_dim3A_27, %scan3A_1353 = %broadcast_in_dim3A_29, %scan3A_1354 = %broadcast_in_dim3A_31, %scan3A_1355 = %broadcast_in_dim3A_33) -> (vector<16xf32>, vector<16xf32>, vector<16xf32>, vector<16xf32>, vector<16xf32>)  : i32 {
      %broadcast_in_dim3A_1356 = vector.broadcast %scan3A_1350 : i32 to vector<16xi32>
      %gather3A = tpu.vector_load_idx %arg6[%broadcast_in_dim3A_15, %broadcast_in_dim3A_1356] : memref<5x256xf32, #tpu.memory_space<vmem>>[vector<16xi32>, vector<16xi32>], vector<16xf32>,
      %mul3A_1357 = arith.mulf %gather3A, %gather3A : vector<16xf32>
      %add3A_1358 = arith.addf %scan3A_1351, %mul3A_1357 : vector<16xf32>
      %gather3A_1359 = tpu.vector_load_idx %arg6[%broadcast_in_dim3A_17, %broadcast_in_dim3A_1356] : memref<5x256xf32, #tpu.memory_space<vmem>>[vector<16xi32>, vector<16xi32>], vector<16xf32>,
      %mul3A_1360 = arith.mulf %gather3A_1359, %gather3A_1359 : vector<16xf32>
      %add3A_1361 = arith.addf %scan3A_1352, %mul3A_1360 : vector<16xf32>
      %gather3A_1362 = tpu.vector_load_idx %arg6[%broadcast_in_dim3A_19, %broadcast_in_dim3A_1356] : memref<5x256xf32, #tpu.memory_space<vmem>>[vector<16xi32>, vector<16xi32>], vector<16xf32>,
      %mul3A_1363 = arith.mulf %gather3A_1362, %gather3A_1362 : vector<16xf32>
      %add3A_1364 = arith.addf %scan3A_1353, %mul3A_1363 : vector<16xf32>
      %gather3A_1365 = tpu.vector_load_idx %arg6[%broadcast_in_dim3A_21, %broadcast_in_dim3A_1356] : memref<5x256xf32, #tpu.memory_space<vmem>>[vector<16xi32>, vector<16xi32>], vector<16xf32>,
      %mul3A_1366 = arith.mulf %gather3A_1365, %gather3A_1365 : vector<16xf32>
      %add3A_1367 = arith.addf %scan3A_1354, %mul3A_1366 : vector<16xf32>
      %gather3A_1368 = tpu.vector_load_idx %arg6[%broadcast_in_dim3A_23, %broadcast_in_dim3A_1356] : memref<5x256xf32, #tpu.memory_space<vmem>>[vector<16xi32>, vector<16xi32>], vector<16xf32>,
      %mul3A_1369 = arith.mulf %gather3A_1368, %gather3A_1368 : vector<16xf32>
      %add3A_1370 = arith.addf %scan3A_1355, %mul3A_1369 : vector<16xf32>
      scf.yield %add3A_1358, %add3A_1361, %add3A_1364, %add3A_1367, %add3A_1370 : vector<16xf32>, vector<16xf32>, vector<16xf32>, vector<16xf32>, vector<16xf32>
    }
    %scan3A_38 = arith.constant 256 : i32
    %get3A = arith.constant 0 : i32
    %get3A_39 = arith.index_cast %get3A : i32 to index
    %get3A_40 = arith.constant 0 : index
    %get3A_41 = tpu.vector_load %arg6[%get3A_39, %get3A_40] {strides = array<i32>} : memref<5x256xf32, #tpu.memory_space<vmem>>, vector<16xf32>,
    %bitcast3A = vector.bitcast %get3A_41 : vector<16xf32> to vector<16xi32>
    %add3A_42 = arith.constant 32768 : i32
    %add3A_43 = vector.broadcast %add3A_42 : i32 to vector<16xi32>
    %add3A_44 = arith.addi %bitcast3A, %add3A_43 : vector<16xi32>
    %and3A = arith.constant -65536 : i32
    %and3A_45 = vector.broadcast %and3A : i32 to vector<16xi32>
    %and3A_46 = arith.andi %add3A_44, %and3A_45 : vector<16xi32>
    %bitcast3A_47 = vector.bitcast %and3A_46 : vector<16xi32> to vector<16xf32>
    %swap3A = arith.constant 0 : i32
    %swap3A_48 = arith.index_cast %swap3A : i32 to index
    %swap3A_49 = arith.constant 0 : index
    %swap3A_50 = tpu.vector_load %arg7[%swap3A_48, %swap3A_49] {strides = array<i32>} : memref<5x256xf32, #tpu.memory_space<vmem>>, vector<16xf32>,
    tpu.vector_store %arg7[%swap3A_48, %swap3A_49], %bitcast3A_47 {strides = array<i32>} : memref<5x256xf32, #tpu.memory_space<vmem>>, vector<16xf32>,
    %get3A_51 = arith.constant 0 : i32
    %get3A_52 = arith.index_cast %get3A_51 : i32 to index
    %get3A_53 = arith.constant 16 : index
    %get3A_54 = tpu.vector_load %arg6[%get3A_52, %get3A_53] {strides = array<i32>} : memref<5x256xf32, #tpu.memory_space<vmem>>, vector<16xf32>,
    %bitcast3A_55 = vector.bitcast %get3A_54 : vector<16xf32> to vector<16xi32>
    %add3A_56 = arith.constant 32768 : i32
    %add3A_57 = vector.broadcast %add3A_56 : i32 to vector<16xi32>
    %add3A_58 = arith.addi %bitcast3A_55, %add3A_57 : vector<16xi32>
    %and3A_59 = arith.constant -65536 : i32
    %and3A_60 = vector.broadcast %and3A_59 : i32 to vector<16xi32>
    %and3A_61 = arith.andi %add3A_58, %and3A_60 : vector<16xi32>
    %bitcast3A_62 = vector.bitcast %and3A_61 : vector<16xi32> to vector<16xf32>
    %swap3A_63 = arith.constant 0 : i32
    %swap3A_64 = arith.index_cast %swap3A_63 : i32 to index
    %swap3A_65 = arith.constant 16 : index
    %swap3A_66 = tpu.vector_load %arg7[%swap3A_64, %swap3A_65] {strides = array<i32>} : memref<5x256xf32, #tpu.memory_space<vmem>>, vector<16xf32>,
    tpu.vector_store %arg7[%swap3A_64, %swap3A_65], %bitcast3A_62 {strides = array<i32>} : memref<5x256xf32, #tpu.memory_space<vmem>>, vector<16xf32>,
    %get3A_67 = arith.constant 0 : i32
    %get3A_68 = arith.index_cast %get3A_67 : i32 to index
    %get3A_69 = arith.constant 32 : index
    %get3A_70 = tpu.vector_load %arg6[%get3A_68, %get3A_69] {strides = array<i32>} : memref<5x256xf32, #tpu.memory_space<vmem>>, vector<16xf32>,
    %bitcast3A_71 = vector.bitcast %get3A_70 : vector<16xf32> to vector<16xi32>
    %add3A_72 = arith.constant 32768 : i32
    %add3A_73 = vector.broadcast %add3A_72 : i32 to vector<16xi32>
    %add3A_74 = arith.addi %bitcast3A_71, %add3A_73 : vector<16xi32>
    %and3A_75 = arith.constant -65536 : i32
    %and3A_76 = vector.broadcast %and3A_75 : i32 to vector<16xi32>
    %and3A_77 = arith.andi %add3A_74, %and3A_76 : vector<16xi32>
    %bitcast3A_78 = vector.bitcast %and3A_77 : vector<16xi32> to vector<16xf32>
    %swap3A_79 = arith.constant 0 : i32
    %swap3A_80 = arith.index_cast %swap3A_79 : i32 to index
    %swap3A_81 = arith.constant 32 : index
    %swap3A_82 = tpu.vector_load %arg7[%swap3A_80, %swap3A_81] {strides = array<i32>} : memref<5x256xf32, #tpu.memory_space<vmem>>, vector<16xf32>,
    tpu.vector_store %arg7[%swap3A_80, %swap3A_81], %bitcast3A_78 {strides = array<i32>} : memref<5x256xf32, #tpu.memory_space<vmem>>, vector<16xf32>,
    %get3A_83 = arith.constant 0 : i32
    %get3A_84 = arith.index_cast %get3A_83 : i32 to index
    %get3A_85 = arith.constant 48 : index
    %get3A_86 = tpu.vector_load %arg6[%get3A_84, %get3A_85] {strides = array<i32>} : memref<5x256xf32, #tpu.memory_space<vmem>>, vector<16xf32>,
    %bitcast3A_87 = vector.bitcast %get3A_86 : vector<16xf32> to vector<16xi32>
    %add3A_88 = arith.constant 32768 : i32
    %add3A_89 = vector.broadcast %add3A_88 : i32 to vector<16xi32>
    %add3A_90 = arith.addi %bitcast3A_87, %add3A_89 : vector<16xi32>
    %and3A_91 = arith.constant -65536 : i32
    %and3A_92 = vector.broadcast %and3A_91 : i32 to vector<16xi32>
    %and3A_93 = arith.andi %add3A_90, %and3A_92 : vector<16xi32>
    %bitcast3A_94 = vector.bitcast %and3A_93 : vector<16xi32> to vector<16xf32>
    %swap3A_95 = arith.constant 0 : i32
    %swap3A_96 = arith.index_cast %swap3A_95 : i32 to index
    %swap3A_97 = arith.constant 48 : index
    %swap3A_98 = tpu.vector_load %arg7[%swap3A_96, %swap3A_97] {strides = array<i32>} : memref<5x256xf32, #tpu.memory_space<vmem>>, vector<16xf32>,
    tpu.vector_store %arg7[%swap3A_96, %swap3A_97], %bitcast3A_94 {strides = array<i32>} : memref<5x256xf32, #tpu.memory_space<vmem>>, vector<16xf32>,
    %get3A_99 = arith.constant 0 : i32
    %get3A_100 = arith.index_cast %get3A_99 : i32 to index
    %get3A_101 = arith.constant 64 : index
    %get3A_102 = tpu.vector_load %arg6[%get3A_100, %get3A_101] {strides = array<i32>} : memref<5x256xf32, #tpu.memory_space<vmem>>, vector<16xf32>,
    %bitcast3A_103 = vector.bitcast %get3A_102 : vector<16xf32> to vector<16xi32>
    %add3A_104 = arith.constant 32768 : i32
    %add3A_105 = vector.broadcast %add3A_104 : i32 to vector<16xi32>
    %add3A_106 = arith.addi %bitcast3A_103, %add3A_105 : vector<16xi32>
    %and3A_107 = arith.constant -65536 : i32
    %and3A_108 = vector.broadcast %and3A_107 : i32 to vector<16xi32>
    %and3A_109 = arith.andi %add3A_106, %and3A_108 : vector<16xi32>
    %bitcast3A_110 = vector.bitcast %and3A_109 : vector<16xi32> to vector<16xf32>
    %swap3A_111 = arith.constant 0 : i32
    %swap3A_112 = arith.index_cast %swap3A_111 : i32 to index
    %swap3A_113 = arith.constant 64 : index
    %swap3A_114 = tpu.vector_load %arg7[%swap3A_112, %swap3A_113] {strides = array<i32>} : memref<5x256xf32, #tpu.memory_space<vmem>>, vector<16xf32>,
    tpu.vector_store %arg7[%swap3A_112, %swap3A_113], %bitcast3A_110 {strides = array<i32>} : memref<5x256xf32, #tpu.memory_space<vmem>>, vector<16xf32>,
    %get3A_115 = arith.constant 0 : i32
    %get3A_116 = arith.index_cast %get3A_115 : i32 to index
    %get3A_117 = arith.constant 80 : index
    %get3A_118 = tpu.vector_load %arg6[%get3A_116, %get3A_117] {strides = array<i32>} : memref<5x256xf32, #tpu.memory_space<vmem>>, vector<16xf32>,
    %bitcast3A_119 = vector.bitcast %get3A_118 : vector<16xf32> to vector<16xi32>
    %add3A_120 = arith.constant 32768 : i32
    %add3A_121 = vector.broadcast %add3A_120 : i32 to vector<16xi32>
    %add3A_122 = arith.addi %bitcast3A_119, %add3A_121 : vector<16xi32>
    %and3A_123 = arith.constant -65536 : i32
    %and3A_124 = vector.broadcast %and3A_123 : i32 to vector<16xi32>
    %and3A_125 = arith.andi %add3A_122, %and3A_124 : vector<16xi32>
    %bitcast3A_126 = vector.bitcast %and3A_125 : vector<16xi32> to vector<16xf32>
    %swap3A_127 = arith.constant 0 : i32
    %swap3A_128 = arith.index_cast %swap3A_127 : i32 to index
    %swap3A_129 = arith.constant 80 : index
    %swap3A_130 = tpu.vector_load %arg7[%swap3A_128, %swap3A_129] {strides = array<i32>} : memref<5x256xf32, #tpu.memory_space<vmem>>, vector<16xf32>,
    tpu.vector_store %arg7[%swap3A_128, %swap3A_129], %bitcast3A_126 {strides = array<i32>} : memref<5x256xf32, #tpu.memory_space<vmem>>, vector<16xf32>,
    %get3A_131 = arith.constant 0 : i32
    %get3A_132 = arith.index_cast %get3A_131 : i32 to index
    %get3A_133 = arith.constant 96 : index
    %get3A_134 = tpu.vector_load %arg6[%get3A_132, %get3A_133] {strides = array<i32>} : memref<5x256xf32, #tpu.memory_space<vmem>>, vector<16xf32>,
    %bitcast3A_135 = vector.bitcast %get3A_134 : vector<16xf32> to vector<16xi32>
    %add3A_136 = arith.constant 32768 : i32
    %add3A_137 = vector.broadcast %add3A_136 : i32 to vector<16xi32>
    %add3A_138 = arith.addi %bitcast3A_135, %add3A_137 : vector<16xi32>
    %and3A_139 = arith.constant -65536 : i32
    %and3A_140 = vector.broadcast %and3A_139 : i32 to vector<16xi32>
    %and3A_141 = arith.andi %add3A_138, %and3A_140 : vector<16xi32>
    %bitcast3A_142 = vector.bitcast %and3A_141 : vector<16xi32> to vector<16xf32>
    %swap3A_143 = arith.constant 0 : i32
    %swap3A_144 = arith.index_cast %swap3A_143 : i32 to index
    %swap3A_145 = arith.constant 96 : index
    %swap3A_146 = tpu.vector_load %arg7[%swap3A_144, %swap3A_145] {strides = array<i32>} : memref<5x256xf32, #tpu.memory_space<vmem>>, vector<16xf32>,
    tpu.vector_store %arg7[%swap3A_144, %swap3A_145], %bitcast3A_142 {strides = array<i32>} : memref<5x256xf32, #tpu.memory_space<vmem>>, vector<16xf32>,
    %get3A_147 = arith.constant 0 : i32
    %get3A_148 = arith.index_cast %get3A_147 : i32 to index
    %get3A_149 = arith.constant 112 : index
    %get3A_150 = tpu.vector_load %arg6[%get3A_148, %get3A_149] {strides = array<i32>} : memref<5x256xf32, #tpu.memory_space<vmem>>, vector<16xf32>,
    %bitcast3A_151 = vector.bitcast %get3A_150 : vector<16xf32> to vector<16xi32>
    %add3A_152 = arith.constant 32768 : i32
    %add3A_153 = vector.broadcast %add3A_152 : i32 to vector<16xi32>
    %add3A_154 = arith.addi %bitcast3A_151, %add3A_153 : vector<16xi32>
    %and3A_155 = arith.constant -65536 : i32
    %and3A_156 = vector.broadcast %and3A_155 : i32 to vector<16xi32>
    %and3A_157 = arith.andi %add3A_154, %and3A_156 : vector<16xi32>
    %bitcast3A_158 = vector.bitcast %and3A_157 : vector<16xi32> to vector<16xf32>
    %swap3A_159 = arith.constant 0 : i32
    %swap3A_160 = arith.index_cast %swap3A_159 : i32 to index
    %swap3A_161 = arith.constant 112 : index
    %swap3A_162 = tpu.vector_load %arg7[%swap3A_160, %swap3A_161] {strides = array<i32>} : memref<5x256xf32, #tpu.memory_space<vmem>>, vector<16xf32>,
    tpu.vector_store %arg7[%swap3A_160, %swap3A_161], %bitcast3A_158 {strides = array<i32>} : memref<5x256xf32, #tpu.memory_space<vmem>>, vector<16xf32>,
    %get3A_163 = arith.constant 0 : i32
    %get3A_164 = arith.index_cast %get3A_163 : i32 to index
    %get3A_165 = arith.constant 128 : index
    %get3A_166 = tpu.vector_load %arg6[%get3A_164, %get3A_165] {strides = array<i32>} : memref<5x256xf32, #tpu.memory_space<vmem>>, vector<16xf32>,
    %bitcast3A_167 = vector.bitcast %get3A_166 : vector<16xf32> to vector<16xi32>
    %add3A_168 = arith.constant 32768 : i32
    %add3A_169 = vector.broadcast %add3A_168 : i32 to vector<16xi32>
    %add3A_170 = arith.addi %bitcast3A_167, %add3A_169 : vector<16xi32>
    %and3A_171 = arith.constant -65536 : i32
    %and3A_172 = vector.broadcast %and3A_171 : i32 to vector<16xi32>
    %and3A_173 = arith.andi %add3A_170, %and3A_172 : vector<16xi32>
    %bitcast3A_174 = vector.bitcast %and3A_173 : vector<16xi32> to vector<16xf32>
    %swap3A_175 = arith.constant 0 : i32
    %swap3A_176 = arith.index_cast %swap3A_175 : i32 to index
    %swap3A_177 = arith.constant 128 : index
    %swap3A_178 = tpu.vector_load %arg7[%swap3A_176, %swap3A_177] {strides = array<i32>} : memref<5x256xf32, #tpu.memory_space<vmem>>, vector<16xf32>,
    tpu.vector_store %arg7[%swap3A_176, %swap3A_177], %bitcast3A_174 {strides = array<i32>} : memref<5x256xf32, #tpu.memory_space<vmem>>, vector<16xf32>,
    %get3A_179 = arith.constant 0 : i32
    %get3A_180 = arith.index_cast %get3A_179 : i32 to index
    %get3A_181 = arith.constant 144 : index
    %get3A_182 = tpu.vector_load %arg6[%get3A_180, %get3A_181] {strides = array<i32>} : memref<5x256xf32, #tpu.memory_space<vmem>>, vector<16xf32>,
    %bitcast3A_183 = vector.bitcast %get3A_182 : vector<16xf32> to vector<16xi32>
    %add3A_184 = arith.constant 32768 : i32
    %add3A_185 = vector.broadcast %add3A_184 : i32 to vector<16xi32>
    %add3A_186 = arith.addi %bitcast3A_183, %add3A_185 : vector<16xi32>
    %and3A_187 = arith.constant -65536 : i32
    %and3A_188 = vector.broadcast %and3A_187 : i32 to vector<16xi32>
    %and3A_189 = arith.andi %add3A_186, %and3A_188 : vector<16xi32>
    %bitcast3A_190 = vector.bitcast %and3A_189 : vector<16xi32> to vector<16xf32>
    %swap3A_191 = arith.constant 0 : i32
    %swap3A_192 = arith.index_cast %swap3A_191 : i32 to index
    %swap3A_193 = arith.constant 144 : index
    %swap3A_194 = tpu.vector_load %arg7[%swap3A_192, %swap3A_193] {strides = array<i32>} : memref<5x256xf32, #tpu.memory_space<vmem>>, vector<16xf32>,
    tpu.vector_store %arg7[%swap3A_192, %swap3A_193], %bitcast3A_190 {strides = array<i32>} : memref<5x256xf32, #tpu.memory_space<vmem>>, vector<16xf32>,
    %get3A_195 = arith.constant 0 : i32
    %get3A_196 = arith.index_cast %get3A_195 : i32 to index
    %get3A_197 = arith.constant 160 : index
    %get3A_198 = tpu.vector_load %arg6[%get3A_196, %get3A_197] {strides = array<i32>} : memref<5x256xf32, #tpu.memory_space<vmem>>, vector<16xf32>,
    %bitcast3A_199 = vector.bitcast %get3A_198 : vector<16xf32> to vector<16xi32>
    %add3A_200 = arith.constant 32768 : i32
    %add3A_201 = vector.broadcast %add3A_200 : i32 to vector<16xi32>
    %add3A_202 = arith.addi %bitcast3A_199, %add3A_201 : vector<16xi32>
    %and3A_203 = arith.constant -65536 : i32
    %and3A_204 = vector.broadcast %and3A_203 : i32 to vector<16xi32>
    %and3A_205 = arith.andi %add3A_202, %and3A_204 : vector<16xi32>
    %bitcast3A_206 = vector.bitcast %and3A_205 : vector<16xi32> to vector<16xf32>
    %swap3A_207 = arith.constant 0 : i32
    %swap3A_208 = arith.index_cast %swap3A_207 : i32 to index
    %swap3A_209 = arith.constant 160 : index
    %swap3A_210 = tpu.vector_load %arg7[%swap3A_208, %swap3A_209] {strides = array<i32>} : memref<5x256xf32, #tpu.memory_space<vmem>>, vector<16xf32>,
    tpu.vector_store %arg7[%swap3A_208, %swap3A_209], %bitcast3A_206 {strides = array<i32>} : memref<5x256xf32, #tpu.memory_space<vmem>>, vector<16xf32>,
    %get3A_211 = arith.constant 0 : i32
    %get3A_212 = arith.index_cast %get3A_211 : i32 to index
    %get3A_213 = arith.constant 176 : index
    %get3A_214 = tpu.vector_load %arg6[%get3A_212, %get3A_213] {strides = array<i32>} : memref<5x256xf32, #tpu.memory_space<vmem>>, vector<16xf32>,
    %bitcast3A_215 = vector.bitcast %get3A_214 : vector<16xf32> to vector<16xi32>
    %add3A_216 = arith.constant 32768 : i32
    %add3A_217 = vector.broadcast %add3A_216 : i32 to vector<16xi32>
    %add3A_218 = arith.addi %bitcast3A_215, %add3A_217 : vector<16xi32>
    %and3A_219 = arith.constant -65536 : i32
    %and3A_220 = vector.broadcast %and3A_219 : i32 to vector<16xi32>
    %and3A_221 = arith.andi %add3A_218, %and3A_220 : vector<16xi32>
    %bitcast3A_222 = vector.bitcast %and3A_221 : vector<16xi32> to vector<16xf32>
    %swap3A_223 = arith.constant 0 : i32
    %swap3A_224 = arith.index_cast %swap3A_223 : i32 to index
    %swap3A_225 = arith.constant 176 : index
    %swap3A_226 = tpu.vector_load %arg7[%swap3A_224, %swap3A_225] {strides = array<i32>} : memref<5x256xf32, #tpu.memory_space<vmem>>, vector<16xf32>,
    tpu.vector_store %arg7[%swap3A_224, %swap3A_225], %bitcast3A_222 {strides = array<i32>} : memref<5x256xf32, #tpu.memory_space<vmem>>, vector<16xf32>,
    %get3A_227 = arith.constant 0 : i32
    %get3A_228 = arith.index_cast %get3A_227 : i32 to index
    %get3A_229 = arith.constant 192 : index
    %get3A_230 = tpu.vector_load %arg6[%get3A_228, %get3A_229] {strides = array<i32>} : memref<5x256xf32, #tpu.memory_space<vmem>>, vector<16xf32>,
    %bitcast3A_231 = vector.bitcast %get3A_230 : vector<16xf32> to vector<16xi32>
    %add3A_232 = arith.constant 32768 : i32
    %add3A_233 = vector.broadcast %add3A_232 : i32 to vector<16xi32>
    %add3A_234 = arith.addi %bitcast3A_231, %add3A_233 : vector<16xi32>
    %and3A_235 = arith.constant -65536 : i32
    %and3A_236 = vector.broadcast %and3A_235 : i32 to vector<16xi32>
    %and3A_237 = arith.andi %add3A_234, %and3A_236 : vector<16xi32>
    %bitcast3A_238 = vector.bitcast %and3A_237 : vector<16xi32> to vector<16xf32>
    %swap3A_239 = arith.constant 0 : i32
    %swap3A_240 = arith.index_cast %swap3A_239 : i32 to index
    %swap3A_241 = arith.constant 192 : index
    %swap3A_242 = tpu.vector_load %arg7[%swap3A_240, %swap3A_241] {strides = array<i32>} : memref<5x256xf32, #tpu.memory_space<vmem>>, vector<16xf32>,
    tpu.vector_store %arg7[%swap3A_240, %swap3A_241], %bitcast3A_238 {strides = array<i32>} : memref<5x256xf32, #tpu.memory_space<vmem>>, vector<16xf32>,
    %get3A_243 = arith.constant 0 : i32
    %get3A_244 = arith.index_cast %get3A_243 : i32 to index
    %get3A_245 = arith.constant 208 : index
    %get3A_246 = tpu.vector_load %arg6[%get3A_244, %get3A_245] {strides = array<i32>} : memref<5x256xf32, #tpu.memory_space<vmem>>, vector<16xf32>,
    %bitcast3A_247 = vector.bitcast %get3A_246 : vector<16xf32> to vector<16xi32>
    %add3A_248 = arith.constant 32768 : i32
    %add3A_249 = vector.broadcast %add3A_248 : i32 to vector<16xi32>
    %add3A_250 = arith.addi %bitcast3A_247, %add3A_249 : vector<16xi32>
    %and3A_251 = arith.constant -65536 : i32
    %and3A_252 = vector.broadcast %and3A_251 : i32 to vector<16xi32>
    %and3A_253 = arith.andi %add3A_250, %and3A_252 : vector<16xi32>
    %bitcast3A_254 = vector.bitcast %and3A_253 : vector<16xi32> to vector<16xf32>
    %swap3A_255 = arith.constant 0 : i32
    %swap3A_256 = arith.index_cast %swap3A_255 : i32 to index
    %swap3A_257 = arith.constant 208 : index
    %swap3A_258 = tpu.vector_load %arg7[%swap3A_256, %swap3A_257] {strides = array<i32>} : memref<5x256xf32, #tpu.memory_space<vmem>>, vector<16xf32>,
    tpu.vector_store %arg7[%swap3A_256, %swap3A_257], %bitcast3A_254 {strides = array<i32>} : memref<5x256xf32, #tpu.memory_space<vmem>>, vector<16xf32>,
    %get3A_259 = arith.constant 0 : i32
    %get3A_260 = arith.index_cast %get3A_259 : i32 to index
    %get3A_261 = arith.constant 224 : index
    %get3A_262 = tpu.vector_load %arg6[%get3A_260, %get3A_261] {strides = array<i32>} : memref<5x256xf32, #tpu.memory_space<vmem>>, vector<16xf32>,
    %bitcast3A_263 = vector.bitcast %get3A_262 : vector<16xf32> to vector<16xi32>
    %add3A_264 = arith.constant 32768 : i32
    %add3A_265 = vector.broadcast %add3A_264 : i32 to vector<16xi32>
    %add3A_266 = arith.addi %bitcast3A_263, %add3A_265 : vector<16xi32>
    %and3A_267 = arith.constant -65536 : i32
    %and3A_268 = vector.broadcast %and3A_267 : i32 to vector<16xi32>
    %and3A_269 = arith.andi %add3A_266, %and3A_268 : vector<16xi32>
    %bitcast3A_270 = vector.bitcast %and3A_269 : vector<16xi32> to vector<16xf32>
    %swap3A_271 = arith.constant 0 : i32
    %swap3A_272 = arith.index_cast %swap3A_271 : i32 to index
    %swap3A_273 = arith.constant 224 : index
    %swap3A_274 = tpu.vector_load %arg7[%swap3A_272, %swap3A_273] {strides = array<i32>} : memref<5x256xf32, #tpu.memory_space<vmem>>, vector<16xf32>,
    tpu.vector_store %arg7[%swap3A_272, %swap3A_273], %bitcast3A_270 {strides = array<i32>} : memref<5x256xf32, #tpu.memory_space<vmem>>, vector<16xf32>,
    %get3A_275 = arith.constant 0 : i32
    %get3A_276 = arith.index_cast %get3A_275 : i32 to index
    %get3A_277 = arith.constant 240 : index
    %get3A_278 = tpu.vector_load %arg6[%get3A_276, %get3A_277] {strides = array<i32>} : memref<5x256xf32, #tpu.memory_space<vmem>>, vector<16xf32>,
    %bitcast3A_279 = vector.bitcast %get3A_278 : vector<16xf32> to vector<16xi32>
    %add3A_280 = arith.constant 32768 : i32
    %add3A_281 = vector.broadcast %add3A_280 : i32 to vector<16xi32>
    %add3A_282 = arith.addi %bitcast3A_279, %add3A_281 : vector<16xi32>
    %and3A_283 = arith.constant -65536 : i32
    %and3A_284 = vector.broadcast %and3A_283 : i32 to vector<16xi32>
    %and3A_285 = arith.andi %add3A_282, %and3A_284 : vector<16xi32>
    %bitcast3A_286 = vector.bitcast %and3A_285 : vector<16xi32> to vector<16xf32>
    %swap3A_287 = arith.constant 0 : i32
    %swap3A_288 = arith.index_cast %swap3A_287 : i32 to index
    %swap3A_289 = arith.constant 240 : index
    %swap3A_290 = tpu.vector_load %arg7[%swap3A_288, %swap3A_289] {strides = array<i32>} : memref<5x256xf32, #tpu.memory_space<vmem>>, vector<16xf32>,
    tpu.vector_store %arg7[%swap3A_288, %swap3A_289], %bitcast3A_286 {strides = array<i32>} : memref<5x256xf32, #tpu.memory_space<vmem>>, vector<16xf32>,
    %get3A_291 = arith.constant 1 : i32
    %get3A_292 = arith.index_cast %get3A_291 : i32 to index
    %get3A_293 = arith.constant 0 : index
    %get3A_294 = tpu.vector_load %arg6[%get3A_292, %get3A_293] {strides = array<i32>} : memref<5x256xf32, #tpu.memory_space<vmem>>, vector<16xf32>,
    %bitcast3A_295 = vector.bitcast %get3A_294 : vector<16xf32> to vector<16xi32>
    %add3A_296 = arith.constant 32768 : i32
    %add3A_297 = vector.broadcast %add3A_296 : i32 to vector<16xi32>
    %add3A_298 = arith.addi %bitcast3A_295, %add3A_297 : vector<16xi32>
    %and3A_299 = arith.constant -65536 : i32
    %and3A_300 = vector.broadcast %and3A_299 : i32 to vector<16xi32>
    %and3A_301 = arith.andi %add3A_298, %and3A_300 : vector<16xi32>
    %bitcast3A_302 = vector.bitcast %and3A_301 : vector<16xi32> to vector<16xf32>
    %swap3A_303 = arith.constant 1 : i32
    %swap3A_304 = arith.index_cast %swap3A_303 : i32 to index
    %swap3A_305 = arith.constant 0 : index
    %swap3A_306 = tpu.vector_load %arg7[%swap3A_304, %swap3A_305] {strides = array<i32>} : memref<5x256xf32, #tpu.memory_space<vmem>>, vector<16xf32>,
    tpu.vector_store %arg7[%swap3A_304, %swap3A_305], %bitcast3A_302 {strides = array<i32>} : memref<5x256xf32, #tpu.memory_space<vmem>>, vector<16xf32>,
    %get3A_307 = arith.constant 1 : i32
    %get3A_308 = arith.index_cast %get3A_307 : i32 to index
    %get3A_309 = arith.constant 16 : index
    %get3A_310 = tpu.vector_load %arg6[%get3A_308, %get3A_309] {strides = array<i32>} : memref<5x256xf32, #tpu.memory_space<vmem>>, vector<16xf32>,
    %bitcast3A_311 = vector.bitcast %get3A_310 : vector<16xf32> to vector<16xi32>
    %add3A_312 = arith.constant 32768 : i32
    %add3A_313 = vector.broadcast %add3A_312 : i32 to vector<16xi32>
    %add3A_314 = arith.addi %bitcast3A_311, %add3A_313 : vector<16xi32>
    %and3A_315 = arith.constant -65536 : i32
    %and3A_316 = vector.broadcast %and3A_315 : i32 to vector<16xi32>
    %and3A_317 = arith.andi %add3A_314, %and3A_316 : vector<16xi32>
    %bitcast3A_318 = vector.bitcast %and3A_317 : vector<16xi32> to vector<16xf32>
    %swap3A_319 = arith.constant 1 : i32
    %swap3A_320 = arith.index_cast %swap3A_319 : i32 to index
    %swap3A_321 = arith.constant 16 : index
    %swap3A_322 = tpu.vector_load %arg7[%swap3A_320, %swap3A_321] {strides = array<i32>} : memref<5x256xf32, #tpu.memory_space<vmem>>, vector<16xf32>,
    tpu.vector_store %arg7[%swap3A_320, %swap3A_321], %bitcast3A_318 {strides = array<i32>} : memref<5x256xf32, #tpu.memory_space<vmem>>, vector<16xf32>,
    %get3A_323 = arith.constant 1 : i32
    %get3A_324 = arith.index_cast %get3A_323 : i32 to index
    %get3A_325 = arith.constant 32 : index
    %get3A_326 = tpu.vector_load %arg6[%get3A_324, %get3A_325] {strides = array<i32>} : memref<5x256xf32, #tpu.memory_space<vmem>>, vector<16xf32>,
    %bitcast3A_327 = vector.bitcast %get3A_326 : vector<16xf32> to vector<16xi32>
    %add3A_328 = arith.constant 32768 : i32
    %add3A_329 = vector.broadcast %add3A_328 : i32 to vector<16xi32>
    %add3A_330 = arith.addi %bitcast3A_327, %add3A_329 : vector<16xi32>
    %and3A_331 = arith.constant -65536 : i32
    %and3A_332 = vector.broadcast %and3A_331 : i32 to vector<16xi32>
    %and3A_333 = arith.andi %add3A_330, %and3A_332 : vector<16xi32>
    %bitcast3A_334 = vector.bitcast %and3A_333 : vector<16xi32> to vector<16xf32>
    %swap3A_335 = arith.constant 1 : i32
    %swap3A_336 = arith.index_cast %swap3A_335 : i32 to index
    %swap3A_337 = arith.constant 32 : index
    %swap3A_338 = tpu.vector_load %arg7[%swap3A_336, %swap3A_337] {strides = array<i32>} : memref<5x256xf32, #tpu.memory_space<vmem>>, vector<16xf32>,
    tpu.vector_store %arg7[%swap3A_336, %swap3A_337], %bitcast3A_334 {strides = array<i32>} : memref<5x256xf32, #tpu.memory_space<vmem>>, vector<16xf32>,
    %get3A_339 = arith.constant 1 : i32
    %get3A_340 = arith.index_cast %get3A_339 : i32 to index
    %get3A_341 = arith.constant 48 : index
    %get3A_342 = tpu.vector_load %arg6[%get3A_340, %get3A_341] {strides = array<i32>} : memref<5x256xf32, #tpu.memory_space<vmem>>, vector<16xf32>,
    %bitcast3A_343 = vector.bitcast %get3A_342 : vector<16xf32> to vector<16xi32>
    %add3A_344 = arith.constant 32768 : i32
    %add3A_345 = vector.broadcast %add3A_344 : i32 to vector<16xi32>
    %add3A_346 = arith.addi %bitcast3A_343, %add3A_345 : vector<16xi32>
    %and3A_347 = arith.constant -65536 : i32
    %and3A_348 = vector.broadcast %and3A_347 : i32 to vector<16xi32>
    %and3A_349 = arith.andi %add3A_346, %and3A_348 : vector<16xi32>
    %bitcast3A_350 = vector.bitcast %and3A_349 : vector<16xi32> to vector<16xf32>
    %swap3A_351 = arith.constant 1 : i32
    %swap3A_352 = arith.index_cast %swap3A_351 : i32 to index
    %swap3A_353 = arith.constant 48 : index
    %swap3A_354 = tpu.vector_load %arg7[%swap3A_352, %swap3A_353] {strides = array<i32>} : memref<5x256xf32, #tpu.memory_space<vmem>>, vector<16xf32>,
    tpu.vector_store %arg7[%swap3A_352, %swap3A_353], %bitcast3A_350 {strides = array<i32>} : memref<5x256xf32, #tpu.memory_space<vmem>>, vector<16xf32>,
    %get3A_355 = arith.constant 1 : i32
    %get3A_356 = arith.index_cast %get3A_355 : i32 to index
    %get3A_357 = arith.constant 64 : index
    %get3A_358 = tpu.vector_load %arg6[%get3A_356, %get3A_357] {strides = array<i32>} : memref<5x256xf32, #tpu.memory_space<vmem>>, vector<16xf32>,
    %bitcast3A_359 = vector.bitcast %get3A_358 : vector<16xf32> to vector<16xi32>
    %add3A_360 = arith.constant 32768 : i32
    %add3A_361 = vector.broadcast %add3A_360 : i32 to vector<16xi32>
    %add3A_362 = arith.addi %bitcast3A_359, %add3A_361 : vector<16xi32>
    %and3A_363 = arith.constant -65536 : i32
    %and3A_364 = vector.broadcast %and3A_363 : i32 to vector<16xi32>
    %and3A_365 = arith.andi %add3A_362, %and3A_364 : vector<16xi32>
    %bitcast3A_366 = vector.bitcast %and3A_365 : vector<16xi32> to vector<16xf32>
    %swap3A_367 = arith.constant 1 : i32
    %swap3A_368 = arith.index_cast %swap3A_367 : i32 to index
    %swap3A_369 = arith.constant 64 : index
    %swap3A_370 = tpu.vector_load %arg7[%swap3A_368, %swap3A_369] {strides = array<i32>} : memref<5x256xf32, #tpu.memory_space<vmem>>, vector<16xf32>,
    tpu.vector_store %arg7[%swap3A_368, %swap3A_369], %bitcast3A_366 {strides = array<i32>} : memref<5x256xf32, #tpu.memory_space<vmem>>, vector<16xf32>,
    %get3A_371 = arith.constant 1 : i32
    %get3A_372 = arith.index_cast %get3A_371 : i32 to index
    %get3A_373 = arith.constant 80 : index
    %get3A_374 = tpu.vector_load %arg6[%get3A_372, %get3A_373] {strides = array<i32>} : memref<5x256xf32, #tpu.memory_space<vmem>>, vector<16xf32>,
    %bitcast3A_375 = vector.bitcast %get3A_374 : vector<16xf32> to vector<16xi32>
    %add3A_376 = arith.constant 32768 : i32
    %add3A_377 = vector.broadcast %add3A_376 : i32 to vector<16xi32>
    %add3A_378 = arith.addi %bitcast3A_375, %add3A_377 : vector<16xi32>
    %and3A_379 = arith.constant -65536 : i32
    %and3A_380 = vector.broadcast %and3A_379 : i32 to vector<16xi32>
    %and3A_381 = arith.andi %add3A_378, %and3A_380 : vector<16xi32>
    %bitcast3A_382 = vector.bitcast %and3A_381 : vector<16xi32> to vector<16xf32>
    %swap3A_383 = arith.constant 1 : i32
    %swap3A_384 = arith.index_cast %swap3A_383 : i32 to index
    %swap3A_385 = arith.constant 80 : index
    %swap3A_386 = tpu.vector_load %arg7[%swap3A_384, %swap3A_385] {strides = array<i32>} : memref<5x256xf32, #tpu.memory_space<vmem>>, vector<16xf32>,
    tpu.vector_store %arg7[%swap3A_384, %swap3A_385], %bitcast3A_382 {strides = array<i32>} : memref<5x256xf32, #tpu.memory_space<vmem>>, vector<16xf32>,
    %get3A_387 = arith.constant 1 : i32
    %get3A_388 = arith.index_cast %get3A_387 : i32 to index
    %get3A_389 = arith.constant 96 : index
    %get3A_390 = tpu.vector_load %arg6[%get3A_388, %get3A_389] {strides = array<i32>} : memref<5x256xf32, #tpu.memory_space<vmem>>, vector<16xf32>,
    %bitcast3A_391 = vector.bitcast %get3A_390 : vector<16xf32> to vector<16xi32>
    %add3A_392 = arith.constant 32768 : i32
    %add3A_393 = vector.broadcast %add3A_392 : i32 to vector<16xi32>
    %add3A_394 = arith.addi %bitcast3A_391, %add3A_393 : vector<16xi32>
    %and3A_395 = arith.constant -65536 : i32
    %and3A_396 = vector.broadcast %and3A_395 : i32 to vector<16xi32>
    %and3A_397 = arith.andi %add3A_394, %and3A_396 : vector<16xi32>
    %bitcast3A_398 = vector.bitcast %and3A_397 : vector<16xi32> to vector<16xf32>
    %swap3A_399 = arith.constant 1 : i32
    %swap3A_400 = arith.index_cast %swap3A_399 : i32 to index
    %swap3A_401 = arith.constant 96 : index
    %swap3A_402 = tpu.vector_load %arg7[%swap3A_400, %swap3A_401] {strides = array<i32>} : memref<5x256xf32, #tpu.memory_space<vmem>>, vector<16xf32>,
    tpu.vector_store %arg7[%swap3A_400, %swap3A_401], %bitcast3A_398 {strides = array<i32>} : memref<5x256xf32, #tpu.memory_space<vmem>>, vector<16xf32>,
    %get3A_403 = arith.constant 1 : i32
    %get3A_404 = arith.index_cast %get3A_403 : i32 to index
    %get3A_405 = arith.constant 112 : index
    %get3A_406 = tpu.vector_load %arg6[%get3A_404, %get3A_405] {strides = array<i32>} : memref<5x256xf32, #tpu.memory_space<vmem>>, vector<16xf32>,
    %bitcast3A_407 = vector.bitcast %get3A_406 : vector<16xf32> to vector<16xi32>
    %add3A_408 = arith.constant 32768 : i32
    %add3A_409 = vector.broadcast %add3A_408 : i32 to vector<16xi32>
    %add3A_410 = arith.addi %bitcast3A_407, %add3A_409 : vector<16xi32>
    %and3A_411 = arith.constant -65536 : i32
    %and3A_412 = vector.broadcast %and3A_411 : i32 to vector<16xi32>
    %and3A_413 = arith.andi %add3A_410, %and3A_412 : vector<16xi32>
    %bitcast3A_414 = vector.bitcast %and3A_413 : vector<16xi32> to vector<16xf32>
    %swap3A_415 = arith.constant 1 : i32
    %swap3A_416 = arith.index_cast %swap3A_415 : i32 to index
    %swap3A_417 = arith.constant 112 : index
    %swap3A_418 = tpu.vector_load %arg7[%swap3A_416, %swap3A_417] {strides = array<i32>} : memref<5x256xf32, #tpu.memory_space<vmem>>, vector<16xf32>,
    tpu.vector_store %arg7[%swap3A_416, %swap3A_417], %bitcast3A_414 {strides = array<i32>} : memref<5x256xf32, #tpu.memory_space<vmem>>, vector<16xf32>,
    %get3A_419 = arith.constant 1 : i32
    %get3A_420 = arith.index_cast %get3A_419 : i32 to index
    %get3A_421 = arith.constant 128 : index
    %get3A_422 = tpu.vector_load %arg6[%get3A_420, %get3A_421] {strides = array<i32>} : memref<5x256xf32, #tpu.memory_space<vmem>>, vector<16xf32>,
    %bitcast3A_423 = vector.bitcast %get3A_422 : vector<16xf32> to vector<16xi32>
    %add3A_424 = arith.constant 32768 : i32
    %add3A_425 = vector.broadcast %add3A_424 : i32 to vector<16xi32>
    %add3A_426 = arith.addi %bitcast3A_423, %add3A_425 : vector<16xi32>
    %and3A_427 = arith.constant -65536 : i32
    %and3A_428 = vector.broadcast %and3A_427 : i32 to vector<16xi32>
    %and3A_429 = arith.andi %add3A_426, %and3A_428 : vector<16xi32>
    %bitcast3A_430 = vector.bitcast %and3A_429 : vector<16xi32> to vector<16xf32>
    %swap3A_431 = arith.constant 1 : i32
    %swap3A_432 = arith.index_cast %swap3A_431 : i32 to index
    %swap3A_433 = arith.constant 128 : index
    %swap3A_434 = tpu.vector_load %arg7[%swap3A_432, %swap3A_433] {strides = array<i32>} : memref<5x256xf32, #tpu.memory_space<vmem>>, vector<16xf32>,
    tpu.vector_store %arg7[%swap3A_432, %swap3A_433], %bitcast3A_430 {strides = array<i32>} : memref<5x256xf32, #tpu.memory_space<vmem>>, vector<16xf32>,
    %get3A_435 = arith.constant 1 : i32
    %get3A_436 = arith.index_cast %get3A_435 : i32 to index
    %get3A_437 = arith.constant 144 : index
    %get3A_438 = tpu.vector_load %arg6[%get3A_436, %get3A_437] {strides = array<i32>} : memref<5x256xf32, #tpu.memory_space<vmem>>, vector<16xf32>,
    %bitcast3A_439 = vector.bitcast %get3A_438 : vector<16xf32> to vector<16xi32>
    %add3A_440 = arith.constant 32768 : i32
    %add3A_441 = vector.broadcast %add3A_440 : i32 to vector<16xi32>
    %add3A_442 = arith.addi %bitcast3A_439, %add3A_441 : vector<16xi32>
    %and3A_443 = arith.constant -65536 : i32
    %and3A_444 = vector.broadcast %and3A_443 : i32 to vector<16xi32>
    %and3A_445 = arith.andi %add3A_442, %and3A_444 : vector<16xi32>
    %bitcast3A_446 = vector.bitcast %and3A_445 : vector<16xi32> to vector<16xf32>
    %swap3A_447 = arith.constant 1 : i32
    %swap3A_448 = arith.index_cast %swap3A_447 : i32 to index
    %swap3A_449 = arith.constant 144 : index
    %swap3A_450 = tpu.vector_load %arg7[%swap3A_448, %swap3A_449] {strides = array<i32>} : memref<5x256xf32, #tpu.memory_space<vmem>>, vector<16xf32>,
    tpu.vector_store %arg7[%swap3A_448, %swap3A_449], %bitcast3A_446 {strides = array<i32>} : memref<5x256xf32, #tpu.memory_space<vmem>>, vector<16xf32>,
    %get3A_451 = arith.constant 1 : i32
    %get3A_452 = arith.index_cast %get3A_451 : i32 to index
    %get3A_453 = arith.constant 160 : index
    %get3A_454 = tpu.vector_load %arg6[%get3A_452, %get3A_453] {strides = array<i32>} : memref<5x256xf32, #tpu.memory_space<vmem>>, vector<16xf32>,
    %bitcast3A_455 = vector.bitcast %get3A_454 : vector<16xf32> to vector<16xi32>
    %add3A_456 = arith.constant 32768 : i32
    %add3A_457 = vector.broadcast %add3A_456 : i32 to vector<16xi32>
    %add3A_458 = arith.addi %bitcast3A_455, %add3A_457 : vector<16xi32>
    %and3A_459 = arith.constant -65536 : i32
    %and3A_460 = vector.broadcast %and3A_459 : i32 to vector<16xi32>
    %and3A_461 = arith.andi %add3A_458, %and3A_460 : vector<16xi32>
    %bitcast3A_462 = vector.bitcast %and3A_461 : vector<16xi32> to vector<16xf32>
    %swap3A_463 = arith.constant 1 : i32
    %swap3A_464 = arith.index_cast %swap3A_463 : i32 to index
    %swap3A_465 = arith.constant 160 : index
    %swap3A_466 = tpu.vector_load %arg7[%swap3A_464, %swap3A_465] {strides = array<i32>} : memref<5x256xf32, #tpu.memory_space<vmem>>, vector<16xf32>,
    tpu.vector_store %arg7[%swap3A_464, %swap3A_465], %bitcast3A_462 {strides = array<i32>} : memref<5x256xf32, #tpu.memory_space<vmem>>, vector<16xf32>,
    %get3A_467 = arith.constant 1 : i32
    %get3A_468 = arith.index_cast %get3A_467 : i32 to index
    %get3A_469 = arith.constant 176 : index
    %get3A_470 = tpu.vector_load %arg6[%get3A_468, %get3A_469] {strides = array<i32>} : memref<5x256xf32, #tpu.memory_space<vmem>>, vector<16xf32>,
    %bitcast3A_471 = vector.bitcast %get3A_470 : vector<16xf32> to vector<16xi32>
    %add3A_472 = arith.constant 32768 : i32
    %add3A_473 = vector.broadcast %add3A_472 : i32 to vector<16xi32>
    %add3A_474 = arith.addi %bitcast3A_471, %add3A_473 : vector<16xi32>
    %and3A_475 = arith.constant -65536 : i32
    %and3A_476 = vector.broadcast %and3A_475 : i32 to vector<16xi32>
    %and3A_477 = arith.andi %add3A_474, %and3A_476 : vector<16xi32>
    %bitcast3A_478 = vector.bitcast %and3A_477 : vector<16xi32> to vector<16xf32>
    %swap3A_479 = arith.constant 1 : i32
    %swap3A_480 = arith.index_cast %swap3A_479 : i32 to index
    %swap3A_481 = arith.constant 176 : index
    %swap3A_482 = tpu.vector_load %arg7[%swap3A_480, %swap3A_481] {strides = array<i32>} : memref<5x256xf32, #tpu.memory_space<vmem>>, vector<16xf32>,
    tpu.vector_store %arg7[%swap3A_480, %swap3A_481], %bitcast3A_478 {strides = array<i32>} : memref<5x256xf32, #tpu.memory_space<vmem>>, vector<16xf32>,
    %get3A_483 = arith.constant 1 : i32
    %get3A_484 = arith.index_cast %get3A_483 : i32 to index
    %get3A_485 = arith.constant 192 : index
    %get3A_486 = tpu.vector_load %arg6[%get3A_484, %get3A_485] {strides = array<i32>} : memref<5x256xf32, #tpu.memory_space<vmem>>, vector<16xf32>,
    %bitcast3A_487 = vector.bitcast %get3A_486 : vector<16xf32> to vector<16xi32>
    %add3A_488 = arith.constant 32768 : i32
    %add3A_489 = vector.broadcast %add3A_488 : i32 to vector<16xi32>
    %add3A_490 = arith.addi %bitcast3A_487, %add3A_489 : vector<16xi32>
    %and3A_491 = arith.constant -65536 : i32
    %and3A_492 = vector.broadcast %and3A_491 : i32 to vector<16xi32>
    %and3A_493 = arith.andi %add3A_490, %and3A_492 : vector<16xi32>
    %bitcast3A_494 = vector.bitcast %and3A_493 : vector<16xi32> to vector<16xf32>
    %swap3A_495 = arith.constant 1 : i32
    %swap3A_496 = arith.index_cast %swap3A_495 : i32 to index
    %swap3A_497 = arith.constant 192 : index
    %swap3A_498 = tpu.vector_load %arg7[%swap3A_496, %swap3A_497] {strides = array<i32>} : memref<5x256xf32, #tpu.memory_space<vmem>>, vector<16xf32>,
    tpu.vector_store %arg7[%swap3A_496, %swap3A_497], %bitcast3A_494 {strides = array<i32>} : memref<5x256xf32, #tpu.memory_space<vmem>>, vector<16xf32>,
    %get3A_499 = arith.constant 1 : i32
    %get3A_500 = arith.index_cast %get3A_499 : i32 to index
    %get3A_501 = arith.constant 208 : index
    %get3A_502 = tpu.vector_load %arg6[%get3A_500, %get3A_501] {strides = array<i32>} : memref<5x256xf32, #tpu.memory_space<vmem>>, vector<16xf32>,
    %bitcast3A_503 = vector.bitcast %get3A_502 : vector<16xf32> to vector<16xi32>
    %add3A_504 = arith.constant 32768 : i32
    %add3A_505 = vector.broadcast %add3A_504 : i32 to vector<16xi32>
    %add3A_506 = arith.addi %bitcast3A_503, %add3A_505 : vector<16xi32>
    %and3A_507 = arith.constant -65536 : i32
    %and3A_508 = vector.broadcast %and3A_507 : i32 to vector<16xi32>
    %and3A_509 = arith.andi %add3A_506, %and3A_508 : vector<16xi32>
    %bitcast3A_510 = vector.bitcast %and3A_509 : vector<16xi32> to vector<16xf32>
    %swap3A_511 = arith.constant 1 : i32
    %swap3A_512 = arith.index_cast %swap3A_511 : i32 to index
    %swap3A_513 = arith.constant 208 : index
    %swap3A_514 = tpu.vector_load %arg7[%swap3A_512, %swap3A_513] {strides = array<i32>} : memref<5x256xf32, #tpu.memory_space<vmem>>, vector<16xf32>,
    tpu.vector_store %arg7[%swap3A_512, %swap3A_513], %bitcast3A_510 {strides = array<i32>} : memref<5x256xf32, #tpu.memory_space<vmem>>, vector<16xf32>,
    %get3A_515 = arith.constant 1 : i32
    %get3A_516 = arith.index_cast %get3A_515 : i32 to index
    %get3A_517 = arith.constant 224 : index
    %get3A_518 = tpu.vector_load %arg6[%get3A_516, %get3A_517] {strides = array<i32>} : memref<5x256xf32, #tpu.memory_space<vmem>>, vector<16xf32>,
    %bitcast3A_519 = vector.bitcast %get3A_518 : vector<16xf32> to vector<16xi32>
    %add3A_520 = arith.constant 32768 : i32
    %add3A_521 = vector.broadcast %add3A_520 : i32 to vector<16xi32>
    %add3A_522 = arith.addi %bitcast3A_519, %add3A_521 : vector<16xi32>
    %and3A_523 = arith.constant -65536 : i32
    %and3A_524 = vector.broadcast %and3A_523 : i32 to vector<16xi32>
    %and3A_525 = arith.andi %add3A_522, %and3A_524 : vector<16xi32>
    %bitcast3A_526 = vector.bitcast %and3A_525 : vector<16xi32> to vector<16xf32>
    %swap3A_527 = arith.constant 1 : i32
    %swap3A_528 = arith.index_cast %swap3A_527 : i32 to index
    %swap3A_529 = arith.constant 224 : index
    %swap3A_530 = tpu.vector_load %arg7[%swap3A_528, %swap3A_529] {strides = array<i32>} : memref<5x256xf32, #tpu.memory_space<vmem>>, vector<16xf32>,
    tpu.vector_store %arg7[%swap3A_528, %swap3A_529], %bitcast3A_526 {strides = array<i32>} : memref<5x256xf32, #tpu.memory_space<vmem>>, vector<16xf32>,
    %get3A_531 = arith.constant 1 : i32
    %get3A_532 = arith.index_cast %get3A_531 : i32 to index
    %get3A_533 = arith.constant 240 : index
    %get3A_534 = tpu.vector_load %arg6[%get3A_532, %get3A_533] {strides = array<i32>} : memref<5x256xf32, #tpu.memory_space<vmem>>, vector<16xf32>,
    %bitcast3A_535 = vector.bitcast %get3A_534 : vector<16xf32> to vector<16xi32>
    %add3A_536 = arith.constant 32768 : i32
    %add3A_537 = vector.broadcast %add3A_536 : i32 to vector<16xi32>
    %add3A_538 = arith.addi %bitcast3A_535, %add3A_537 : vector<16xi32>
    %and3A_539 = arith.constant -65536 : i32
    %and3A_540 = vector.broadcast %and3A_539 : i32 to vector<16xi32>
    %and3A_541 = arith.andi %add3A_538, %and3A_540 : vector<16xi32>
    %bitcast3A_542 = vector.bitcast %and3A_541 : vector<16xi32> to vector<16xf32>
    %swap3A_543 = arith.constant 1 : i32
    %swap3A_544 = arith.index_cast %swap3A_543 : i32 to index
    %swap3A_545 = arith.constant 240 : index
    %swap3A_546 = tpu.vector_load %arg7[%swap3A_544, %swap3A_545] {strides = array<i32>} : memref<5x256xf32, #tpu.memory_space<vmem>>, vector<16xf32>,
    tpu.vector_store %arg7[%swap3A_544, %swap3A_545], %bitcast3A_542 {strides = array<i32>} : memref<5x256xf32, #tpu.memory_space<vmem>>, vector<16xf32>,
    %get3A_547 = arith.constant 2 : i32
    %get3A_548 = arith.index_cast %get3A_547 : i32 to index
    %get3A_549 = arith.constant 0 : index
    %get3A_550 = tpu.vector_load %arg6[%get3A_548, %get3A_549] {strides = array<i32>} : memref<5x256xf32, #tpu.memory_space<vmem>>, vector<16xf32>,
    %bitcast3A_551 = vector.bitcast %get3A_550 : vector<16xf32> to vector<16xi32>
    %add3A_552 = arith.constant 32768 : i32
    %add3A_553 = vector.broadcast %add3A_552 : i32 to vector<16xi32>
    %add3A_554 = arith.addi %bitcast3A_551, %add3A_553 : vector<16xi32>
    %and3A_555 = arith.constant -65536 : i32
    %and3A_556 = vector.broadcast %and3A_555 : i32 to vector<16xi32>
    %and3A_557 = arith.andi %add3A_554, %and3A_556 : vector<16xi32>
    %bitcast3A_558 = vector.bitcast %and3A_557 : vector<16xi32> to vector<16xf32>
    %swap3A_559 = arith.constant 2 : i32
    %swap3A_560 = arith.index_cast %swap3A_559 : i32 to index
    %swap3A_561 = arith.constant 0 : index
    %swap3A_562 = tpu.vector_load %arg7[%swap3A_560, %swap3A_561] {strides = array<i32>} : memref<5x256xf32, #tpu.memory_space<vmem>>, vector<16xf32>,
    tpu.vector_store %arg7[%swap3A_560, %swap3A_561], %bitcast3A_558 {strides = array<i32>} : memref<5x256xf32, #tpu.memory_space<vmem>>, vector<16xf32>,
    %get3A_563 = arith.constant 2 : i32
    %get3A_564 = arith.index_cast %get3A_563 : i32 to index
    %get3A_565 = arith.constant 16 : index
    %get3A_566 = tpu.vector_load %arg6[%get3A_564, %get3A_565] {strides = array<i32>} : memref<5x256xf32, #tpu.memory_space<vmem>>, vector<16xf32>,
    %bitcast3A_567 = vector.bitcast %get3A_566 : vector<16xf32> to vector<16xi32>
    %add3A_568 = arith.constant 32768 : i32
    %add3A_569 = vector.broadcast %add3A_568 : i32 to vector<16xi32>
    %add3A_570 = arith.addi %bitcast3A_567, %add3A_569 : vector<16xi32>
    %and3A_571 = arith.constant -65536 : i32
    %and3A_572 = vector.broadcast %and3A_571 : i32 to vector<16xi32>
    %and3A_573 = arith.andi %add3A_570, %and3A_572 : vector<16xi32>
    %bitcast3A_574 = vector.bitcast %and3A_573 : vector<16xi32> to vector<16xf32>
    %swap3A_575 = arith.constant 2 : i32
    %swap3A_576 = arith.index_cast %swap3A_575 : i32 to index
    %swap3A_577 = arith.constant 16 : index
    %swap3A_578 = tpu.vector_load %arg7[%swap3A_576, %swap3A_577] {strides = array<i32>} : memref<5x256xf32, #tpu.memory_space<vmem>>, vector<16xf32>,
    tpu.vector_store %arg7[%swap3A_576, %swap3A_577], %bitcast3A_574 {strides = array<i32>} : memref<5x256xf32, #tpu.memory_space<vmem>>, vector<16xf32>,
    %get3A_579 = arith.constant 2 : i32
    %get3A_580 = arith.index_cast %get3A_579 : i32 to index
    %get3A_581 = arith.constant 32 : index
    %get3A_582 = tpu.vector_load %arg6[%get3A_580, %get3A_581] {strides = array<i32>} : memref<5x256xf32, #tpu.memory_space<vmem>>, vector<16xf32>,
    %bitcast3A_583 = vector.bitcast %get3A_582 : vector<16xf32> to vector<16xi32>
    %add3A_584 = arith.constant 32768 : i32
    %add3A_585 = vector.broadcast %add3A_584 : i32 to vector<16xi32>
    %add3A_586 = arith.addi %bitcast3A_583, %add3A_585 : vector<16xi32>
    %and3A_587 = arith.constant -65536 : i32
    %and3A_588 = vector.broadcast %and3A_587 : i32 to vector<16xi32>
    %and3A_589 = arith.andi %add3A_586, %and3A_588 : vector<16xi32>
    %bitcast3A_590 = vector.bitcast %and3A_589 : vector<16xi32> to vector<16xf32>
    %swap3A_591 = arith.constant 2 : i32
    %swap3A_592 = arith.index_cast %swap3A_591 : i32 to index
    %swap3A_593 = arith.constant 32 : index
    %swap3A_594 = tpu.vector_load %arg7[%swap3A_592, %swap3A_593] {strides = array<i32>} : memref<5x256xf32, #tpu.memory_space<vmem>>, vector<16xf32>,
    tpu.vector_store %arg7[%swap3A_592, %swap3A_593], %bitcast3A_590 {strides = array<i32>} : memref<5x256xf32, #tpu.memory_space<vmem>>, vector<16xf32>,
    %get3A_595 = arith.constant 2 : i32
    %get3A_596 = arith.index_cast %get3A_595 : i32 to index
    %get3A_597 = arith.constant 48 : index
    %get3A_598 = tpu.vector_load %arg6[%get3A_596, %get3A_597] {strides = array<i32>} : memref<5x256xf32, #tpu.memory_space<vmem>>, vector<16xf32>,
    %bitcast3A_599 = vector.bitcast %get3A_598 : vector<16xf32> to vector<16xi32>
    %add3A_600 = arith.constant 32768 : i32
    %add3A_601 = vector.broadcast %add3A_600 : i32 to vector<16xi32>
    %add3A_602 = arith.addi %bitcast3A_599, %add3A_601 : vector<16xi32>
    %and3A_603 = arith.constant -65536 : i32
    %and3A_604 = vector.broadcast %and3A_603 : i32 to vector<16xi32>
    %and3A_605 = arith.andi %add3A_602, %and3A_604 : vector<16xi32>
    %bitcast3A_606 = vector.bitcast %and3A_605 : vector<16xi32> to vector<16xf32>
    %swap3A_607 = arith.constant 2 : i32
    %swap3A_608 = arith.index_cast %swap3A_607 : i32 to index
    %swap3A_609 = arith.constant 48 : index
    %swap3A_610 = tpu.vector_load %arg7[%swap3A_608, %swap3A_609] {strides = array<i32>} : memref<5x256xf32, #tpu.memory_space<vmem>>, vector<16xf32>,
    tpu.vector_store %arg7[%swap3A_608, %swap3A_609], %bitcast3A_606 {strides = array<i32>} : memref<5x256xf32, #tpu.memory_space<vmem>>, vector<16xf32>,
    %get3A_611 = arith.constant 2 : i32
    %get3A_612 = arith.index_cast %get3A_611 : i32 to index
    %get3A_613 = arith.constant 64 : index
    %get3A_614 = tpu.vector_load %arg6[%get3A_612, %get3A_613] {strides = array<i32>} : memref<5x256xf32, #tpu.memory_space<vmem>>, vector<16xf32>,
    %bitcast3A_615 = vector.bitcast %get3A_614 : vector<16xf32> to vector<16xi32>
    %add3A_616 = arith.constant 32768 : i32
    %add3A_617 = vector.broadcast %add3A_616 : i32 to vector<16xi32>
    %add3A_618 = arith.addi %bitcast3A_615, %add3A_617 : vector<16xi32>
    %and3A_619 = arith.constant -65536 : i32
    %and3A_620 = vector.broadcast %and3A_619 : i32 to vector<16xi32>
    %and3A_621 = arith.andi %add3A_618, %and3A_620 : vector<16xi32>
    %bitcast3A_622 = vector.bitcast %and3A_621 : vector<16xi32> to vector<16xf32>
    %swap3A_623 = arith.constant 2 : i32
    %swap3A_624 = arith.index_cast %swap3A_623 : i32 to index
    %swap3A_625 = arith.constant 64 : index
    %swap3A_626 = tpu.vector_load %arg7[%swap3A_624, %swap3A_625] {strides = array<i32>} : memref<5x256xf32, #tpu.memory_space<vmem>>, vector<16xf32>,
    tpu.vector_store %arg7[%swap3A_624, %swap3A_625], %bitcast3A_622 {strides = array<i32>} : memref<5x256xf32, #tpu.memory_space<vmem>>, vector<16xf32>,
    %get3A_627 = arith.constant 2 : i32
    %get3A_628 = arith.index_cast %get3A_627 : i32 to index
    %get3A_629 = arith.constant 80 : index
    %get3A_630 = tpu.vector_load %arg6[%get3A_628, %get3A_629] {strides = array<i32>} : memref<5x256xf32, #tpu.memory_space<vmem>>, vector<16xf32>,
    %bitcast3A_631 = vector.bitcast %get3A_630 : vector<16xf32> to vector<16xi32>
    %add3A_632 = arith.constant 32768 : i32
    %add3A_633 = vector.broadcast %add3A_632 : i32 to vector<16xi32>
    %add3A_634 = arith.addi %bitcast3A_631, %add3A_633 : vector<16xi32>
    %and3A_635 = arith.constant -65536 : i32
    %and3A_636 = vector.broadcast %and3A_635 : i32 to vector<16xi32>
    %and3A_637 = arith.andi %add3A_634, %and3A_636 : vector<16xi32>
    %bitcast3A_638 = vector.bitcast %and3A_637 : vector<16xi32> to vector<16xf32>
    %swap3A_639 = arith.constant 2 : i32
    %swap3A_640 = arith.index_cast %swap3A_639 : i32 to index
    %swap3A_641 = arith.constant 80 : index
    %swap3A_642 = tpu.vector_load %arg7[%swap3A_640, %swap3A_641] {strides = array<i32>} : memref<5x256xf32, #tpu.memory_space<vmem>>, vector<16xf32>,
    tpu.vector_store %arg7[%swap3A_640, %swap3A_641], %bitcast3A_638 {strides = array<i32>} : memref<5x256xf32, #tpu.memory_space<vmem>>, vector<16xf32>,
    %get3A_643 = arith.constant 2 : i32
    %get3A_644 = arith.index_cast %get3A_643 : i32 to index
    %get3A_645 = arith.constant 96 : index
    %get3A_646 = tpu.vector_load %arg6[%get3A_644, %get3A_645] {strides = array<i32>} : memref<5x256xf32, #tpu.memory_space<vmem>>, vector<16xf32>,
    %bitcast3A_647 = vector.bitcast %get3A_646 : vector<16xf32> to vector<16xi32>
    %add3A_648 = arith.constant 32768 : i32
    %add3A_649 = vector.broadcast %add3A_648 : i32 to vector<16xi32>
    %add3A_650 = arith.addi %bitcast3A_647, %add3A_649 : vector<16xi32>
    %and3A_651 = arith.constant -65536 : i32
    %and3A_652 = vector.broadcast %and3A_651 : i32 to vector<16xi32>
    %and3A_653 = arith.andi %add3A_650, %and3A_652 : vector<16xi32>
    %bitcast3A_654 = vector.bitcast %and3A_653 : vector<16xi32> to vector<16xf32>
    %swap3A_655 = arith.constant 2 : i32
    %swap3A_656 = arith.index_cast %swap3A_655 : i32 to index
    %swap3A_657 = arith.constant 96 : index
    %swap3A_658 = tpu.vector_load %arg7[%swap3A_656, %swap3A_657] {strides = array<i32>} : memref<5x256xf32, #tpu.memory_space<vmem>>, vector<16xf32>,
    tpu.vector_store %arg7[%swap3A_656, %swap3A_657], %bitcast3A_654 {strides = array<i32>} : memref<5x256xf32, #tpu.memory_space<vmem>>, vector<16xf32>,
    %get3A_659 = arith.constant 2 : i32
    %get3A_660 = arith.index_cast %get3A_659 : i32 to index
    %get3A_661 = arith.constant 112 : index
    %get3A_662 = tpu.vector_load %arg6[%get3A_660, %get3A_661] {strides = array<i32>} : memref<5x256xf32, #tpu.memory_space<vmem>>, vector<16xf32>,
    %bitcast3A_663 = vector.bitcast %get3A_662 : vector<16xf32> to vector<16xi32>
    %add3A_664 = arith.constant 32768 : i32
    %add3A_665 = vector.broadcast %add3A_664 : i32 to vector<16xi32>
    %add3A_666 = arith.addi %bitcast3A_663, %add3A_665 : vector<16xi32>
    %and3A_667 = arith.constant -65536 : i32
    %and3A_668 = vector.broadcast %and3A_667 : i32 to vector<16xi32>
    %and3A_669 = arith.andi %add3A_666, %and3A_668 : vector<16xi32>
    %bitcast3A_670 = vector.bitcast %and3A_669 : vector<16xi32> to vector<16xf32>
    %swap3A_671 = arith.constant 2 : i32
    %swap3A_672 = arith.index_cast %swap3A_671 : i32 to index
    %swap3A_673 = arith.constant 112 : index
    %swap3A_674 = tpu.vector_load %arg7[%swap3A_672, %swap3A_673] {strides = array<i32>} : memref<5x256xf32, #tpu.memory_space<vmem>>, vector<16xf32>,
    tpu.vector_store %arg7[%swap3A_672, %swap3A_673], %bitcast3A_670 {strides = array<i32>} : memref<5x256xf32, #tpu.memory_space<vmem>>, vector<16xf32>,
    %get3A_675 = arith.constant 2 : i32
    %get3A_676 = arith.index_cast %get3A_675 : i32 to index
    %get3A_677 = arith.constant 128 : index
    %get3A_678 = tpu.vector_load %arg6[%get3A_676, %get3A_677] {strides = array<i32>} : memref<5x256xf32, #tpu.memory_space<vmem>>, vector<16xf32>,
    %bitcast3A_679 = vector.bitcast %get3A_678 : vector<16xf32> to vector<16xi32>
    %add3A_680 = arith.constant 32768 : i32
    %add3A_681 = vector.broadcast %add3A_680 : i32 to vector<16xi32>
    %add3A_682 = arith.addi %bitcast3A_679, %add3A_681 : vector<16xi32>
    %and3A_683 = arith.constant -65536 : i32
    %and3A_684 = vector.broadcast %and3A_683 : i32 to vector<16xi32>
    %and3A_685 = arith.andi %add3A_682, %and3A_684 : vector<16xi32>
    %bitcast3A_686 = vector.bitcast %and3A_685 : vector<16xi32> to vector<16xf32>
    %swap3A_687 = arith.constant 2 : i32
    %swap3A_688 = arith.index_cast %swap3A_687 : i32 to index
    %swap3A_689 = arith.constant 128 : index
    %swap3A_690 = tpu.vector_load %arg7[%swap3A_688, %swap3A_689] {strides = array<i32>} : memref<5x256xf32, #tpu.memory_space<vmem>>, vector<16xf32>,
    tpu.vector_store %arg7[%swap3A_688, %swap3A_689], %bitcast3A_686 {strides = array<i32>} : memref<5x256xf32, #tpu.memory_space<vmem>>, vector<16xf32>,
    %get3A_691 = arith.constant 2 : i32
    %get3A_692 = arith.index_cast %get3A_691 : i32 to index
    %get3A_693 = arith.constant 144 : index
    %get3A_694 = tpu.vector_load %arg6[%get3A_692, %get3A_693] {strides = array<i32>} : memref<5x256xf32, #tpu.memory_space<vmem>>, vector<16xf32>,
    %bitcast3A_695 = vector.bitcast %get3A_694 : vector<16xf32> to vector<16xi32>
    %add3A_696 = arith.constant 32768 : i32
    %add3A_697 = vector.broadcast %add3A_696 : i32 to vector<16xi32>
    %add3A_698 = arith.addi %bitcast3A_695, %add3A_697 : vector<16xi32>
    %and3A_699 = arith.constant -65536 : i32
    %and3A_700 = vector.broadcast %and3A_699 : i32 to vector<16xi32>
    %and3A_701 = arith.andi %add3A_698, %and3A_700 : vector<16xi32>
    %bitcast3A_702 = vector.bitcast %and3A_701 : vector<16xi32> to vector<16xf32>
    %swap3A_703 = arith.constant 2 : i32
    %swap3A_704 = arith.index_cast %swap3A_703 : i32 to index
    %swap3A_705 = arith.constant 144 : index
    %swap3A_706 = tpu.vector_load %arg7[%swap3A_704, %swap3A_705] {strides = array<i32>} : memref<5x256xf32, #tpu.memory_space<vmem>>, vector<16xf32>,
    tpu.vector_store %arg7[%swap3A_704, %swap3A_705], %bitcast3A_702 {strides = array<i32>} : memref<5x256xf32, #tpu.memory_space<vmem>>, vector<16xf32>,
    %get3A_707 = arith.constant 2 : i32
    %get3A_708 = arith.index_cast %get3A_707 : i32 to index
    %get3A_709 = arith.constant 160 : index
    %get3A_710 = tpu.vector_load %arg6[%get3A_708, %get3A_709] {strides = array<i32>} : memref<5x256xf32, #tpu.memory_space<vmem>>, vector<16xf32>,
    %bitcast3A_711 = vector.bitcast %get3A_710 : vector<16xf32> to vector<16xi32>
    %add3A_712 = arith.constant 32768 : i32
    %add3A_713 = vector.broadcast %add3A_712 : i32 to vector<16xi32>
    %add3A_714 = arith.addi %bitcast3A_711, %add3A_713 : vector<16xi32>
    %and3A_715 = arith.constant -65536 : i32
    %and3A_716 = vector.broadcast %and3A_715 : i32 to vector<16xi32>
    %and3A_717 = arith.andi %add3A_714, %and3A_716 : vector<16xi32>
    %bitcast3A_718 = vector.bitcast %and3A_717 : vector<16xi32> to vector<16xf32>
    %swap3A_719 = arith.constant 2 : i32
    %swap3A_720 = arith.index_cast %swap3A_719 : i32 to index
    %swap3A_721 = arith.constant 160 : index
    %swap3A_722 = tpu.vector_load %arg7[%swap3A_720, %swap3A_721] {strides = array<i32>} : memref<5x256xf32, #tpu.memory_space<vmem>>, vector<16xf32>,
    tpu.vector_store %arg7[%swap3A_720, %swap3A_721], %bitcast3A_718 {strides = array<i32>} : memref<5x256xf32, #tpu.memory_space<vmem>>, vector<16xf32>,
    %get3A_723 = arith.constant 2 : i32
    %get3A_724 = arith.index_cast %get3A_723 : i32 to index
    %get3A_725 = arith.constant 176 : index
    %get3A_726 = tpu.vector_load %arg6[%get3A_724, %get3A_725] {strides = array<i32>} : memref<5x256xf32, #tpu.memory_space<vmem>>, vector<16xf32>,
    %bitcast3A_727 = vector.bitcast %get3A_726 : vector<16xf32> to vector<16xi32>
    %add3A_728 = arith.constant 32768 : i32
    %add3A_729 = vector.broadcast %add3A_728 : i32 to vector<16xi32>
    %add3A_730 = arith.addi %bitcast3A_727, %add3A_729 : vector<16xi32>
    %and3A_731 = arith.constant -65536 : i32
    %and3A_732 = vector.broadcast %and3A_731 : i32 to vector<16xi32>
    %and3A_733 = arith.andi %add3A_730, %and3A_732 : vector<16xi32>
    %bitcast3A_734 = vector.bitcast %and3A_733 : vector<16xi32> to vector<16xf32>
    %swap3A_735 = arith.constant 2 : i32
    %swap3A_736 = arith.index_cast %swap3A_735 : i32 to index
    %swap3A_737 = arith.constant 176 : index
    %swap3A_738 = tpu.vector_load %arg7[%swap3A_736, %swap3A_737] {strides = array<i32>} : memref<5x256xf32, #tpu.memory_space<vmem>>, vector<16xf32>,
    tpu.vector_store %arg7[%swap3A_736, %swap3A_737], %bitcast3A_734 {strides = array<i32>} : memref<5x256xf32, #tpu.memory_space<vmem>>, vector<16xf32>,
    %get3A_739 = arith.constant 2 : i32
    %get3A_740 = arith.index_cast %get3A_739 : i32 to index
    %get3A_741 = arith.constant 192 : index
    %get3A_742 = tpu.vector_load %arg6[%get3A_740, %get3A_741] {strides = array<i32>} : memref<5x256xf32, #tpu.memory_space<vmem>>, vector<16xf32>,
    %bitcast3A_743 = vector.bitcast %get3A_742 : vector<16xf32> to vector<16xi32>
    %add3A_744 = arith.constant 32768 : i32
    %add3A_745 = vector.broadcast %add3A_744 : i32 to vector<16xi32>
    %add3A_746 = arith.addi %bitcast3A_743, %add3A_745 : vector<16xi32>
    %and3A_747 = arith.constant -65536 : i32
    %and3A_748 = vector.broadcast %and3A_747 : i32 to vector<16xi32>
    %and3A_749 = arith.andi %add3A_746, %and3A_748 : vector<16xi32>
    %bitcast3A_750 = vector.bitcast %and3A_749 : vector<16xi32> to vector<16xf32>
    %swap3A_751 = arith.constant 2 : i32
    %swap3A_752 = arith.index_cast %swap3A_751 : i32 to index
    %swap3A_753 = arith.constant 192 : index
    %swap3A_754 = tpu.vector_load %arg7[%swap3A_752, %swap3A_753] {strides = array<i32>} : memref<5x256xf32, #tpu.memory_space<vmem>>, vector<16xf32>,
    tpu.vector_store %arg7[%swap3A_752, %swap3A_753], %bitcast3A_750 {strides = array<i32>} : memref<5x256xf32, #tpu.memory_space<vmem>>, vector<16xf32>,
    %get3A_755 = arith.constant 2 : i32
    %get3A_756 = arith.index_cast %get3A_755 : i32 to index
    %get3A_757 = arith.constant 208 : index
    %get3A_758 = tpu.vector_load %arg6[%get3A_756, %get3A_757] {strides = array<i32>} : memref<5x256xf32, #tpu.memory_space<vmem>>, vector<16xf32>,
    %bitcast3A_759 = vector.bitcast %get3A_758 : vector<16xf32> to vector<16xi32>
    %add3A_760 = arith.constant 32768 : i32
    %add3A_761 = vector.broadcast %add3A_760 : i32 to vector<16xi32>
    %add3A_762 = arith.addi %bitcast3A_759, %add3A_761 : vector<16xi32>
    %and3A_763 = arith.constant -65536 : i32
    %and3A_764 = vector.broadcast %and3A_763 : i32 to vector<16xi32>
    %and3A_765 = arith.andi %add3A_762, %and3A_764 : vector<16xi32>
    %bitcast3A_766 = vector.bitcast %and3A_765 : vector<16xi32> to vector<16xf32>
    %swap3A_767 = arith.constant 2 : i32
    %swap3A_768 = arith.index_cast %swap3A_767 : i32 to index
    %swap3A_769 = arith.constant 208 : index
    %swap3A_770 = tpu.vector_load %arg7[%swap3A_768, %swap3A_769] {strides = array<i32>} : memref<5x256xf32, #tpu.memory_space<vmem>>, vector<16xf32>,
    tpu.vector_store %arg7[%swap3A_768, %swap3A_769], %bitcast3A_766 {strides = array<i32>} : memref<5x256xf32, #tpu.memory_space<vmem>>, vector<16xf32>,
    %get3A_771 = arith.constant 2 : i32
    %get3A_772 = arith.index_cast %get3A_771 : i32 to index
    %get3A_773 = arith.constant 224 : index
    %get3A_774 = tpu.vector_load %arg6[%get3A_772, %get3A_773] {strides = array<i32>} : memref<5x256xf32, #tpu.memory_space<vmem>>, vector<16xf32>,
    %bitcast3A_775 = vector.bitcast %get3A_774 : vector<16xf32> to vector<16xi32>
    %add3A_776 = arith.constant 32768 : i32
    %add3A_777 = vector.broadcast %add3A_776 : i32 to vector<16xi32>
    %add3A_778 = arith.addi %bitcast3A_775, %add3A_777 : vector<16xi32>
    %and3A_779 = arith.constant -65536 : i32
    %and3A_780 = vector.broadcast %and3A_779 : i32 to vector<16xi32>
    %and3A_781 = arith.andi %add3A_778, %and3A_780 : vector<16xi32>
    %bitcast3A_782 = vector.bitcast %and3A_781 : vector<16xi32> to vector<16xf32>
    %swap3A_783 = arith.constant 2 : i32
    %swap3A_784 = arith.index_cast %swap3A_783 : i32 to index
    %swap3A_785 = arith.constant 224 : index
    %swap3A_786 = tpu.vector_load %arg7[%swap3A_784, %swap3A_785] {strides = array<i32>} : memref<5x256xf32, #tpu.memory_space<vmem>>, vector<16xf32>,
    tpu.vector_store %arg7[%swap3A_784, %swap3A_785], %bitcast3A_782 {strides = array<i32>} : memref<5x256xf32, #tpu.memory_space<vmem>>, vector<16xf32>,
    %get3A_787 = arith.constant 2 : i32
    %get3A_788 = arith.index_cast %get3A_787 : i32 to index
    %get3A_789 = arith.constant 240 : index
    %get3A_790 = tpu.vector_load %arg6[%get3A_788, %get3A_789] {strides = array<i32>} : memref<5x256xf32, #tpu.memory_space<vmem>>, vector<16xf32>,
    %bitcast3A_791 = vector.bitcast %get3A_790 : vector<16xf32> to vector<16xi32>
    %add3A_792 = arith.constant 32768 : i32
    %add3A_793 = vector.broadcast %add3A_792 : i32 to vector<16xi32>
    %add3A_794 = arith.addi %bitcast3A_791, %add3A_793 : vector<16xi32>
    %and3A_795 = arith.constant -65536 : i32
    %and3A_796 = vector.broadcast %and3A_795 : i32 to vector<16xi32>
    %and3A_797 = arith.andi %add3A_794, %and3A_796 : vector<16xi32>
    %bitcast3A_798 = vector.bitcast %and3A_797 : vector<16xi32> to vector<16xf32>
    %swap3A_799 = arith.constant 2 : i32
    %swap3A_800 = arith.index_cast %swap3A_799 : i32 to index
    %swap3A_801 = arith.constant 240 : index
    %swap3A_802 = tpu.vector_load %arg7[%swap3A_800, %swap3A_801] {strides = array<i32>} : memref<5x256xf32, #tpu.memory_space<vmem>>, vector<16xf32>,
    tpu.vector_store %arg7[%swap3A_800, %swap3A_801], %bitcast3A_798 {strides = array<i32>} : memref<5x256xf32, #tpu.memory_space<vmem>>, vector<16xf32>,
    %get3A_803 = arith.constant 3 : i32
    %get3A_804 = arith.index_cast %get3A_803 : i32 to index
    %get3A_805 = arith.constant 0 : index
    %get3A_806 = tpu.vector_load %arg6[%get3A_804, %get3A_805] {strides = array<i32>} : memref<5x256xf32, #tpu.memory_space<vmem>>, vector<16xf32>,
    %bitcast3A_807 = vector.bitcast %get3A_806 : vector<16xf32> to vector<16xi32>
    %add3A_808 = arith.constant 32768 : i32
    %add3A_809 = vector.broadcast %add3A_808 : i32 to vector<16xi32>
    %add3A_810 = arith.addi %bitcast3A_807, %add3A_809 : vector<16xi32>
    %and3A_811 = arith.constant -65536 : i32
    %and3A_812 = vector.broadcast %and3A_811 : i32 to vector<16xi32>
    %and3A_813 = arith.andi %add3A_810, %and3A_812 : vector<16xi32>
    %bitcast3A_814 = vector.bitcast %and3A_813 : vector<16xi32> to vector<16xf32>
    %swap3A_815 = arith.constant 3 : i32
    %swap3A_816 = arith.index_cast %swap3A_815 : i32 to index
    %swap3A_817 = arith.constant 0 : index
    %swap3A_818 = tpu.vector_load %arg7[%swap3A_816, %swap3A_817] {strides = array<i32>} : memref<5x256xf32, #tpu.memory_space<vmem>>, vector<16xf32>,
    tpu.vector_store %arg7[%swap3A_816, %swap3A_817], %bitcast3A_814 {strides = array<i32>} : memref<5x256xf32, #tpu.memory_space<vmem>>, vector<16xf32>,
    %get3A_819 = arith.constant 3 : i32
    %get3A_820 = arith.index_cast %get3A_819 : i32 to index
    %get3A_821 = arith.constant 16 : index
    %get3A_822 = tpu.vector_load %arg6[%get3A_820, %get3A_821] {strides = array<i32>} : memref<5x256xf32, #tpu.memory_space<vmem>>, vector<16xf32>,
    %bitcast3A_823 = vector.bitcast %get3A_822 : vector<16xf32> to vector<16xi32>
    %add3A_824 = arith.constant 32768 : i32
    %add3A_825 = vector.broadcast %add3A_824 : i32 to vector<16xi32>
    %add3A_826 = arith.addi %bitcast3A_823, %add3A_825 : vector<16xi32>
    %and3A_827 = arith.constant -65536 : i32
    %and3A_828 = vector.broadcast %and3A_827 : i32 to vector<16xi32>
    %and3A_829 = arith.andi %add3A_826, %and3A_828 : vector<16xi32>
    %bitcast3A_830 = vector.bitcast %and3A_829 : vector<16xi32> to vector<16xf32>
    %swap3A_831 = arith.constant 3 : i32
    %swap3A_832 = arith.index_cast %swap3A_831 : i32 to index
    %swap3A_833 = arith.constant 16 : index
    %swap3A_834 = tpu.vector_load %arg7[%swap3A_832, %swap3A_833] {strides = array<i32>} : memref<5x256xf32, #tpu.memory_space<vmem>>, vector<16xf32>,
    tpu.vector_store %arg7[%swap3A_832, %swap3A_833], %bitcast3A_830 {strides = array<i32>} : memref<5x256xf32, #tpu.memory_space<vmem>>, vector<16xf32>,
    %get3A_835 = arith.constant 3 : i32
    %get3A_836 = arith.index_cast %get3A_835 : i32 to index
    %get3A_837 = arith.constant 32 : index
    %get3A_838 = tpu.vector_load %arg6[%get3A_836, %get3A_837] {strides = array<i32>} : memref<5x256xf32, #tpu.memory_space<vmem>>, vector<16xf32>,
    %bitcast3A_839 = vector.bitcast %get3A_838 : vector<16xf32> to vector<16xi32>
    %add3A_840 = arith.constant 32768 : i32
    %add3A_841 = vector.broadcast %add3A_840 : i32 to vector<16xi32>
    %add3A_842 = arith.addi %bitcast3A_839, %add3A_841 : vector<16xi32>
    %and3A_843 = arith.constant -65536 : i32
    %and3A_844 = vector.broadcast %and3A_843 : i32 to vector<16xi32>
    %and3A_845 = arith.andi %add3A_842, %and3A_844 : vector<16xi32>
    %bitcast3A_846 = vector.bitcast %and3A_845 : vector<16xi32> to vector<16xf32>
    %swap3A_847 = arith.constant 3 : i32
    %swap3A_848 = arith.index_cast %swap3A_847 : i32 to index
    %swap3A_849 = arith.constant 32 : index
    %swap3A_850 = tpu.vector_load %arg7[%swap3A_848, %swap3A_849] {strides = array<i32>} : memref<5x256xf32, #tpu.memory_space<vmem>>, vector<16xf32>,
    tpu.vector_store %arg7[%swap3A_848, %swap3A_849], %bitcast3A_846 {strides = array<i32>} : memref<5x256xf32, #tpu.memory_space<vmem>>, vector<16xf32>,
    %get3A_851 = arith.constant 3 : i32
    %get3A_852 = arith.index_cast %get3A_851 : i32 to index
    %get3A_853 = arith.constant 48 : index
    %get3A_854 = tpu.vector_load %arg6[%get3A_852, %get3A_853] {strides = array<i32>} : memref<5x256xf32, #tpu.memory_space<vmem>>, vector<16xf32>,
    %bitcast3A_855 = vector.bitcast %get3A_854 : vector<16xf32> to vector<16xi32>
    %add3A_856 = arith.constant 32768 : i32
    %add3A_857 = vector.broadcast %add3A_856 : i32 to vector<16xi32>
    %add3A_858 = arith.addi %bitcast3A_855, %add3A_857 : vector<16xi32>
    %and3A_859 = arith.constant -65536 : i32
    %and3A_860 = vector.broadcast %and3A_859 : i32 to vector<16xi32>
    %and3A_861 = arith.andi %add3A_858, %and3A_860 : vector<16xi32>
    %bitcast3A_862 = vector.bitcast %and3A_861 : vector<16xi32> to vector<16xf32>
    %swap3A_863 = arith.constant 3 : i32
    %swap3A_864 = arith.index_cast %swap3A_863 : i32 to index
    %swap3A_865 = arith.constant 48 : index
    %swap3A_866 = tpu.vector_load %arg7[%swap3A_864, %swap3A_865] {strides = array<i32>} : memref<5x256xf32, #tpu.memory_space<vmem>>, vector<16xf32>,
    tpu.vector_store %arg7[%swap3A_864, %swap3A_865], %bitcast3A_862 {strides = array<i32>} : memref<5x256xf32, #tpu.memory_space<vmem>>, vector<16xf32>,
    %get3A_867 = arith.constant 3 : i32
    %get3A_868 = arith.index_cast %get3A_867 : i32 to index
    %get3A_869 = arith.constant 64 : index
    %get3A_870 = tpu.vector_load %arg6[%get3A_868, %get3A_869] {strides = array<i32>} : memref<5x256xf32, #tpu.memory_space<vmem>>, vector<16xf32>,
    %bitcast3A_871 = vector.bitcast %get3A_870 : vector<16xf32> to vector<16xi32>
    %add3A_872 = arith.constant 32768 : i32
    %add3A_873 = vector.broadcast %add3A_872 : i32 to vector<16xi32>
    %add3A_874 = arith.addi %bitcast3A_871, %add3A_873 : vector<16xi32>
    %and3A_875 = arith.constant -65536 : i32
    %and3A_876 = vector.broadcast %and3A_875 : i32 to vector<16xi32>
    %and3A_877 = arith.andi %add3A_874, %and3A_876 : vector<16xi32>
    %bitcast3A_878 = vector.bitcast %and3A_877 : vector<16xi32> to vector<16xf32>
    %swap3A_879 = arith.constant 3 : i32
    %swap3A_880 = arith.index_cast %swap3A_879 : i32 to index
    %swap3A_881 = arith.constant 64 : index
    %swap3A_882 = tpu.vector_load %arg7[%swap3A_880, %swap3A_881] {strides = array<i32>} : memref<5x256xf32, #tpu.memory_space<vmem>>, vector<16xf32>,
    tpu.vector_store %arg7[%swap3A_880, %swap3A_881], %bitcast3A_878 {strides = array<i32>} : memref<5x256xf32, #tpu.memory_space<vmem>>, vector<16xf32>,
    %get3A_883 = arith.constant 3 : i32
    %get3A_884 = arith.index_cast %get3A_883 : i32 to index
    %get3A_885 = arith.constant 80 : index
    %get3A_886 = tpu.vector_load %arg6[%get3A_884, %get3A_885] {strides = array<i32>} : memref<5x256xf32, #tpu.memory_space<vmem>>, vector<16xf32>,
    %bitcast3A_887 = vector.bitcast %get3A_886 : vector<16xf32> to vector<16xi32>
    %add3A_888 = arith.constant 32768 : i32
    %add3A_889 = vector.broadcast %add3A_888 : i32 to vector<16xi32>
    %add3A_890 = arith.addi %bitcast3A_887, %add3A_889 : vector<16xi32>
    %and3A_891 = arith.constant -65536 : i32
    %and3A_892 = vector.broadcast %and3A_891 : i32 to vector<16xi32>
    %and3A_893 = arith.andi %add3A_890, %and3A_892 : vector<16xi32>
    %bitcast3A_894 = vector.bitcast %and3A_893 : vector<16xi32> to vector<16xf32>
    %swap3A_895 = arith.constant 3 : i32
    %swap3A_896 = arith.index_cast %swap3A_895 : i32 to index
    %swap3A_897 = arith.constant 80 : index
    %swap3A_898 = tpu.vector_load %arg7[%swap3A_896, %swap3A_897] {strides = array<i32>} : memref<5x256xf32, #tpu.memory_space<vmem>>, vector<16xf32>,
    tpu.vector_store %arg7[%swap3A_896, %swap3A_897], %bitcast3A_894 {strides = array<i32>} : memref<5x256xf32, #tpu.memory_space<vmem>>, vector<16xf32>,
    %get3A_899 = arith.constant 3 : i32
    %get3A_900 = arith.index_cast %get3A_899 : i32 to index
    %get3A_901 = arith.constant 96 : index
    %get3A_902 = tpu.vector_load %arg6[%get3A_900, %get3A_901] {strides = array<i32>} : memref<5x256xf32, #tpu.memory_space<vmem>>, vector<16xf32>,
    %bitcast3A_903 = vector.bitcast %get3A_902 : vector<16xf32> to vector<16xi32>
    %add3A_904 = arith.constant 32768 : i32
    %add3A_905 = vector.broadcast %add3A_904 : i32 to vector<16xi32>
    %add3A_906 = arith.addi %bitcast3A_903, %add3A_905 : vector<16xi32>
    %and3A_907 = arith.constant -65536 : i32
    %and3A_908 = vector.broadcast %and3A_907 : i32 to vector<16xi32>
    %and3A_909 = arith.andi %add3A_906, %and3A_908 : vector<16xi32>
    %bitcast3A_910 = vector.bitcast %and3A_909 : vector<16xi32> to vector<16xf32>
    %swap3A_911 = arith.constant 3 : i32
    %swap3A_912 = arith.index_cast %swap3A_911 : i32 to index
    %swap3A_913 = arith.constant 96 : index
    %swap3A_914 = tpu.vector_load %arg7[%swap3A_912, %swap3A_913] {strides = array<i32>} : memref<5x256xf32, #tpu.memory_space<vmem>>, vector<16xf32>,
    tpu.vector_store %arg7[%swap3A_912, %swap3A_913], %bitcast3A_910 {strides = array<i32>} : memref<5x256xf32, #tpu.memory_space<vmem>>, vector<16xf32>,
    %get3A_915 = arith.constant 3 : i32
    %get3A_916 = arith.index_cast %get3A_915 : i32 to index
    %get3A_917 = arith.constant 112 : index
    %get3A_918 = tpu.vector_load %arg6[%get3A_916, %get3A_917] {strides = array<i32>} : memref<5x256xf32, #tpu.memory_space<vmem>>, vector<16xf32>,
    %bitcast3A_919 = vector.bitcast %get3A_918 : vector<16xf32> to vector<16xi32>
    %add3A_920 = arith.constant 32768 : i32
    %add3A_921 = vector.broadcast %add3A_920 : i32 to vector<16xi32>
    %add3A_922 = arith.addi %bitcast3A_919, %add3A_921 : vector<16xi32>
    %and3A_923 = arith.constant -65536 : i32
    %and3A_924 = vector.broadcast %and3A_923 : i32 to vector<16xi32>
    %and3A_925 = arith.andi %add3A_922, %and3A_924 : vector<16xi32>
    %bitcast3A_926 = vector.bitcast %and3A_925 : vector<16xi32> to vector<16xf32>
    %swap3A_927 = arith.constant 3 : i32
    %swap3A_928 = arith.index_cast %swap3A_927 : i32 to index
    %swap3A_929 = arith.constant 112 : index
    %swap3A_930 = tpu.vector_load %arg7[%swap3A_928, %swap3A_929] {strides = array<i32>} : memref<5x256xf32, #tpu.memory_space<vmem>>, vector<16xf32>,
    tpu.vector_store %arg7[%swap3A_928, %swap3A_929], %bitcast3A_926 {strides = array<i32>} : memref<5x256xf32, #tpu.memory_space<vmem>>, vector<16xf32>,
    %get3A_931 = arith.constant 3 : i32
    %get3A_932 = arith.index_cast %get3A_931 : i32 to index
    %get3A_933 = arith.constant 128 : index
    %get3A_934 = tpu.vector_load %arg6[%get3A_932, %get3A_933] {strides = array<i32>} : memref<5x256xf32, #tpu.memory_space<vmem>>, vector<16xf32>,
    %bitcast3A_935 = vector.bitcast %get3A_934 : vector<16xf32> to vector<16xi32>
    %add3A_936 = arith.constant 32768 : i32
    %add3A_937 = vector.broadcast %add3A_936 : i32 to vector<16xi32>
    %add3A_938 = arith.addi %bitcast3A_935, %add3A_937 : vector<16xi32>
    %and3A_939 = arith.constant -65536 : i32
    %and3A_940 = vector.broadcast %and3A_939 : i32 to vector<16xi32>
    %and3A_941 = arith.andi %add3A_938, %and3A_940 : vector<16xi32>
    %bitcast3A_942 = vector.bitcast %and3A_941 : vector<16xi32> to vector<16xf32>
    %swap3A_943 = arith.constant 3 : i32
    %swap3A_944 = arith.index_cast %swap3A_943 : i32 to index
    %swap3A_945 = arith.constant 128 : index
    %swap3A_946 = tpu.vector_load %arg7[%swap3A_944, %swap3A_945] {strides = array<i32>} : memref<5x256xf32, #tpu.memory_space<vmem>>, vector<16xf32>,
    tpu.vector_store %arg7[%swap3A_944, %swap3A_945], %bitcast3A_942 {strides = array<i32>} : memref<5x256xf32, #tpu.memory_space<vmem>>, vector<16xf32>,
    %get3A_947 = arith.constant 3 : i32
    %get3A_948 = arith.index_cast %get3A_947 : i32 to index
    %get3A_949 = arith.constant 144 : index
    %get3A_950 = tpu.vector_load %arg6[%get3A_948, %get3A_949] {strides = array<i32>} : memref<5x256xf32, #tpu.memory_space<vmem>>, vector<16xf32>,
    %bitcast3A_951 = vector.bitcast %get3A_950 : vector<16xf32> to vector<16xi32>
    %add3A_952 = arith.constant 32768 : i32
    %add3A_953 = vector.broadcast %add3A_952 : i32 to vector<16xi32>
    %add3A_954 = arith.addi %bitcast3A_951, %add3A_953 : vector<16xi32>
    %and3A_955 = arith.constant -65536 : i32
    %and3A_956 = vector.broadcast %and3A_955 : i32 to vector<16xi32>
    %and3A_957 = arith.andi %add3A_954, %and3A_956 : vector<16xi32>
    %bitcast3A_958 = vector.bitcast %and3A_957 : vector<16xi32> to vector<16xf32>
    %swap3A_959 = arith.constant 3 : i32
    %swap3A_960 = arith.index_cast %swap3A_959 : i32 to index
    %swap3A_961 = arith.constant 144 : index
    %swap3A_962 = tpu.vector_load %arg7[%swap3A_960, %swap3A_961] {strides = array<i32>} : memref<5x256xf32, #tpu.memory_space<vmem>>, vector<16xf32>,
    tpu.vector_store %arg7[%swap3A_960, %swap3A_961], %bitcast3A_958 {strides = array<i32>} : memref<5x256xf32, #tpu.memory_space<vmem>>, vector<16xf32>,
    %get3A_963 = arith.constant 3 : i32
    %get3A_964 = arith.index_cast %get3A_963 : i32 to index
    %get3A_965 = arith.constant 160 : index
    %get3A_966 = tpu.vector_load %arg6[%get3A_964, %get3A_965] {strides = array<i32>} : memref<5x256xf32, #tpu.memory_space<vmem>>, vector<16xf32>,
    %bitcast3A_967 = vector.bitcast %get3A_966 : vector<16xf32> to vector<16xi32>
    %add3A_968 = arith.constant 32768 : i32
    %add3A_969 = vector.broadcast %add3A_968 : i32 to vector<16xi32>
    %add3A_970 = arith.addi %bitcast3A_967, %add3A_969 : vector<16xi32>
    %and3A_971 = arith.constant -65536 : i32
    %and3A_972 = vector.broadcast %and3A_971 : i32 to vector<16xi32>
    %and3A_973 = arith.andi %add3A_970, %and3A_972 : vector<16xi32>
    %bitcast3A_974 = vector.bitcast %and3A_973 : vector<16xi32> to vector<16xf32>
    %swap3A_975 = arith.constant 3 : i32
    %swap3A_976 = arith.index_cast %swap3A_975 : i32 to index
    %swap3A_977 = arith.constant 160 : index
    %swap3A_978 = tpu.vector_load %arg7[%swap3A_976, %swap3A_977] {strides = array<i32>} : memref<5x256xf32, #tpu.memory_space<vmem>>, vector<16xf32>,
    tpu.vector_store %arg7[%swap3A_976, %swap3A_977], %bitcast3A_974 {strides = array<i32>} : memref<5x256xf32, #tpu.memory_space<vmem>>, vector<16xf32>,
    %get3A_979 = arith.constant 3 : i32
    %get3A_980 = arith.index_cast %get3A_979 : i32 to index
    %get3A_981 = arith.constant 176 : index
    %get3A_982 = tpu.vector_load %arg6[%get3A_980, %get3A_981] {strides = array<i32>} : memref<5x256xf32, #tpu.memory_space<vmem>>, vector<16xf32>,
    %bitcast3A_983 = vector.bitcast %get3A_982 : vector<16xf32> to vector<16xi32>
    %add3A_984 = arith.constant 32768 : i32
    %add3A_985 = vector.broadcast %add3A_984 : i32 to vector<16xi32>
    %add3A_986 = arith.addi %bitcast3A_983, %add3A_985 : vector<16xi32>
    %and3A_987 = arith.constant -65536 : i32
    %and3A_988 = vector.broadcast %and3A_987 : i32 to vector<16xi32>
    %and3A_989 = arith.andi %add3A_986, %and3A_988 : vector<16xi32>
    %bitcast3A_990 = vector.bitcast %and3A_989 : vector<16xi32> to vector<16xf32>
    %swap3A_991 = arith.constant 3 : i32
    %swap3A_992 = arith.index_cast %swap3A_991 : i32 to index
    %swap3A_993 = arith.constant 176 : index
    %swap3A_994 = tpu.vector_load %arg7[%swap3A_992, %swap3A_993] {strides = array<i32>} : memref<5x256xf32, #tpu.memory_space<vmem>>, vector<16xf32>,
    tpu.vector_store %arg7[%swap3A_992, %swap3A_993], %bitcast3A_990 {strides = array<i32>} : memref<5x256xf32, #tpu.memory_space<vmem>>, vector<16xf32>,
    %get3A_995 = arith.constant 3 : i32
    %get3A_996 = arith.index_cast %get3A_995 : i32 to index
    %get3A_997 = arith.constant 192 : index
    %get3A_998 = tpu.vector_load %arg6[%get3A_996, %get3A_997] {strides = array<i32>} : memref<5x256xf32, #tpu.memory_space<vmem>>, vector<16xf32>,
    %bitcast3A_999 = vector.bitcast %get3A_998 : vector<16xf32> to vector<16xi32>
    %add3A_1000 = arith.constant 32768 : i32
    %add3A_1001 = vector.broadcast %add3A_1000 : i32 to vector<16xi32>
    %add3A_1002 = arith.addi %bitcast3A_999, %add3A_1001 : vector<16xi32>
    %and3A_1003 = arith.constant -65536 : i32
    %and3A_1004 = vector.broadcast %and3A_1003 : i32 to vector<16xi32>
    %and3A_1005 = arith.andi %add3A_1002, %and3A_1004 : vector<16xi32>
    %bitcast3A_1006 = vector.bitcast %and3A_1005 : vector<16xi32> to vector<16xf32>
    %swap3A_1007 = arith.constant 3 : i32
    %swap3A_1008 = arith.index_cast %swap3A_1007 : i32 to index
    %swap3A_1009 = arith.constant 192 : index
    %swap3A_1010 = tpu.vector_load %arg7[%swap3A_1008, %swap3A_1009] {strides = array<i32>} : memref<5x256xf32, #tpu.memory_space<vmem>>, vector<16xf32>,
    tpu.vector_store %arg7[%swap3A_1008, %swap3A_1009], %bitcast3A_1006 {strides = array<i32>} : memref<5x256xf32, #tpu.memory_space<vmem>>, vector<16xf32>,
    %get3A_1011 = arith.constant 3 : i32
    %get3A_1012 = arith.index_cast %get3A_1011 : i32 to index
    %get3A_1013 = arith.constant 208 : index
    %get3A_1014 = tpu.vector_load %arg6[%get3A_1012, %get3A_1013] {strides = array<i32>} : memref<5x256xf32, #tpu.memory_space<vmem>>, vector<16xf32>,
    %bitcast3A_1015 = vector.bitcast %get3A_1014 : vector<16xf32> to vector<16xi32>
    %add3A_1016 = arith.constant 32768 : i32
    %add3A_1017 = vector.broadcast %add3A_1016 : i32 to vector<16xi32>
    %add3A_1018 = arith.addi %bitcast3A_1015, %add3A_1017 : vector<16xi32>
    %and3A_1019 = arith.constant -65536 : i32
    %and3A_1020 = vector.broadcast %and3A_1019 : i32 to vector<16xi32>
    %and3A_1021 = arith.andi %add3A_1018, %and3A_1020 : vector<16xi32>
    %bitcast3A_1022 = vector.bitcast %and3A_1021 : vector<16xi32> to vector<16xf32>
    %swap3A_1023 = arith.constant 3 : i32
    %swap3A_1024 = arith.index_cast %swap3A_1023 : i32 to index
    %swap3A_1025 = arith.constant 208 : index
    %swap3A_1026 = tpu.vector_load %arg7[%swap3A_1024, %swap3A_1025] {strides = array<i32>} : memref<5x256xf32, #tpu.memory_space<vmem>>, vector<16xf32>,
    tpu.vector_store %arg7[%swap3A_1024, %swap3A_1025], %bitcast3A_1022 {strides = array<i32>} : memref<5x256xf32, #tpu.memory_space<vmem>>, vector<16xf32>,
    %get3A_1027 = arith.constant 3 : i32
    %get3A_1028 = arith.index_cast %get3A_1027 : i32 to index
    %get3A_1029 = arith.constant 224 : index
    %get3A_1030 = tpu.vector_load %arg6[%get3A_1028, %get3A_1029] {strides = array<i32>} : memref<5x256xf32, #tpu.memory_space<vmem>>, vector<16xf32>,
    %bitcast3A_1031 = vector.bitcast %get3A_1030 : vector<16xf32> to vector<16xi32>
    %add3A_1032 = arith.constant 32768 : i32
    %add3A_1033 = vector.broadcast %add3A_1032 : i32 to vector<16xi32>
    %add3A_1034 = arith.addi %bitcast3A_1031, %add3A_1033 : vector<16xi32>
    %and3A_1035 = arith.constant -65536 : i32
    %and3A_1036 = vector.broadcast %and3A_1035 : i32 to vector<16xi32>
    %and3A_1037 = arith.andi %add3A_1034, %and3A_1036 : vector<16xi32>
    %bitcast3A_1038 = vector.bitcast %and3A_1037 : vector<16xi32> to vector<16xf32>
    %swap3A_1039 = arith.constant 3 : i32
    %swap3A_1040 = arith.index_cast %swap3A_1039 : i32 to index
    %swap3A_1041 = arith.constant 224 : index
    %swap3A_1042 = tpu.vector_load %arg7[%swap3A_1040, %swap3A_1041] {strides = array<i32>} : memref<5x256xf32, #tpu.memory_space<vmem>>, vector<16xf32>,
    tpu.vector_store %arg7[%swap3A_1040, %swap3A_1041], %bitcast3A_1038 {strides = array<i32>} : memref<5x256xf32, #tpu.memory_space<vmem>>, vector<16xf32>,
    %get3A_1043 = arith.constant 3 : i32
    %get3A_1044 = arith.index_cast %get3A_1043 : i32 to index
    %get3A_1045 = arith.constant 240 : index
    %get3A_1046 = tpu.vector_load %arg6[%get3A_1044, %get3A_1045] {strides = array<i32>} : memref<5x256xf32, #tpu.memory_space<vmem>>, vector<16xf32>,
    %bitcast3A_1047 = vector.bitcast %get3A_1046 : vector<16xf32> to vector<16xi32>
    %add3A_1048 = arith.constant 32768 : i32
    %add3A_1049 = vector.broadcast %add3A_1048 : i32 to vector<16xi32>
    %add3A_1050 = arith.addi %bitcast3A_1047, %add3A_1049 : vector<16xi32>
    %and3A_1051 = arith.constant -65536 : i32
    %and3A_1052 = vector.broadcast %and3A_1051 : i32 to vector<16xi32>
    %and3A_1053 = arith.andi %add3A_1050, %and3A_1052 : vector<16xi32>
    %bitcast3A_1054 = vector.bitcast %and3A_1053 : vector<16xi32> to vector<16xf32>
    %swap3A_1055 = arith.constant 3 : i32
    %swap3A_1056 = arith.index_cast %swap3A_1055 : i32 to index
    %swap3A_1057 = arith.constant 240 : index
    %swap3A_1058 = tpu.vector_load %arg7[%swap3A_1056, %swap3A_1057] {strides = array<i32>} : memref<5x256xf32, #tpu.memory_space<vmem>>, vector<16xf32>,
    tpu.vector_store %arg7[%swap3A_1056, %swap3A_1057], %bitcast3A_1054 {strides = array<i32>} : memref<5x256xf32, #tpu.memory_space<vmem>>, vector<16xf32>,
    %get3A_1059 = arith.constant 4 : i32
    %get3A_1060 = arith.index_cast %get3A_1059 : i32 to index
    %get3A_1061 = arith.constant 0 : index
    %get3A_1062 = tpu.vector_load %arg6[%get3A_1060, %get3A_1061] {strides = array<i32>} : memref<5x256xf32, #tpu.memory_space<vmem>>, vector<16xf32>,
    %bitcast3A_1063 = vector.bitcast %get3A_1062 : vector<16xf32> to vector<16xi32>
    %add3A_1064 = arith.constant 32768 : i32
    %add3A_1065 = vector.broadcast %add3A_1064 : i32 to vector<16xi32>
    %add3A_1066 = arith.addi %bitcast3A_1063, %add3A_1065 : vector<16xi32>
    %and3A_1067 = arith.constant -65536 : i32
    %and3A_1068 = vector.broadcast %and3A_1067 : i32 to vector<16xi32>
    %and3A_1069 = arith.andi %add3A_1066, %and3A_1068 : vector<16xi32>
    %bitcast3A_1070 = vector.bitcast %and3A_1069 : vector<16xi32> to vector<16xf32>
    %swap3A_1071 = arith.constant 4 : i32
    %swap3A_1072 = arith.index_cast %swap3A_1071 : i32 to index
    %swap3A_1073 = arith.constant 0 : index
    %swap3A_1074 = tpu.vector_load %arg7[%swap3A_1072, %swap3A_1073] {strides = array<i32>} : memref<5x256xf32, #tpu.memory_space<vmem>>, vector<16xf32>,
    tpu.vector_store %arg7[%swap3A_1072, %swap3A_1073], %bitcast3A_1070 {strides = array<i32>} : memref<5x256xf32, #tpu.memory_space<vmem>>, vector<16xf32>,
    %get3A_1075 = arith.constant 4 : i32
    %get3A_1076 = arith.index_cast %get3A_1075 : i32 to index
    %get3A_1077 = arith.constant 16 : index
    %get3A_1078 = tpu.vector_load %arg6[%get3A_1076, %get3A_1077] {strides = array<i32>} : memref<5x256xf32, #tpu.memory_space<vmem>>, vector<16xf32>,
    %bitcast3A_1079 = vector.bitcast %get3A_1078 : vector<16xf32> to vector<16xi32>
    %add3A_1080 = arith.constant 32768 : i32
    %add3A_1081 = vector.broadcast %add3A_1080 : i32 to vector<16xi32>
    %add3A_1082 = arith.addi %bitcast3A_1079, %add3A_1081 : vector<16xi32>
    %and3A_1083 = arith.constant -65536 : i32
    %and3A_1084 = vector.broadcast %and3A_1083 : i32 to vector<16xi32>
    %and3A_1085 = arith.andi %add3A_1082, %and3A_1084 : vector<16xi32>
    %bitcast3A_1086 = vector.bitcast %and3A_1085 : vector<16xi32> to vector<16xf32>
    %swap3A_1087 = arith.constant 4 : i32
    %swap3A_1088 = arith.index_cast %swap3A_1087 : i32 to index
    %swap3A_1089 = arith.constant 16 : index
    %swap3A_1090 = tpu.vector_load %arg7[%swap3A_1088, %swap3A_1089] {strides = array<i32>} : memref<5x256xf32, #tpu.memory_space<vmem>>, vector<16xf32>,
    tpu.vector_store %arg7[%swap3A_1088, %swap3A_1089], %bitcast3A_1086 {strides = array<i32>} : memref<5x256xf32, #tpu.memory_space<vmem>>, vector<16xf32>,
    %get3A_1091 = arith.constant 4 : i32
    %get3A_1092 = arith.index_cast %get3A_1091 : i32 to index
    %get3A_1093 = arith.constant 32 : index
    %get3A_1094 = tpu.vector_load %arg6[%get3A_1092, %get3A_1093] {strides = array<i32>} : memref<5x256xf32, #tpu.memory_space<vmem>>, vector<16xf32>,
    %bitcast3A_1095 = vector.bitcast %get3A_1094 : vector<16xf32> to vector<16xi32>
    %add3A_1096 = arith.constant 32768 : i32
    %add3A_1097 = vector.broadcast %add3A_1096 : i32 to vector<16xi32>
    %add3A_1098 = arith.addi %bitcast3A_1095, %add3A_1097 : vector<16xi32>
    %and3A_1099 = arith.constant -65536 : i32
    %and3A_1100 = vector.broadcast %and3A_1099 : i32 to vector<16xi32>
    %and3A_1101 = arith.andi %add3A_1098, %and3A_1100 : vector<16xi32>
    %bitcast3A_1102 = vector.bitcast %and3A_1101 : vector<16xi32> to vector<16xf32>
    %swap3A_1103 = arith.constant 4 : i32
    %swap3A_1104 = arith.index_cast %swap3A_1103 : i32 to index
    %swap3A_1105 = arith.constant 32 : index
    %swap3A_1106 = tpu.vector_load %arg7[%swap3A_1104, %swap3A_1105] {strides = array<i32>} : memref<5x256xf32, #tpu.memory_space<vmem>>, vector<16xf32>,
    tpu.vector_store %arg7[%swap3A_1104, %swap3A_1105], %bitcast3A_1102 {strides = array<i32>} : memref<5x256xf32, #tpu.memory_space<vmem>>, vector<16xf32>,
    %get3A_1107 = arith.constant 4 : i32
    %get3A_1108 = arith.index_cast %get3A_1107 : i32 to index
    %get3A_1109 = arith.constant 48 : index
    %get3A_1110 = tpu.vector_load %arg6[%get3A_1108, %get3A_1109] {strides = array<i32>} : memref<5x256xf32, #tpu.memory_space<vmem>>, vector<16xf32>,
    %bitcast3A_1111 = vector.bitcast %get3A_1110 : vector<16xf32> to vector<16xi32>
    %add3A_1112 = arith.constant 32768 : i32
    %add3A_1113 = vector.broadcast %add3A_1112 : i32 to vector<16xi32>
    %add3A_1114 = arith.addi %bitcast3A_1111, %add3A_1113 : vector<16xi32>
    %and3A_1115 = arith.constant -65536 : i32
    %and3A_1116 = vector.broadcast %and3A_1115 : i32 to vector<16xi32>
    %and3A_1117 = arith.andi %add3A_1114, %and3A_1116 : vector<16xi32>
    %bitcast3A_1118 = vector.bitcast %and3A_1117 : vector<16xi32> to vector<16xf32>
    %swap3A_1119 = arith.constant 4 : i32
    %swap3A_1120 = arith.index_cast %swap3A_1119 : i32 to index
    %swap3A_1121 = arith.constant 48 : index
    %swap3A_1122 = tpu.vector_load %arg7[%swap3A_1120, %swap3A_1121] {strides = array<i32>} : memref<5x256xf32, #tpu.memory_space<vmem>>, vector<16xf32>,
    tpu.vector_store %arg7[%swap3A_1120, %swap3A_1121], %bitcast3A_1118 {strides = array<i32>} : memref<5x256xf32, #tpu.memory_space<vmem>>, vector<16xf32>,
    %get3A_1123 = arith.constant 4 : i32
    %get3A_1124 = arith.index_cast %get3A_1123 : i32 to index
    %get3A_1125 = arith.constant 64 : index
    %get3A_1126 = tpu.vector_load %arg6[%get3A_1124, %get3A_1125] {strides = array<i32>} : memref<5x256xf32, #tpu.memory_space<vmem>>, vector<16xf32>,
    %bitcast3A_1127 = vector.bitcast %get3A_1126 : vector<16xf32> to vector<16xi32>
    %add3A_1128 = arith.constant 32768 : i32
    %add3A_1129 = vector.broadcast %add3A_1128 : i32 to vector<16xi32>
    %add3A_1130 = arith.addi %bitcast3A_1127, %add3A_1129 : vector<16xi32>
    %and3A_1131 = arith.constant -65536 : i32
    %and3A_1132 = vector.broadcast %and3A_1131 : i32 to vector<16xi32>
    %and3A_1133 = arith.andi %add3A_1130, %and3A_1132 : vector<16xi32>
    %bitcast3A_1134 = vector.bitcast %and3A_1133 : vector<16xi32> to vector<16xf32>
    %swap3A_1135 = arith.constant 4 : i32
    %swap3A_1136 = arith.index_cast %swap3A_1135 : i32 to index
    %swap3A_1137 = arith.constant 64 : index
    %swap3A_1138 = tpu.vector_load %arg7[%swap3A_1136, %swap3A_1137] {strides = array<i32>} : memref<5x256xf32, #tpu.memory_space<vmem>>, vector<16xf32>,
    tpu.vector_store %arg7[%swap3A_1136, %swap3A_1137], %bitcast3A_1134 {strides = array<i32>} : memref<5x256xf32, #tpu.memory_space<vmem>>, vector<16xf32>,
    %get3A_1139 = arith.constant 4 : i32
    %get3A_1140 = arith.index_cast %get3A_1139 : i32 to index
    %get3A_1141 = arith.constant 80 : index
    %get3A_1142 = tpu.vector_load %arg6[%get3A_1140, %get3A_1141] {strides = array<i32>} : memref<5x256xf32, #tpu.memory_space<vmem>>, vector<16xf32>,
    %bitcast3A_1143 = vector.bitcast %get3A_1142 : vector<16xf32> to vector<16xi32>
    %add3A_1144 = arith.constant 32768 : i32
    %add3A_1145 = vector.broadcast %add3A_1144 : i32 to vector<16xi32>
    %add3A_1146 = arith.addi %bitcast3A_1143, %add3A_1145 : vector<16xi32>
    %and3A_1147 = arith.constant -65536 : i32
    %and3A_1148 = vector.broadcast %and3A_1147 : i32 to vector<16xi32>
    %and3A_1149 = arith.andi %add3A_1146, %and3A_1148 : vector<16xi32>
    %bitcast3A_1150 = vector.bitcast %and3A_1149 : vector<16xi32> to vector<16xf32>
    %swap3A_1151 = arith.constant 4 : i32
    %swap3A_1152 = arith.index_cast %swap3A_1151 : i32 to index
    %swap3A_1153 = arith.constant 80 : index
    %swap3A_1154 = tpu.vector_load %arg7[%swap3A_1152, %swap3A_1153] {strides = array<i32>} : memref<5x256xf32, #tpu.memory_space<vmem>>, vector<16xf32>,
    tpu.vector_store %arg7[%swap3A_1152, %swap3A_1153], %bitcast3A_1150 {strides = array<i32>} : memref<5x256xf32, #tpu.memory_space<vmem>>, vector<16xf32>,
    %get3A_1155 = arith.constant 4 : i32
    %get3A_1156 = arith.index_cast %get3A_1155 : i32 to index
    %get3A_1157 = arith.constant 96 : index
    %get3A_1158 = tpu.vector_load %arg6[%get3A_1156, %get3A_1157] {strides = array<i32>} : memref<5x256xf32, #tpu.memory_space<vmem>>, vector<16xf32>,
    %bitcast3A_1159 = vector.bitcast %get3A_1158 : vector<16xf32> to vector<16xi32>
    %add3A_1160 = arith.constant 32768 : i32
    %add3A_1161 = vector.broadcast %add3A_1160 : i32 to vector<16xi32>
    %add3A_1162 = arith.addi %bitcast3A_1159, %add3A_1161 : vector<16xi32>
    %and3A_1163 = arith.constant -65536 : i32
    %and3A_1164 = vector.broadcast %and3A_1163 : i32 to vector<16xi32>
    %and3A_1165 = arith.andi %add3A_1162, %and3A_1164 : vector<16xi32>
    %bitcast3A_1166 = vector.bitcast %and3A_1165 : vector<16xi32> to vector<16xf32>
    %swap3A_1167 = arith.constant 4 : i32
    %swap3A_1168 = arith.index_cast %swap3A_1167 : i32 to index
    %swap3A_1169 = arith.constant 96 : index
    %swap3A_1170 = tpu.vector_load %arg7[%swap3A_1168, %swap3A_1169] {strides = array<i32>} : memref<5x256xf32, #tpu.memory_space<vmem>>, vector<16xf32>,
    tpu.vector_store %arg7[%swap3A_1168, %swap3A_1169], %bitcast3A_1166 {strides = array<i32>} : memref<5x256xf32, #tpu.memory_space<vmem>>, vector<16xf32>,
    %get3A_1171 = arith.constant 4 : i32
    %get3A_1172 = arith.index_cast %get3A_1171 : i32 to index
    %get3A_1173 = arith.constant 112 : index
    %get3A_1174 = tpu.vector_load %arg6[%get3A_1172, %get3A_1173] {strides = array<i32>} : memref<5x256xf32, #tpu.memory_space<vmem>>, vector<16xf32>,
    %bitcast3A_1175 = vector.bitcast %get3A_1174 : vector<16xf32> to vector<16xi32>
    %add3A_1176 = arith.constant 32768 : i32
    %add3A_1177 = vector.broadcast %add3A_1176 : i32 to vector<16xi32>
    %add3A_1178 = arith.addi %bitcast3A_1175, %add3A_1177 : vector<16xi32>
    %and3A_1179 = arith.constant -65536 : i32
    %and3A_1180 = vector.broadcast %and3A_1179 : i32 to vector<16xi32>
    %and3A_1181 = arith.andi %add3A_1178, %and3A_1180 : vector<16xi32>
    %bitcast3A_1182 = vector.bitcast %and3A_1181 : vector<16xi32> to vector<16xf32>
    %swap3A_1183 = arith.constant 4 : i32
    %swap3A_1184 = arith.index_cast %swap3A_1183 : i32 to index
    %swap3A_1185 = arith.constant 112 : index
    %swap3A_1186 = tpu.vector_load %arg7[%swap3A_1184, %swap3A_1185] {strides = array<i32>} : memref<5x256xf32, #tpu.memory_space<vmem>>, vector<16xf32>,
    tpu.vector_store %arg7[%swap3A_1184, %swap3A_1185], %bitcast3A_1182 {strides = array<i32>} : memref<5x256xf32, #tpu.memory_space<vmem>>, vector<16xf32>,
    %get3A_1187 = arith.constant 4 : i32
    %get3A_1188 = arith.index_cast %get3A_1187 : i32 to index
    %get3A_1189 = arith.constant 128 : index
    %get3A_1190 = tpu.vector_load %arg6[%get3A_1188, %get3A_1189] {strides = array<i32>} : memref<5x256xf32, #tpu.memory_space<vmem>>, vector<16xf32>,
    %bitcast3A_1191 = vector.bitcast %get3A_1190 : vector<16xf32> to vector<16xi32>
    %add3A_1192 = arith.constant 32768 : i32
    %add3A_1193 = vector.broadcast %add3A_1192 : i32 to vector<16xi32>
    %add3A_1194 = arith.addi %bitcast3A_1191, %add3A_1193 : vector<16xi32>
    %and3A_1195 = arith.constant -65536 : i32
    %and3A_1196 = vector.broadcast %and3A_1195 : i32 to vector<16xi32>
    %and3A_1197 = arith.andi %add3A_1194, %and3A_1196 : vector<16xi32>
    %bitcast3A_1198 = vector.bitcast %and3A_1197 : vector<16xi32> to vector<16xf32>
    %swap3A_1199 = arith.constant 4 : i32
    %swap3A_1200 = arith.index_cast %swap3A_1199 : i32 to index
    %swap3A_1201 = arith.constant 128 : index
    %swap3A_1202 = tpu.vector_load %arg7[%swap3A_1200, %swap3A_1201] {strides = array<i32>} : memref<5x256xf32, #tpu.memory_space<vmem>>, vector<16xf32>,
    tpu.vector_store %arg7[%swap3A_1200, %swap3A_1201], %bitcast3A_1198 {strides = array<i32>} : memref<5x256xf32, #tpu.memory_space<vmem>>, vector<16xf32>,
    %get3A_1203 = arith.constant 4 : i32
    %get3A_1204 = arith.index_cast %get3A_1203 : i32 to index
    %get3A_1205 = arith.constant 144 : index
    %get3A_1206 = tpu.vector_load %arg6[%get3A_1204, %get3A_1205] {strides = array<i32>} : memref<5x256xf32, #tpu.memory_space<vmem>>, vector<16xf32>,
    %bitcast3A_1207 = vector.bitcast %get3A_1206 : vector<16xf32> to vector<16xi32>
    %add3A_1208 = arith.constant 32768 : i32
    %add3A_1209 = vector.broadcast %add3A_1208 : i32 to vector<16xi32>
    %add3A_1210 = arith.addi %bitcast3A_1207, %add3A_1209 : vector<16xi32>
    %and3A_1211 = arith.constant -65536 : i32
    %and3A_1212 = vector.broadcast %and3A_1211 : i32 to vector<16xi32>
    %and3A_1213 = arith.andi %add3A_1210, %and3A_1212 : vector<16xi32>
    %bitcast3A_1214 = vector.bitcast %and3A_1213 : vector<16xi32> to vector<16xf32>
    %swap3A_1215 = arith.constant 4 : i32
    %swap3A_1216 = arith.index_cast %swap3A_1215 : i32 to index
    %swap3A_1217 = arith.constant 144 : index
    %swap3A_1218 = tpu.vector_load %arg7[%swap3A_1216, %swap3A_1217] {strides = array<i32>} : memref<5x256xf32, #tpu.memory_space<vmem>>, vector<16xf32>,
    tpu.vector_store %arg7[%swap3A_1216, %swap3A_1217], %bitcast3A_1214 {strides = array<i32>} : memref<5x256xf32, #tpu.memory_space<vmem>>, vector<16xf32>,
    %get3A_1219 = arith.constant 4 : i32
    %get3A_1220 = arith.index_cast %get3A_1219 : i32 to index
    %get3A_1221 = arith.constant 160 : index
    %get3A_1222 = tpu.vector_load %arg6[%get3A_1220, %get3A_1221] {strides = array<i32>} : memref<5x256xf32, #tpu.memory_space<vmem>>, vector<16xf32>,
    %bitcast3A_1223 = vector.bitcast %get3A_1222 : vector<16xf32> to vector<16xi32>
    %add3A_1224 = arith.constant 32768 : i32
    %add3A_1225 = vector.broadcast %add3A_1224 : i32 to vector<16xi32>
    %add3A_1226 = arith.addi %bitcast3A_1223, %add3A_1225 : vector<16xi32>
    %and3A_1227 = arith.constant -65536 : i32
    %and3A_1228 = vector.broadcast %and3A_1227 : i32 to vector<16xi32>
    %and3A_1229 = arith.andi %add3A_1226, %and3A_1228 : vector<16xi32>
    %bitcast3A_1230 = vector.bitcast %and3A_1229 : vector<16xi32> to vector<16xf32>
    %swap3A_1231 = arith.constant 4 : i32
    %swap3A_1232 = arith.index_cast %swap3A_1231 : i32 to index
    %swap3A_1233 = arith.constant 160 : index
    %swap3A_1234 = tpu.vector_load %arg7[%swap3A_1232, %swap3A_1233] {strides = array<i32>} : memref<5x256xf32, #tpu.memory_space<vmem>>, vector<16xf32>,
    tpu.vector_store %arg7[%swap3A_1232, %swap3A_1233], %bitcast3A_1230 {strides = array<i32>} : memref<5x256xf32, #tpu.memory_space<vmem>>, vector<16xf32>,
    %get3A_1235 = arith.constant 4 : i32
    %get3A_1236 = arith.index_cast %get3A_1235 : i32 to index
    %get3A_1237 = arith.constant 176 : index
    %get3A_1238 = tpu.vector_load %arg6[%get3A_1236, %get3A_1237] {strides = array<i32>} : memref<5x256xf32, #tpu.memory_space<vmem>>, vector<16xf32>,
    %bitcast3A_1239 = vector.bitcast %get3A_1238 : vector<16xf32> to vector<16xi32>
    %add3A_1240 = arith.constant 32768 : i32
    %add3A_1241 = vector.broadcast %add3A_1240 : i32 to vector<16xi32>
    %add3A_1242 = arith.addi %bitcast3A_1239, %add3A_1241 : vector<16xi32>
    %and3A_1243 = arith.constant -65536 : i32
    %and3A_1244 = vector.broadcast %and3A_1243 : i32 to vector<16xi32>
    %and3A_1245 = arith.andi %add3A_1242, %and3A_1244 : vector<16xi32>
    %bitcast3A_1246 = vector.bitcast %and3A_1245 : vector<16xi32> to vector<16xf32>
    %swap3A_1247 = arith.constant 4 : i32
    %swap3A_1248 = arith.index_cast %swap3A_1247 : i32 to index
    %swap3A_1249 = arith.constant 176 : index
    %swap3A_1250 = tpu.vector_load %arg7[%swap3A_1248, %swap3A_1249] {strides = array<i32>} : memref<5x256xf32, #tpu.memory_space<vmem>>, vector<16xf32>,
    tpu.vector_store %arg7[%swap3A_1248, %swap3A_1249], %bitcast3A_1246 {strides = array<i32>} : memref<5x256xf32, #tpu.memory_space<vmem>>, vector<16xf32>,
    %get3A_1251 = arith.constant 4 : i32
    %get3A_1252 = arith.index_cast %get3A_1251 : i32 to index
    %get3A_1253 = arith.constant 192 : index
    %get3A_1254 = tpu.vector_load %arg6[%get3A_1252, %get3A_1253] {strides = array<i32>} : memref<5x256xf32, #tpu.memory_space<vmem>>, vector<16xf32>,
    %bitcast3A_1255 = vector.bitcast %get3A_1254 : vector<16xf32> to vector<16xi32>
    %add3A_1256 = arith.constant 32768 : i32
    %add3A_1257 = vector.broadcast %add3A_1256 : i32 to vector<16xi32>
    %add3A_1258 = arith.addi %bitcast3A_1255, %add3A_1257 : vector<16xi32>
    %and3A_1259 = arith.constant -65536 : i32
    %and3A_1260 = vector.broadcast %and3A_1259 : i32 to vector<16xi32>
    %and3A_1261 = arith.andi %add3A_1258, %and3A_1260 : vector<16xi32>
    %bitcast3A_1262 = vector.bitcast %and3A_1261 : vector<16xi32> to vector<16xf32>
    %swap3A_1263 = arith.constant 4 : i32
    %swap3A_1264 = arith.index_cast %swap3A_1263 : i32 to index
    %swap3A_1265 = arith.constant 192 : index
    %swap3A_1266 = tpu.vector_load %arg7[%swap3A_1264, %swap3A_1265] {strides = array<i32>} : memref<5x256xf32, #tpu.memory_space<vmem>>, vector<16xf32>,
    tpu.vector_store %arg7[%swap3A_1264, %swap3A_1265], %bitcast3A_1262 {strides = array<i32>} : memref<5x256xf32, #tpu.memory_space<vmem>>, vector<16xf32>,
    %get3A_1267 = arith.constant 4 : i32
    %get3A_1268 = arith.index_cast %get3A_1267 : i32 to index
    %get3A_1269 = arith.constant 208 : index
    %get3A_1270 = tpu.vector_load %arg6[%get3A_1268, %get3A_1269] {strides = array<i32>} : memref<5x256xf32, #tpu.memory_space<vmem>>, vector<16xf32>,
    %bitcast3A_1271 = vector.bitcast %get3A_1270 : vector<16xf32> to vector<16xi32>
    %add3A_1272 = arith.constant 32768 : i32
    %add3A_1273 = vector.broadcast %add3A_1272 : i32 to vector<16xi32>
    %add3A_1274 = arith.addi %bitcast3A_1271, %add3A_1273 : vector<16xi32>
    %and3A_1275 = arith.constant -65536 : i32
    %and3A_1276 = vector.broadcast %and3A_1275 : i32 to vector<16xi32>
    %and3A_1277 = arith.andi %add3A_1274, %and3A_1276 : vector<16xi32>
    %bitcast3A_1278 = vector.bitcast %and3A_1277 : vector<16xi32> to vector<16xf32>
    %swap3A_1279 = arith.constant 4 : i32
    %swap3A_1280 = arith.index_cast %swap3A_1279 : i32 to index
    %swap3A_1281 = arith.constant 208 : index
    %swap3A_1282 = tpu.vector_load %arg7[%swap3A_1280, %swap3A_1281] {strides = array<i32>} : memref<5x256xf32, #tpu.memory_space<vmem>>, vector<16xf32>,
    tpu.vector_store %arg7[%swap3A_1280, %swap3A_1281], %bitcast3A_1278 {strides = array<i32>} : memref<5x256xf32, #tpu.memory_space<vmem>>, vector<16xf32>,
    %get3A_1283 = arith.constant 4 : i32
    %get3A_1284 = arith.index_cast %get3A_1283 : i32 to index
    %get3A_1285 = arith.constant 224 : index
    %get3A_1286 = tpu.vector_load %arg6[%get3A_1284, %get3A_1285] {strides = array<i32>} : memref<5x256xf32, #tpu.memory_space<vmem>>, vector<16xf32>,
    %bitcast3A_1287 = vector.bitcast %get3A_1286 : vector<16xf32> to vector<16xi32>
    %add3A_1288 = arith.constant 32768 : i32
    %add3A_1289 = vector.broadcast %add3A_1288 : i32 to vector<16xi32>
    %add3A_1290 = arith.addi %bitcast3A_1287, %add3A_1289 : vector<16xi32>
    %and3A_1291 = arith.constant -65536 : i32
    %and3A_1292 = vector.broadcast %and3A_1291 : i32 to vector<16xi32>
    %and3A_1293 = arith.andi %add3A_1290, %and3A_1292 : vector<16xi32>
    %bitcast3A_1294 = vector.bitcast %and3A_1293 : vector<16xi32> to vector<16xf32>
    %swap3A_1295 = arith.constant 4 : i32
    %swap3A_1296 = arith.index_cast %swap3A_1295 : i32 to index
    %swap3A_1297 = arith.constant 224 : index
    %swap3A_1298 = tpu.vector_load %arg7[%swap3A_1296, %swap3A_1297] {strides = array<i32>} : memref<5x256xf32, #tpu.memory_space<vmem>>, vector<16xf32>,
    tpu.vector_store %arg7[%swap3A_1296, %swap3A_1297], %bitcast3A_1294 {strides = array<i32>} : memref<5x256xf32, #tpu.memory_space<vmem>>, vector<16xf32>,
    %get3A_1299 = arith.constant 4 : i32
    %get3A_1300 = arith.index_cast %get3A_1299 : i32 to index
    %get3A_1301 = arith.constant 240 : index
    %get3A_1302 = tpu.vector_load %arg6[%get3A_1300, %get3A_1301] {strides = array<i32>} : memref<5x256xf32, #tpu.memory_space<vmem>>, vector<16xf32>,
    %bitcast3A_1303 = vector.bitcast %get3A_1302 : vector<16xf32> to vector<16xi32>
    %add3A_1304 = arith.constant 32768 : i32
    %add3A_1305 = vector.broadcast %add3A_1304 : i32 to vector<16xi32>
    %add3A_1306 = arith.addi %bitcast3A_1303, %add3A_1305 : vector<16xi32>
    %and3A_1307 = arith.constant -65536 : i32
    %and3A_1308 = vector.broadcast %and3A_1307 : i32 to vector<16xi32>
    %and3A_1309 = arith.andi %add3A_1306, %and3A_1308 : vector<16xi32>
    %bitcast3A_1310 = vector.bitcast %and3A_1309 : vector<16xi32> to vector<16xf32>
    %swap3A_1311 = arith.constant 4 : i32
    %swap3A_1312 = arith.index_cast %swap3A_1311 : i32 to index
    %swap3A_1313 = arith.constant 240 : index
    %swap3A_1314 = tpu.vector_load %arg7[%swap3A_1312, %swap3A_1313] {strides = array<i32>} : memref<5x256xf32, #tpu.memory_space<vmem>>, vector<16xf32>,
    tpu.vector_store %arg7[%swap3A_1312, %swap3A_1313], %bitcast3A_1310 {strides = array<i32>} : memref<5x256xf32, #tpu.memory_space<vmem>>, vector<16xf32>,
    %add3A_1315 = arith.constant 0 : i32
    %add3A_1316 = arith.addi %mul3A_2, %add3A_1315 : i32
    %dma_start3A = arith.constant 0 : i32
    %dma_start3A_1317 = arith.constant 0 : i32
    %dma_start3A_1318 = arith.constant 0 : i32
    %dma_start3A_1319 = tpu.memref_slice %arg5[%dma_start3A, %dma_start3A_1317, %dma_start3A_1318] : memref<2x64x256xf32, #tpu.memory_space<vmem>> -> memref<1x64x256xf32, #tpu.memory_space<vmem>>
    %dma_start3A_1320 = tpu.memref_squeeze %dma_start3A_1319 : memref<1x64x256xf32, #tpu.memory_space<vmem>> -> memref<64x256xf32, #tpu.memory_space<vmem>>
    %dma_start3A_1321 = arith.constant 0 : i32
    %dma_start3A_1322 = tpu.memref_slice %arg2[%add3A_1316, %dma_start3A_1321] : memref<262144x256xf32, #tpu.memory_space<hbm>> -> memref<64x256xf32, #tpu.memory_space<hbm>>
    %dma_start3A_1323 = arith.constant 0 : i32
    %dma_start3A_1324 = arith.constant 0 : i32
    %dma_start3A_1325 = tpu.memref_slice %arg5[%dma_start3A, %dma_start3A_1323, %dma_start3A_1324] : memref<2x64x256xf32, #tpu.memory_space<vmem>> -> memref<1x64x256xf32, #tpu.memory_space<vmem>>
    %dma_start3A_1326 = tpu.memref_squeeze %dma_start3A_1325 : memref<1x64x256xf32, #tpu.memory_space<vmem>> -> memref<64x256xf32, #tpu.memory_space<vmem>>
    %dma_start3A_1327 = arith.constant 0 : i32
    %dma_start3A_1328 = tpu.memref_slice %arg2[%add3A_1316, %dma_start3A_1327] : memref<262144x256xf32, #tpu.memory_space<hbm>> -> memref<64x256xf32, #tpu.memory_space<hbm>>
    tpu.enqueue_dma source(%dma_start3A_1328 : memref<64x256xf32, #tpu.memory_space<hbm>>) target(%dma_start3A_1326 : memref<64x256xf32, #tpu.memory_space<vmem>>) target_semaphore(%arg9 : memref<!tpu.dma_semaphore, #tpu.memory_space<semaphore_mem>>)
    %add3A_1329 = arith.constant 64 : i32
    %add3A_1330 = arith.addi %mul3A_2, %add3A_1329 : i32
    %dma_start3A_1331 = arith.constant 1 : i32
    %dma_start3A_1332 = arith.constant 0 : i32
    %dma_start3A_1333 = arith.constant 0 : i32
    %dma_start3A_1334 = tpu.memref_slice %arg5[%dma_start3A_1331, %dma_start3A_1332, %dma_start3A_1333] : memref<2x64x256xf32, #tpu.memory_space<vmem>> -> memref<1x64x256xf32, #tpu.memory_space<vmem>>
    %dma_start3A_1335 = tpu.memref_squeeze %dma_start3A_1334 : memref<1x64x256xf32, #tpu.memory_space<vmem>> -> memref<64x256xf32, #tpu.memory_space<vmem>>
    %dma_start3A_1336 = arith.constant 0 : i32
    %dma_start3A_1337 = tpu.memref_slice %arg2[%add3A_1330, %dma_start3A_1336] : memref<262144x256xf32, #tpu.memory_space<hbm>> -> memref<64x256xf32, #tpu.memory_space<hbm>>
    %dma_start3A_1338 = arith.constant 0 : i32
    %dma_start3A_1339 = arith.constant 0 : i32
    %dma_start3A_1340 = tpu.memref_slice %arg5[%dma_start3A_1331, %dma_start3A_1338, %dma_start3A_1339] : memref<2x64x256xf32, #tpu.memory_space<vmem>> -> memref<1x64x256xf32, #tpu.memory_space<vmem>>
    %dma_start3A_1341 = tpu.memref_squeeze %dma_start3A_1340 : memref<1x64x256xf32, #tpu.memory_space<vmem>> -> memref<64x256xf32, #tpu.memory_space<vmem>>
    %dma_start3A_1342 = arith.constant 0 : i32
    %dma_start3A_1343 = tpu.memref_slice %arg2[%add3A_1330, %dma_start3A_1342] : memref<262144x256xf32, #tpu.memory_space<hbm>> -> memref<64x256xf32, #tpu.memory_space<hbm>>
    tpu.enqueue_dma source(%dma_start3A_1343 : memref<64x256xf32, #tpu.memory_space<hbm>>) target(%dma_start3A_1341 : memref<64x256xf32, #tpu.memory_space<vmem>>) target_semaphore(%arg10 : memref<!tpu.dma_semaphore, #tpu.memory_space<semaphore_mem>>)
    %scan3A_1344 = arith.constant 0 : i32
    %scan3A_1345 = arith.constant 0 : i32
    %scan3A_1346 = arith.constant 6 : i32
    %scan3A_1347 = arith.addi %scan3A_1345, %scan3A_1346 : i32
    %scan3A_1348 = arith.constant 1 : i32
    scf.for %scan3A_1350 = %scan3A_1345 to %scan3A_1347 step %scan3A_1348  : i32 {
      %mul3A_1351 = arith.constant 2 : i32
      %mul3A_1352 = arith.muli %mul3A_1351, %scan3A_1350 : i32
      %add3A_1353 = arith.constant 0 : i32
      %add3A_1354 = arith.addi %mul3A_1352, %add3A_1353 : i32
      %mul3A_1355 = arith.constant 64 : i32
      %mul3A_1356 = arith.muli %add3A_1354, %mul3A_1355 : i32
      %add3A_1357 = arith.addi %mul3A_2, %mul3A_1356 : i32
      %dma_wait3A = arith.constant 0 : i32
      %dma_wait3A_1358 = arith.constant 0 : i32
      %dma_wait3A_1359 = arith.constant 0 : i32
      %dma_wait3A_1360 = tpu.memref_slice %arg5[%dma_wait3A, %dma_wait3A_1358, %dma_wait3A_1359] : memref<2x64x256xf32, #tpu.memory_space<vmem>> -> memref<1x64x256xf32, #tpu.memory_space<vmem>>
      %dma_wait3A_1361 = tpu.memref_squeeze %dma_wait3A_1360 : memref<1x64x256xf32, #tpu.memory_space<vmem>> -> memref<64x256xf32, #tpu.memory_space<vmem>>
      %dma_wait3A_1362 = arith.constant 0 : i32
      %dma_wait3A_1363 = tpu.memref_slice %arg2[%add3A_1357, %dma_wait3A_1362] : memref<262144x256xf32, #tpu.memory_space<hbm>> -> memref<64x256xf32, #tpu.memory_space<hbm>>
      %dma_wait3A_1364 = arith.constant 0 : i32
      %dma_wait3A_1365 = arith.constant 0 : i32
      %dma_wait3A_1366 = tpu.memref_slice %arg5[%dma_wait3A, %dma_wait3A_1364, %dma_wait3A_1365] : memref<2x64x256xf32, #tpu.memory_space<vmem>> -> memref<1x64x256xf32, #tpu.memory_space<vmem>>
      %dma_wait3A_1367 = tpu.memref_squeeze %dma_wait3A_1366 : memref<1x64x256xf32, #tpu.memory_space<vmem>> -> memref<64x256xf32, #tpu.memory_space<vmem>>
      %dma_wait3A_1368 = arith.constant 0 : i32
      %dma_wait3A_1369 = tpu.memref_slice %arg2[%add3A_1357, %dma_wait3A_1368] : memref<262144x256xf32, #tpu.memory_space<hbm>> -> memref<64x256xf32, #tpu.memory_space<hbm>>
      tpu.wait_dma2 semaphore(%arg9 : memref<!tpu.dma_semaphore, #tpu.memory_space<semaphore_mem>>) src(%dma_wait3A_1369 : memref<64x256xf32, #tpu.memory_space<hbm>>) dst(%dma_wait3A_1367 : memref<64x256xf32, #tpu.memory_space<vmem>>)
      %broadcast_in_dim3A_1370 = arith.constant 0.000000e+00 : f32
      %broadcast_in_dim3A_1371 = vector.broadcast %broadcast_in_dim3A_1370 : f32 to vector<16xf32>
      %broadcast_in_dim3A_1372 = arith.constant 0.000000e+00 : f32
      %broadcast_in_dim3A_1373 = vector.broadcast %broadcast_in_dim3A_1372 : f32 to vector<16xf32>
      %broadcast_in_dim3A_1374 = arith.constant 0.000000e+00 : f32
      %broadcast_in_dim3A_1375 = vector.broadcast %broadcast_in_dim3A_1374 : f32 to vector<16xf32>
      %broadcast_in_dim3A_1376 = arith.constant 0.000000e+00 : f32
      %broadcast_in_dim3A_1377 = vector.broadcast %broadcast_in_dim3A_1376 : f32 to vector<16xf32>
      %broadcast_in_dim3A_1378 = arith.constant 0.000000e+00 : f32
      %broadcast_in_dim3A_1379 = vector.broadcast %broadcast_in_dim3A_1378 : f32 to vector<16xf32>
      %broadcast_in_dim3A_1380 = arith.constant 0.000000e+00 : f32
      %broadcast_in_dim3A_1381 = vector.broadcast %broadcast_in_dim3A_1380 : f32 to vector<16xf32>
      %broadcast_in_dim3A_1382 = arith.constant 0.000000e+00 : f32
      %broadcast_in_dim3A_1383 = vector.broadcast %broadcast_in_dim3A_1382 : f32 to vector<16xf32>
      %broadcast_in_dim3A_1384 = arith.constant 0.000000e+00 : f32
      %broadcast_in_dim3A_1385 = vector.broadcast %broadcast_in_dim3A_1384 : f32 to vector<16xf32>
      %broadcast_in_dim3A_1386 = arith.constant 0.000000e+00 : f32
      %broadcast_in_dim3A_1387 = vector.broadcast %broadcast_in_dim3A_1386 : f32 to vector<16xf32>
      %broadcast_in_dim3A_1388 = arith.constant 0.000000e+00 : f32
      %broadcast_in_dim3A_1389 = vector.broadcast %broadcast_in_dim3A_1388 : f32 to vector<16xf32>
      %broadcast_in_dim3A_1390 = arith.constant 0.000000e+00 : f32
      %broadcast_in_dim3A_1391 = vector.broadcast %broadcast_in_dim3A_1390 : f32 to vector<16xf32>
      %broadcast_in_dim3A_1392 = arith.constant 0.000000e+00 : f32
      %broadcast_in_dim3A_1393 = vector.broadcast %broadcast_in_dim3A_1392 : f32 to vector<16xf32>
      %broadcast_in_dim3A_1394 = arith.constant 0.000000e+00 : f32
      %broadcast_in_dim3A_1395 = vector.broadcast %broadcast_in_dim3A_1394 : f32 to vector<16xf32>
      %broadcast_in_dim3A_1396 = arith.constant 0.000000e+00 : f32
      %broadcast_in_dim3A_1397 = vector.broadcast %broadcast_in_dim3A_1396 : f32 to vector<16xf32>
      %broadcast_in_dim3A_1398 = arith.constant 0.000000e+00 : f32
      %broadcast_in_dim3A_1399 = vector.broadcast %broadcast_in_dim3A_1398 : f32 to vector<16xf32>
      %broadcast_in_dim3A_1400 = arith.constant 0.000000e+00 : f32
      %broadcast_in_dim3A_1401 = vector.broadcast %broadcast_in_dim3A_1400 : f32 to vector<16xf32>
      %broadcast_in_dim3A_1402 = arith.constant 0.000000e+00 : f32
      %broadcast_in_dim3A_1403 = vector.broadcast %broadcast_in_dim3A_1402 : f32 to vector<16xf32>
      %broadcast_in_dim3A_1404 = arith.constant 0.000000e+00 : f32
      %broadcast_in_dim3A_1405 = vector.broadcast %broadcast_in_dim3A_1404 : f32 to vector<16xf32>
      %broadcast_in_dim3A_1406 = arith.constant 0.000000e+00 : f32
      %broadcast_in_dim3A_1407 = vector.broadcast %broadcast_in_dim3A_1406 : f32 to vector<16xf32>
      %broadcast_in_dim3A_1408 = arith.constant 0.000000e+00 : f32
      %broadcast_in_dim3A_1409 = vector.broadcast %broadcast_in_dim3A_1408 : f32 to vector<16xf32>
      %parallel_loop3A = arith.constant 0 : i32
      %parallel_loop3A_1410 = arith.constant 256 : i32
      %parallel_loop3A_1411 = arith.constant 1 : i32
      %parallel_loop3A_1412 = arith.constant 0 : i32
      %parallel_loop3A_1413:20 = scf.for %parallel_loop3A_1871 = %parallel_loop3A to %parallel_loop3A_1410 step %parallel_loop3A_1411 iter_args(%parallel_loop3A_1872 = %broadcast_in_dim3A_1371, %parallel_loop3A_1873 = %broadcast_in_dim3A_1373, %parallel_loop3A_1874 = %broadcast_in_dim3A_1375, %parallel_loop3A_1875 = %broadcast_in_dim3A_1377, %parallel_loop3A_1876 = %broadcast_in_dim3A_1379, %parallel_loop3A_1877 = %broadcast_in_dim3A_1381, %parallel_loop3A_1878 = %broadcast_in_dim3A_1383, %parallel_loop3A_1879 = %broadcast_in_dim3A_1385, %parallel_loop3A_1880 = %broadcast_in_dim3A_1387, %parallel_loop3A_1881 = %broadcast_in_dim3A_1389, %parallel_loop3A_1882 = %broadcast_in_dim3A_1391, %parallel_loop3A_1883 = %broadcast_in_dim3A_1393, %parallel_loop3A_1884 = %broadcast_in_dim3A_1395, %parallel_loop3A_1885 = %broadcast_in_dim3A_1397, %parallel_loop3A_1886 = %broadcast_in_dim3A_1399, %parallel_loop3A_1887 = %broadcast_in_dim3A_1401, %parallel_loop3A_1888 = %broadcast_in_dim3A_1403, %parallel_loop3A_1889 = %broadcast_in_dim3A_1405, %parallel_loop3A_1890 = %broadcast_in_dim3A_1407, %parallel_loop3A_1891 = %broadcast_in_dim3A_1409) -> (vector<16xf32>, vector<16xf32>, vector<16xf32>, vector<16xf32>, vector<16xf32>, vector<16xf32>, vector<16xf32>, vector<16xf32>, vector<16xf32>, vector<16xf32>, vector<16xf32>, vector<16xf32>, vector<16xf32>, vector<16xf32>, vector<16xf32>, vector<16xf32>, vector<16xf32>, vector<16xf32>, vector<16xf32>, vector<16xf32>)  : i32 {
        %parallel_loop3A_1892 = vector.broadcast %parallel_loop3A_1871 : i32 to vector<16xi32>
        %parallel_loop3A_1893 = arith.addi %parallel_loop3A_1892, %iota3A : vector<16xi32>
        %parallel_loop3A_1894 = arith.constant 255 : i32
        %parallel_loop3A_1895 = vector.broadcast %parallel_loop3A_1894 : i32 to vector<16xi32>
        %parallel_loop3A_1896 = arith.andi %parallel_loop3A_1893, %parallel_loop3A_1895 : vector<16xi32>
        %parallel_loop3A_1897 = tpu.vector_load_idx %arg7[%broadcast_in_dim3A_15, %parallel_loop3A_1896] : memref<5x256xf32, #tpu.memory_space<vmem>>[vector<16xi32>, vector<16xi32>], vector<16xf32>,
        %parallel_loop3A_1898 = tpu.vector_load_idx %arg7[%broadcast_in_dim3A_17, %parallel_loop3A_1896] : memref<5x256xf32, #tpu.memory_space<vmem>>[vector<16xi32>, vector<16xi32>], vector<16xf32>,
        %parallel_loop3A_1899 = tpu.vector_load_idx %arg7[%broadcast_in_dim3A_19, %parallel_loop3A_1896] : memref<5x256xf32, #tpu.memory_space<vmem>>[vector<16xi32>, vector<16xi32>], vector<16xf32>,
        %parallel_loop3A_1900 = tpu.vector_load_idx %arg7[%broadcast_in_dim3A_21, %parallel_loop3A_1896] : memref<5x256xf32, #tpu.memory_space<vmem>>[vector<16xi32>, vector<16xi32>], vector<16xf32>,
        %parallel_loop3A_1901 = tpu.vector_load_idx %arg7[%broadcast_in_dim3A_23, %parallel_loop3A_1896] : memref<5x256xf32, #tpu.memory_space<vmem>>[vector<16xi32>, vector<16xi32>], vector<16xf32>,
        %parallel_loop3A_1902 = arith.constant 0 : i32
        %parallel_loop3A_1903 = arith.constant 0 : i32
        %parallel_loop3A_1904 = tpu.memref_slice %arg5[%parallel_loop3A_1412, %parallel_loop3A_1902, %parallel_loop3A_1903] : memref<2x64x256xf32, #tpu.memory_space<vmem>> -> memref<1x64x256xf32, #tpu.memory_space<vmem>>
        %parallel_loop3A_1905 = tpu.memref_squeeze %parallel_loop3A_1904 : memref<1x64x256xf32, #tpu.memory_space<vmem>> -> memref<64x256xf32, #tpu.memory_space<vmem>>
        %parallel_loop3A_1906 = tpu.vector_load_idx %parallel_loop3A_1905[%add3A_5, %parallel_loop3A_1896] : memref<64x256xf32, #tpu.memory_space<vmem>>[vector<16xi32>, vector<16xi32>], vector<16xf32>,
        %parallel_loop3A_1907 = vector.bitcast %parallel_loop3A_1906 : vector<16xf32> to vector<16xi32>
        %parallel_loop3A_1908 = arith.constant 32768 : i32
        %parallel_loop3A_1909 = vector.broadcast %parallel_loop3A_1908 : i32 to vector<16xi32>
        %parallel_loop3A_1910 = arith.addi %parallel_loop3A_1907, %parallel_loop3A_1909 : vector<16xi32>
        %parallel_loop3A_1911 = arith.constant -65536 : i32
        %parallel_loop3A_1912 = vector.broadcast %parallel_loop3A_1911 : i32 to vector<16xi32>
        %parallel_loop3A_1913 = arith.andi %parallel_loop3A_1910, %parallel_loop3A_1912 : vector<16xi32>
        %parallel_loop3A_1914 = vector.bitcast %parallel_loop3A_1913 : vector<16xi32> to vector<16xf32>
        %parallel_loop3A_1915 = arith.mulf %parallel_loop3A_1914, %parallel_loop3A_1897 : vector<16xf32>
        %parallel_loop3A_1916 = arith.addf %parallel_loop3A_1872, %parallel_loop3A_1915 : vector<16xf32>
        %parallel_loop3A_1917 = arith.mulf %parallel_loop3A_1914, %parallel_loop3A_1898 : vector<16xf32>
        %parallel_loop3A_1918 = arith.addf %parallel_loop3A_1873, %parallel_loop3A_1917 : vector<16xf32>
        %parallel_loop3A_1919 = arith.mulf %parallel_loop3A_1914, %parallel_loop3A_1899 : vector<16xf32>
        %parallel_loop3A_1920 = arith.addf %parallel_loop3A_1874, %parallel_loop3A_1919 : vector<16xf32>
        %parallel_loop3A_1921 = arith.mulf %parallel_loop3A_1914, %parallel_loop3A_1900 : vector<16xf32>
        %parallel_loop3A_1922 = arith.addf %parallel_loop3A_1875, %parallel_loop3A_1921 : vector<16xf32>
        %parallel_loop3A_1923 = arith.mulf %parallel_loop3A_1914, %parallel_loop3A_1901 : vector<16xf32>
        %parallel_loop3A_1924 = arith.addf %parallel_loop3A_1876, %parallel_loop3A_1923 : vector<16xf32>
        %parallel_loop3A_1925 = arith.constant 0 : i32
        %parallel_loop3A_1926 = arith.constant 0 : i32
        %parallel_loop3A_1927 = tpu.memref_slice %arg5[%parallel_loop3A_1412, %parallel_loop3A_1925, %parallel_loop3A_1926] : memref<2x64x256xf32, #tpu.memory_space<vmem>> -> memref<1x64x256xf32, #tpu.memory_space<vmem>>
        %parallel_loop3A_1928 = tpu.memref_squeeze %parallel_loop3A_1927 : memref<1x64x256xf32, #tpu.memory_space<vmem>> -> memref<64x256xf32, #tpu.memory_space<vmem>>
        %parallel_loop3A_1929 = tpu.vector_load_idx %parallel_loop3A_1928[%add3A_8, %parallel_loop3A_1896] : memref<64x256xf32, #tpu.memory_space<vmem>>[vector<16xi32>, vector<16xi32>], vector<16xf32>,
        %parallel_loop3A_1930 = vector.bitcast %parallel_loop3A_1929 : vector<16xf32> to vector<16xi32>
        %parallel_loop3A_1931 = arith.constant 32768 : i32
        %parallel_loop3A_1932 = vector.broadcast %parallel_loop3A_1931 : i32 to vector<16xi32>
        %parallel_loop3A_1933 = arith.addi %parallel_loop3A_1930, %parallel_loop3A_1932 : vector<16xi32>
        %parallel_loop3A_1934 = arith.constant -65536 : i32
        %parallel_loop3A_1935 = vector.broadcast %parallel_loop3A_1934 : i32 to vector<16xi32>
        %parallel_loop3A_1936 = arith.andi %parallel_loop3A_1933, %parallel_loop3A_1935 : vector<16xi32>
        %parallel_loop3A_1937 = vector.bitcast %parallel_loop3A_1936 : vector<16xi32> to vector<16xf32>
        %parallel_loop3A_1938 = arith.mulf %parallel_loop3A_1937, %parallel_loop3A_1897 : vector<16xf32>
        %parallel_loop3A_1939 = arith.addf %parallel_loop3A_1877, %parallel_loop3A_1938 : vector<16xf32>
        %parallel_loop3A_1940 = arith.mulf %parallel_loop3A_1937, %parallel_loop3A_1898 : vector<16xf32>
        %parallel_loop3A_1941 = arith.addf %parallel_loop3A_1878, %parallel_loop3A_1940 : vector<16xf32>
        %parallel_loop3A_1942 = arith.mulf %parallel_loop3A_1937, %parallel_loop3A_1899 : vector<16xf32>
        %parallel_loop3A_1943 = arith.addf %parallel_loop3A_1879, %parallel_loop3A_1942 : vector<16xf32>
        %parallel_loop3A_1944 = arith.mulf %parallel_loop3A_1937, %parallel_loop3A_1900 : vector<16xf32>
        %parallel_loop3A_1945 = arith.addf %parallel_loop3A_1880, %parallel_loop3A_1944 : vector<16xf32>
        %parallel_loop3A_1946 = arith.mulf %parallel_loop3A_1937, %parallel_loop3A_1901 : vector<16xf32>
        %parallel_loop3A_1947 = arith.addf %parallel_loop3A_1881, %parallel_loop3A_1946 : vector<16xf32>
        %parallel_loop3A_1948 = arith.constant 0 : i32
        %parallel_loop3A_1949 = arith.constant 0 : i32
        %parallel_loop3A_1950 = tpu.memref_slice %arg5[%parallel_loop3A_1412, %parallel_loop3A_1948, %parallel_loop3A_1949] : memref<2x64x256xf32, #tpu.memory_space<vmem>> -> memref<1x64x256xf32, #tpu.memory_space<vmem>>
        %parallel_loop3A_1951 = tpu.memref_squeeze %parallel_loop3A_1950 : memref<1x64x256xf32, #tpu.memory_space<vmem>> -> memref<64x256xf32, #tpu.memory_space<vmem>>
        %parallel_loop3A_1952 = tpu.vector_load_idx %parallel_loop3A_1951[%add3A_11, %parallel_loop3A_1896] : memref<64x256xf32, #tpu.memory_space<vmem>>[vector<16xi32>, vector<16xi32>], vector<16xf32>,
        %parallel_loop3A_1953 = vector.bitcast %parallel_loop3A_1952 : vector<16xf32> to vector<16xi32>
        %parallel_loop3A_1954 = arith.constant 32768 : i32
        %parallel_loop3A_1955 = vector.broadcast %parallel_loop3A_1954 : i32 to vector<16xi32>
        %parallel_loop3A_1956 = arith.addi %parallel_loop3A_1953, %parallel_loop3A_1955 : vector<16xi32>
        %parallel_loop3A_1957 = arith.constant -65536 : i32
        %parallel_loop3A_1958 = vector.broadcast %parallel_loop3A_1957 : i32 to vector<16xi32>
        %parallel_loop3A_1959 = arith.andi %parallel_loop3A_1956, %parallel_loop3A_1958 : vector<16xi32>
        %parallel_loop3A_1960 = vector.bitcast %parallel_loop3A_1959 : vector<16xi32> to vector<16xf32>
        %parallel_loop3A_1961 = arith.mulf %parallel_loop3A_1960, %parallel_loop3A_1897 : vector<16xf32>
        %parallel_loop3A_1962 = arith.addf %parallel_loop3A_1882, %parallel_loop3A_1961 : vector<16xf32>
        %parallel_loop3A_1963 = arith.mulf %parallel_loop3A_1960, %parallel_loop3A_1898 : vector<16xf32>
        %parallel_loop3A_1964 = arith.addf %parallel_loop3A_1883, %parallel_loop3A_1963 : vector<16xf32>
        %parallel_loop3A_1965 = arith.mulf %parallel_loop3A_1960, %parallel_loop3A_1899 : vector<16xf32>
        %parallel_loop3A_1966 = arith.addf %parallel_loop3A_1884, %parallel_loop3A_1965 : vector<16xf32>
        %parallel_loop3A_1967 = arith.mulf %parallel_loop3A_1960, %parallel_loop3A_1900 : vector<16xf32>
        %parallel_loop3A_1968 = arith.addf %parallel_loop3A_1885, %parallel_loop3A_1967 : vector<16xf32>
        %parallel_loop3A_1969 = arith.mulf %parallel_loop3A_1960, %parallel_loop3A_1901 : vector<16xf32>
        %parallel_loop3A_1970 = arith.addf %parallel_loop3A_1886, %parallel_loop3A_1969 : vector<16xf32>
        %parallel_loop3A_1971 = arith.constant 0 : i32
        %parallel_loop3A_1972 = arith.constant 0 : i32
        %parallel_loop3A_1973 = tpu.memref_slice %arg5[%parallel_loop3A_1412, %parallel_loop3A_1971, %parallel_loop3A_1972] : memref<2x64x256xf32, #tpu.memory_space<vmem>> -> memref<1x64x256xf32, #tpu.memory_space<vmem>>
        %parallel_loop3A_1974 = tpu.memref_squeeze %parallel_loop3A_1973 : memref<1x64x256xf32, #tpu.memory_space<vmem>> -> memref<64x256xf32, #tpu.memory_space<vmem>>
        %parallel_loop3A_1975 = tpu.vector_load_idx %parallel_loop3A_1974[%add3A_14, %parallel_loop3A_1896] : memref<64x256xf32, #tpu.memory_space<vmem>>[vector<16xi32>, vector<16xi32>], vector<16xf32>,
        %parallel_loop3A_1976 = vector.bitcast %parallel_loop3A_1975 : vector<16xf32> to vector<16xi32>
        %parallel_loop3A_1977 = arith.constant 32768 : i32
        %parallel_loop3A_1978 = vector.broadcast %parallel_loop3A_1977 : i32 to vector<16xi32>
        %parallel_loop3A_1979 = arith.addi %parallel_loop3A_1976, %parallel_loop3A_1978 : vector<16xi32>
        %parallel_loop3A_1980 = arith.constant -65536 : i32
        %parallel_loop3A_1981 = vector.broadcast %parallel_loop3A_1980 : i32 to vector<16xi32>
        %parallel_loop3A_1982 = arith.andi %parallel_loop3A_1979, %parallel_loop3A_1981 : vector<16xi32>
        %parallel_loop3A_1983 = vector.bitcast %parallel_loop3A_1982 : vector<16xi32> to vector<16xf32>
        %parallel_loop3A_1984 = arith.mulf %parallel_loop3A_1983, %parallel_loop3A_1897 : vector<16xf32>
        %parallel_loop3A_1985 = arith.addf %parallel_loop3A_1887, %parallel_loop3A_1984 : vector<16xf32>
        %parallel_loop3A_1986 = arith.mulf %parallel_loop3A_1983, %parallel_loop3A_1898 : vector<16xf32>
        %parallel_loop3A_1987 = arith.addf %parallel_loop3A_1888, %parallel_loop3A_1986 : vector<16xf32>
        %parallel_loop3A_1988 = arith.mulf %parallel_loop3A_1983, %parallel_loop3A_1899 : vector<16xf32>
        %parallel_loop3A_1989 = arith.addf %parallel_loop3A_1889, %parallel_loop3A_1988 : vector<16xf32>
        %parallel_loop3A_1990 = arith.mulf %parallel_loop3A_1983, %parallel_loop3A_1900 : vector<16xf32>
        %parallel_loop3A_1991 = arith.addf %parallel_loop3A_1890, %parallel_loop3A_1990 : vector<16xf32>
        %parallel_loop3A_1992 = arith.mulf %parallel_loop3A_1983, %parallel_loop3A_1901 : vector<16xf32>
        %parallel_loop3A_1993 = arith.addf %parallel_loop3A_1891, %parallel_loop3A_1992 : vector<16xf32>
        scf.yield %parallel_loop3A_1916, %parallel_loop3A_1918, %parallel_loop3A_1920, %parallel_loop3A_1922, %parallel_loop3A_1924, %parallel_loop3A_1939, %parallel_loop3A_1941, %parallel_loop3A_1943, %parallel_loop3A_1945, %parallel_loop3A_1947, %parallel_loop3A_1962, %parallel_loop3A_1964, %parallel_loop3A_1966, %parallel_loop3A_1968, %parallel_loop3A_1970, %parallel_loop3A_1985, %parallel_loop3A_1987, %parallel_loop3A_1989, %parallel_loop3A_1991, %parallel_loop3A_1993 : vector<16xf32>, vector<16xf32>, vector<16xf32>, vector<16xf32>, vector<16xf32>, vector<16xf32>, vector<16xf32>, vector<16xf32>, vector<16xf32>, vector<16xf32>, vector<16xf32>, vector<16xf32>, vector<16xf32>, vector<16xf32>, vector<16xf32>, vector<16xf32>, vector<16xf32>, vector<16xf32>, vector<16xf32>, vector<16xf32>
      } {sc.loop_unroll_factor = 4 : i64, sc.parallel_access}
      %mul3A_1414 = arith.constant 2.000000e+00 : f32
      %mul3A_1415 = vector.broadcast %mul3A_1414 : f32 to vector<16xf32>
      %mul3A_1416 = arith.mulf %mul3A_1415, %parallel_loop3A_1413#0 : vector<16xf32>
      %sub3A = arith.subf %scan3A_37#0, %mul3A_1416 : vector<16xf32>
      %broadcast_in_dim3A_1417 = arith.constant 0 : i32
      %broadcast_in_dim3A_1418 = vector.broadcast %broadcast_in_dim3A_1417 : i32 to vector<16xi32>
      %mul3A_1419 = arith.constant 2.000000e+00 : f32
      %mul3A_1420 = vector.broadcast %mul3A_1419 : f32 to vector<16xf32>
      %mul3A_1421 = arith.mulf %mul3A_1420, %parallel_loop3A_1413#1 : vector<16xf32>
      %sub3A_1422 = arith.subf %scan3A_37#1, %mul3A_1421 : vector<16xf32>
      %lt3A = arith.cmpf olt, %sub3A_1422, %sub3A : vector<16xf32>
      %select_n3A = arith.select %lt3A, %sub3A_1422, %sub3A : vector<16xi1>, vector<16xf32>
      %jit3A = arith.constant 1 : i32
      %broadcast_in_dim3A_1423 = vector.broadcast %jit3A : i32 to vector<16xi32>
      %select_n3A_1424 = arith.select %lt3A, %broadcast_in_dim3A_1423, %broadcast_in_dim3A_1418 : vector<16xi1>, vector<16xi32>
      %mul3A_1425 = arith.constant 2.000000e+00 : f32
      %mul3A_1426 = vector.broadcast %mul3A_1425 : f32 to vector<16xf32>
      %mul3A_1427 = arith.mulf %mul3A_1426, %parallel_loop3A_1413#2 : vector<16xf32>
      %sub3A_1428 = arith.subf %scan3A_37#2, %mul3A_1427 : vector<16xf32>
      %lt3A_1429 = arith.cmpf olt, %sub3A_1428, %select_n3A : vector<16xf32>
      %select_n3A_1430 = arith.select %lt3A_1429, %sub3A_1428, %select_n3A : vector<16xi1>, vector<16xf32>
      %jit3A_1431 = arith.constant 2 : i32
      %broadcast_in_dim3A_1432 = vector.broadcast %jit3A_1431 : i32 to vector<16xi32>
      %select_n3A_1433 = arith.select %lt3A_1429, %broadcast_in_dim3A_1432, %select_n3A_1424 : vector<16xi1>, vector<16xi32>
      %mul3A_1434 = arith.constant 2.000000e+00 : f32
      %mul3A_1435 = vector.broadcast %mul3A_1434 : f32 to vector<16xf32>
      %mul3A_1436 = arith.mulf %mul3A_1435, %parallel_loop3A_1413#3 : vector<16xf32>
      %sub3A_1437 = arith.subf %scan3A_37#3, %mul3A_1436 : vector<16xf32>
      %lt3A_1438 = arith.cmpf olt, %sub3A_1437, %select_n3A_1430 : vector<16xf32>
      %select_n3A_1439 = arith.select %lt3A_1438, %sub3A_1437, %select_n3A_1430 : vector<16xi1>, vector<16xf32>
      %jit3A_1440 = arith.constant 3 : i32
      %broadcast_in_dim3A_1441 = vector.broadcast %jit3A_1440 : i32 to vector<16xi32>
      %select_n3A_1442 = arith.select %lt3A_1438, %broadcast_in_dim3A_1441, %select_n3A_1433 : vector<16xi1>, vector<16xi32>
      %mul3A_1443 = arith.constant 2.000000e+00 : f32
      %mul3A_1444 = vector.broadcast %mul3A_1443 : f32 to vector<16xf32>
      %mul3A_1445 = arith.mulf %mul3A_1444, %parallel_loop3A_1413#4 : vector<16xf32>
      %sub3A_1446 = arith.subf %scan3A_37#4, %mul3A_1445 : vector<16xf32>
      %lt3A_1447 = arith.cmpf olt, %sub3A_1446, %select_n3A_1439 : vector<16xf32>
      %select_n3A_1448 = arith.select %lt3A_1447, %sub3A_1446, %select_n3A_1439 : vector<16xi1>, vector<16xf32>
      %jit3A_1449 = arith.constant 4 : i32
      %broadcast_in_dim3A_1450 = vector.broadcast %jit3A_1449 : i32 to vector<16xi32>
      %select_n3A_1451 = arith.select %lt3A_1447, %broadcast_in_dim3A_1450, %select_n3A_1442 : vector<16xi1>, vector<16xi32>
      %mul3A_1452 = arith.constant 64 : i32
      %mul3A_1453 = arith.muli %add3A_1354, %mul3A_1452 : i32
      %add3A_1454 = arith.constant 0 : i32
      %add3A_1455 = arith.addi %mul3A_1453, %add3A_1454 : i32
      %swap3A_1456 = arith.index_cast %add3A_1455 : i32 to index
      %swap3A_1457 = tpu.vector_load %arg8[%swap3A_1456] {strides = array<i32>} : memref<768xi32, #tpu.memory_space<vmem>>, vector<16xi32>,
      tpu.vector_store %arg8[%swap3A_1456], %select_n3A_1451 {strides = array<i32>} : memref<768xi32, #tpu.memory_space<vmem>>, vector<16xi32>,
      %mul3A_1458 = arith.constant 2.000000e+00 : f32
      %mul3A_1459 = vector.broadcast %mul3A_1458 : f32 to vector<16xf32>
      %mul3A_1460 = arith.mulf %mul3A_1459, %parallel_loop3A_1413#5 : vector<16xf32>
      %sub3A_1461 = arith.subf %scan3A_37#0, %mul3A_1460 : vector<16xf32>
      %broadcast_in_dim3A_1462 = arith.constant 0 : i32
      %broadcast_in_dim3A_1463 = vector.broadcast %broadcast_in_dim3A_1462 : i32 to vector<16xi32>
      %mul3A_1464 = arith.constant 2.000000e+00 : f32
      %mul3A_1465 = vector.broadcast %mul3A_1464 : f32 to vector<16xf32>
      %mul3A_1466 = arith.mulf %mul3A_1465, %parallel_loop3A_1413#6 : vector<16xf32>
      %sub3A_1467 = arith.subf %scan3A_37#1, %mul3A_1466 : vector<16xf32>
      %lt3A_1468 = arith.cmpf olt, %sub3A_1467, %sub3A_1461 : vector<16xf32>
      %select_n3A_1469 = arith.select %lt3A_1468, %sub3A_1467, %sub3A_1461 : vector<16xi1>, vector<16xf32>
      %jit3A_1470 = arith.constant 1 : i32
      %broadcast_in_dim3A_1471 = vector.broadcast %jit3A_1470 : i32 to vector<16xi32>
      %select_n3A_1472 = arith.select %lt3A_1468, %broadcast_in_dim3A_1471, %broadcast_in_dim3A_1463 : vector<16xi1>, vector<16xi32>
      %mul3A_1473 = arith.constant 2.000000e+00 : f32
      %mul3A_1474 = vector.broadcast %mul3A_1473 : f32 to vector<16xf32>
      %mul3A_1475 = arith.mulf %mul3A_1474, %parallel_loop3A_1413#7 : vector<16xf32>
      %sub3A_1476 = arith.subf %scan3A_37#2, %mul3A_1475 : vector<16xf32>
      %lt3A_1477 = arith.cmpf olt, %sub3A_1476, %select_n3A_1469 : vector<16xf32>
      %select_n3A_1478 = arith.select %lt3A_1477, %sub3A_1476, %select_n3A_1469 : vector<16xi1>, vector<16xf32>
      %jit3A_1479 = arith.constant 2 : i32
      %broadcast_in_dim3A_1480 = vector.broadcast %jit3A_1479 : i32 to vector<16xi32>
      %select_n3A_1481 = arith.select %lt3A_1477, %broadcast_in_dim3A_1480, %select_n3A_1472 : vector<16xi1>, vector<16xi32>
      %mul3A_1482 = arith.constant 2.000000e+00 : f32
      %mul3A_1483 = vector.broadcast %mul3A_1482 : f32 to vector<16xf32>
      %mul3A_1484 = arith.mulf %mul3A_1483, %parallel_loop3A_1413#8 : vector<16xf32>
      %sub3A_1485 = arith.subf %scan3A_37#3, %mul3A_1484 : vector<16xf32>
      %lt3A_1486 = arith.cmpf olt, %sub3A_1485, %select_n3A_1478 : vector<16xf32>
      %select_n3A_1487 = arith.select %lt3A_1486, %sub3A_1485, %select_n3A_1478 : vector<16xi1>, vector<16xf32>
      %jit3A_1488 = arith.constant 3 : i32
      %broadcast_in_dim3A_1489 = vector.broadcast %jit3A_1488 : i32 to vector<16xi32>
      %select_n3A_1490 = arith.select %lt3A_1486, %broadcast_in_dim3A_1489, %select_n3A_1481 : vector<16xi1>, vector<16xi32>
      %mul3A_1491 = arith.constant 2.000000e+00 : f32
      %mul3A_1492 = vector.broadcast %mul3A_1491 : f32 to vector<16xf32>
      %mul3A_1493 = arith.mulf %mul3A_1492, %parallel_loop3A_1413#9 : vector<16xf32>
      %sub3A_1494 = arith.subf %scan3A_37#4, %mul3A_1493 : vector<16xf32>
      %lt3A_1495 = arith.cmpf olt, %sub3A_1494, %select_n3A_1487 : vector<16xf32>
      %select_n3A_1496 = arith.select %lt3A_1495, %sub3A_1494, %select_n3A_1487 : vector<16xi1>, vector<16xf32>
      %jit3A_1497 = arith.constant 4 : i32
      %broadcast_in_dim3A_1498 = vector.broadcast %jit3A_1497 : i32 to vector<16xi32>
      %select_n3A_1499 = arith.select %lt3A_1495, %broadcast_in_dim3A_1498, %select_n3A_1490 : vector<16xi1>, vector<16xi32>
      %mul3A_1500 = arith.constant 64 : i32
      %mul3A_1501 = arith.muli %add3A_1354, %mul3A_1500 : i32
      %add3A_1502 = arith.constant 16 : i32
      %add3A_1503 = arith.addi %mul3A_1501, %add3A_1502 : i32
      %swap3A_1504 = arith.index_cast %add3A_1503 : i32 to index
      %swap3A_1505 = tpu.vector_load %arg8[%swap3A_1504] {strides = array<i32>} : memref<768xi32, #tpu.memory_space<vmem>>, vector<16xi32>,
      tpu.vector_store %arg8[%swap3A_1504], %select_n3A_1499 {strides = array<i32>} : memref<768xi32, #tpu.memory_space<vmem>>, vector<16xi32>,
      %mul3A_1506 = arith.constant 2.000000e+00 : f32
      %mul3A_1507 = vector.broadcast %mul3A_1506 : f32 to vector<16xf32>
      %mul3A_1508 = arith.mulf %mul3A_1507, %parallel_loop3A_1413#10 : vector<16xf32>
      %sub3A_1509 = arith.subf %scan3A_37#0, %mul3A_1508 : vector<16xf32>
      %broadcast_in_dim3A_1510 = arith.constant 0 : i32
      %broadcast_in_dim3A_1511 = vector.broadcast %broadcast_in_dim3A_1510 : i32 to vector<16xi32>
      %mul3A_1512 = arith.constant 2.000000e+00 : f32
      %mul3A_1513 = vector.broadcast %mul3A_1512 : f32 to vector<16xf32>
      %mul3A_1514 = arith.mulf %mul3A_1513, %parallel_loop3A_1413#11 : vector<16xf32>
      %sub3A_1515 = arith.subf %scan3A_37#1, %mul3A_1514 : vector<16xf32>
      %lt3A_1516 = arith.cmpf olt, %sub3A_1515, %sub3A_1509 : vector<16xf32>
      %select_n3A_1517 = arith.select %lt3A_1516, %sub3A_1515, %sub3A_1509 : vector<16xi1>, vector<16xf32>
      %jit3A_1518 = arith.constant 1 : i32
      %broadcast_in_dim3A_1519 = vector.broadcast %jit3A_1518 : i32 to vector<16xi32>
      %select_n3A_1520 = arith.select %lt3A_1516, %broadcast_in_dim3A_1519, %broadcast_in_dim3A_1511 : vector<16xi1>, vector<16xi32>
      %mul3A_1521 = arith.constant 2.000000e+00 : f32
      %mul3A_1522 = vector.broadcast %mul3A_1521 : f32 to vector<16xf32>
      %mul3A_1523 = arith.mulf %mul3A_1522, %parallel_loop3A_1413#12 : vector<16xf32>
      %sub3A_1524 = arith.subf %scan3A_37#2, %mul3A_1523 : vector<16xf32>
      %lt3A_1525 = arith.cmpf olt, %sub3A_1524, %select_n3A_1517 : vector<16xf32>
      %select_n3A_1526 = arith.select %lt3A_1525, %sub3A_1524, %select_n3A_1517 : vector<16xi1>, vector<16xf32>
      %jit3A_1527 = arith.constant 2 : i32
      %broadcast_in_dim3A_1528 = vector.broadcast %jit3A_1527 : i32 to vector<16xi32>
      %select_n3A_1529 = arith.select %lt3A_1525, %broadcast_in_dim3A_1528, %select_n3A_1520 : vector<16xi1>, vector<16xi32>
      %mul3A_1530 = arith.constant 2.000000e+00 : f32
      %mul3A_1531 = vector.broadcast %mul3A_1530 : f32 to vector<16xf32>
      %mul3A_1532 = arith.mulf %mul3A_1531, %parallel_loop3A_1413#13 : vector<16xf32>
      %sub3A_1533 = arith.subf %scan3A_37#3, %mul3A_1532 : vector<16xf32>
      %lt3A_1534 = arith.cmpf olt, %sub3A_1533, %select_n3A_1526 : vector<16xf32>
      %select_n3A_1535 = arith.select %lt3A_1534, %sub3A_1533, %select_n3A_1526 : vector<16xi1>, vector<16xf32>
      %jit3A_1536 = arith.constant 3 : i32
      %broadcast_in_dim3A_1537 = vector.broadcast %jit3A_1536 : i32 to vector<16xi32>
      %select_n3A_1538 = arith.select %lt3A_1534, %broadcast_in_dim3A_1537, %select_n3A_1529 : vector<16xi1>, vector<16xi32>
      %mul3A_1539 = arith.constant 2.000000e+00 : f32
      %mul3A_1540 = vector.broadcast %mul3A_1539 : f32 to vector<16xf32>
      %mul3A_1541 = arith.mulf %mul3A_1540, %parallel_loop3A_1413#14 : vector<16xf32>
      %sub3A_1542 = arith.subf %scan3A_37#4, %mul3A_1541 : vector<16xf32>
      %lt3A_1543 = arith.cmpf olt, %sub3A_1542, %select_n3A_1535 : vector<16xf32>
      %select_n3A_1544 = arith.select %lt3A_1543, %sub3A_1542, %select_n3A_1535 : vector<16xi1>, vector<16xf32>
      %jit3A_1545 = arith.constant 4 : i32
      %broadcast_in_dim3A_1546 = vector.broadcast %jit3A_1545 : i32 to vector<16xi32>
      %select_n3A_1547 = arith.select %lt3A_1543, %broadcast_in_dim3A_1546, %select_n3A_1538 : vector<16xi1>, vector<16xi32>
      %mul3A_1548 = arith.constant 64 : i32
      %mul3A_1549 = arith.muli %add3A_1354, %mul3A_1548 : i32
      %add3A_1550 = arith.constant 32 : i32
      %add3A_1551 = arith.addi %mul3A_1549, %add3A_1550 : i32
      %swap3A_1552 = arith.index_cast %add3A_1551 : i32 to index
      %swap3A_1553 = tpu.vector_load %arg8[%swap3A_1552] {strides = array<i32>} : memref<768xi32, #tpu.memory_space<vmem>>, vector<16xi32>,
      tpu.vector_store %arg8[%swap3A_1552], %select_n3A_1547 {strides = array<i32>} : memref<768xi32, #tpu.memory_space<vmem>>, vector<16xi32>,
      %mul3A_1554 = arith.constant 2.000000e+00 : f32
      %mul3A_1555 = vector.broadcast %mul3A_1554 : f32 to vector<16xf32>
      %mul3A_1556 = arith.mulf %mul3A_1555, %parallel_loop3A_1413#15 : vector<16xf32>
      %sub3A_1557 = arith.subf %scan3A_37#0, %mul3A_1556 : vector<16xf32>
      %broadcast_in_dim3A_1558 = arith.constant 0 : i32
      %broadcast_in_dim3A_1559 = vector.broadcast %broadcast_in_dim3A_1558 : i32 to vector<16xi32>
      %mul3A_1560 = arith.constant 2.000000e+00 : f32
      %mul3A_1561 = vector.broadcast %mul3A_1560 : f32 to vector<16xf32>
      %mul3A_1562 = arith.mulf %mul3A_1561, %parallel_loop3A_1413#16 : vector<16xf32>
      %sub3A_1563 = arith.subf %scan3A_37#1, %mul3A_1562 : vector<16xf32>
      %lt3A_1564 = arith.cmpf olt, %sub3A_1563, %sub3A_1557 : vector<16xf32>
      %select_n3A_1565 = arith.select %lt3A_1564, %sub3A_1563, %sub3A_1557 : vector<16xi1>, vector<16xf32>
      %jit3A_1566 = arith.constant 1 : i32
      %broadcast_in_dim3A_1567 = vector.broadcast %jit3A_1566 : i32 to vector<16xi32>
      %select_n3A_1568 = arith.select %lt3A_1564, %broadcast_in_dim3A_1567, %broadcast_in_dim3A_1559 : vector<16xi1>, vector<16xi32>
      %mul3A_1569 = arith.constant 2.000000e+00 : f32
      %mul3A_1570 = vector.broadcast %mul3A_1569 : f32 to vector<16xf32>
      %mul3A_1571 = arith.mulf %mul3A_1570, %parallel_loop3A_1413#17 : vector<16xf32>
      %sub3A_1572 = arith.subf %scan3A_37#2, %mul3A_1571 : vector<16xf32>
      %lt3A_1573 = arith.cmpf olt, %sub3A_1572, %select_n3A_1565 : vector<16xf32>
      %select_n3A_1574 = arith.select %lt3A_1573, %sub3A_1572, %select_n3A_1565 : vector<16xi1>, vector<16xf32>
      %jit3A_1575 = arith.constant 2 : i32
      %broadcast_in_dim3A_1576 = vector.broadcast %jit3A_1575 : i32 to vector<16xi32>
      %select_n3A_1577 = arith.select %lt3A_1573, %broadcast_in_dim3A_1576, %select_n3A_1568 : vector<16xi1>, vector<16xi32>
      %mul3A_1578 = arith.constant 2.000000e+00 : f32
      %mul3A_1579 = vector.broadcast %mul3A_1578 : f32 to vector<16xf32>
      %mul3A_1580 = arith.mulf %mul3A_1579, %parallel_loop3A_1413#18 : vector<16xf32>
      %sub3A_1581 = arith.subf %scan3A_37#3, %mul3A_1580 : vector<16xf32>
      %lt3A_1582 = arith.cmpf olt, %sub3A_1581, %select_n3A_1574 : vector<16xf32>
      %select_n3A_1583 = arith.select %lt3A_1582, %sub3A_1581, %select_n3A_1574 : vector<16xi1>, vector<16xf32>
      %jit3A_1584 = arith.constant 3 : i32
      %broadcast_in_dim3A_1585 = vector.broadcast %jit3A_1584 : i32 to vector<16xi32>
      %select_n3A_1586 = arith.select %lt3A_1582, %broadcast_in_dim3A_1585, %select_n3A_1577 : vector<16xi1>, vector<16xi32>
      %mul3A_1587 = arith.constant 2.000000e+00 : f32
      %mul3A_1588 = vector.broadcast %mul3A_1587 : f32 to vector<16xf32>
      %mul3A_1589 = arith.mulf %mul3A_1588, %parallel_loop3A_1413#19 : vector<16xf32>
      %sub3A_1590 = arith.subf %scan3A_37#4, %mul3A_1589 : vector<16xf32>
      %lt3A_1591 = arith.cmpf olt, %sub3A_1590, %select_n3A_1583 : vector<16xf32>
      %select_n3A_1592 = arith.select %lt3A_1591, %sub3A_1590, %select_n3A_1583 : vector<16xi1>, vector<16xf32>
      %jit3A_1593 = arith.constant 4 : i32
      %broadcast_in_dim3A_1594 = vector.broadcast %jit3A_1593 : i32 to vector<16xi32>
      %select_n3A_1595 = arith.select %lt3A_1591, %broadcast_in_dim3A_1594, %select_n3A_1586 : vector<16xi1>, vector<16xi32>
      %mul3A_1596 = arith.constant 64 : i32
      %mul3A_1597 = arith.muli %add3A_1354, %mul3A_1596 : i32
      %add3A_1598 = arith.constant 48 : i32
      %add3A_1599 = arith.addi %mul3A_1597, %add3A_1598 : i32
      %swap3A_1600 = arith.index_cast %add3A_1599 : i32 to index
      %swap3A_1601 = tpu.vector_load %arg8[%swap3A_1600] {strides = array<i32>} : memref<768xi32, #tpu.memory_space<vmem>>, vector<16xi32>,
      tpu.vector_store %arg8[%swap3A_1600], %select_n3A_1595 {strides = array<i32>} : memref<768xi32, #tpu.memory_space<vmem>>, vector<16xi32>,
      %add3A_1602 = arith.constant 2 : i32
      %add3A_1603 = arith.addi %add3A_1354, %add3A_1602 : i32
      %lt3A_1604 = arith.constant 12 : i32
      %lt3A_1605 = arith.cmpi slt, %add3A_1603, %lt3A_1604 : i32
      %convert_element_type3A = arith.extui %lt3A_1605 : i1 to i32
      %cond3A = arith.constant 0 : i32
      %cond3A_1606 = arith.cmpi ne, %convert_element_type3A, %cond3A : i32
      scf.if %cond3A_1606 {
        %add3A_1871 = arith.constant 2 : i32
        %add3A_1872 = arith.addi %add3A_1354, %add3A_1871 : i32
        %mul3A_1873 = arith.constant 64 : i32
        %mul3A_1874 = arith.muli %add3A_1872, %mul3A_1873 : i32
        %add3A_1875 = arith.addi %mul3A_2, %mul3A_1874 : i32
        %dma_start3A_1876 = arith.constant 0 : i32
        %dma_start3A_1877 = arith.constant 0 : i32
        %dma_start3A_1878 = arith.constant 0 : i32
        %dma_start3A_1879 = tpu.memref_slice %arg5[%dma_start3A_1876, %dma_start3A_1877, %dma_start3A_1878] : memref<2x64x256xf32, #tpu.memory_space<vmem>> -> memref<1x64x256xf32, #tpu.memory_space<vmem>>
        %dma_start3A_1880 = tpu.memref_squeeze %dma_start3A_1879 : memref<1x64x256xf32, #tpu.memory_space<vmem>> -> memref<64x256xf32, #tpu.memory_space<vmem>>
        %dma_start3A_1881 = arith.constant 0 : i32
        %dma_start3A_1882 = tpu.memref_slice %arg2[%add3A_1875, %dma_start3A_1881] : memref<262144x256xf32, #tpu.memory_space<hbm>> -> memref<64x256xf32, #tpu.memory_space<hbm>>
        %dma_start3A_1883 = arith.constant 0 : i32
        %dma_start3A_1884 = arith.constant 0 : i32
        %dma_start3A_1885 = tpu.memref_slice %arg5[%dma_start3A_1876, %dma_start3A_1883, %dma_start3A_1884] : memref<2x64x256xf32, #tpu.memory_space<vmem>> -> memref<1x64x256xf32, #tpu.memory_space<vmem>>
        %dma_start3A_1886 = tpu.memref_squeeze %dma_start3A_1885 : memref<1x64x256xf32, #tpu.memory_space<vmem>> -> memref<64x256xf32, #tpu.memory_space<vmem>>
        %dma_start3A_1887 = arith.constant 0 : i32
        %dma_start3A_1888 = tpu.memref_slice %arg2[%add3A_1875, %dma_start3A_1887] : memref<262144x256xf32, #tpu.memory_space<hbm>> -> memref<64x256xf32, #tpu.memory_space<hbm>>
        tpu.enqueue_dma source(%dma_start3A_1888 : memref<64x256xf32, #tpu.memory_space<hbm>>) target(%dma_start3A_1886 : memref<64x256xf32, #tpu.memory_space<vmem>>) target_semaphore(%arg9 : memref<!tpu.dma_semaphore, #tpu.memory_space<semaphore_mem>>)
      } else {
      }
      %mul3A_1607 = arith.constant 2 : i32
      %mul3A_1608 = arith.muli %mul3A_1607, %scan3A_1350 : i32
      %add3A_1609 = arith.constant 1 : i32
      %add3A_1610 = arith.addi %mul3A_1608, %add3A_1609 : i32
      %mul3A_1611 = arith.constant 64 : i32
      %mul3A_1612 = arith.muli %add3A_1610, %mul3A_1611 : i32
      %add3A_1613 = arith.addi %mul3A_2, %mul3A_1612 : i32
      %dma_wait3A_1614 = arith.constant 1 : i32
      %dma_wait3A_1615 = arith.constant 0 : i32
      %dma_wait3A_1616 = arith.constant 0 : i32
      %dma_wait3A_1617 = tpu.memref_slice %arg5[%dma_wait3A_1614, %dma_wait3A_1615, %dma_wait3A_1616] : memref<2x64x256xf32, #tpu.memory_space<vmem>> -> memref<1x64x256xf32, #tpu.memory_space<vmem>>
      %dma_wait3A_1618 = tpu.memref_squeeze %dma_wait3A_1617 : memref<1x64x256xf32, #tpu.memory_space<vmem>> -> memref<64x256xf32, #tpu.memory_space<vmem>>
      %dma_wait3A_1619 = arith.constant 0 : i32
      %dma_wait3A_1620 = tpu.memref_slice %arg2[%add3A_1613, %dma_wait3A_1619] : memref<262144x256xf32, #tpu.memory_space<hbm>> -> memref<64x256xf32, #tpu.memory_space<hbm>>
      %dma_wait3A_1621 = arith.constant 0 : i32
      %dma_wait3A_1622 = arith.constant 0 : i32
      %dma_wait3A_1623 = tpu.memref_slice %arg5[%dma_wait3A_1614, %dma_wait3A_1621, %dma_wait3A_1622] : memref<2x64x256xf32, #tpu.memory_space<vmem>> -> memref<1x64x256xf32, #tpu.memory_space<vmem>>
      %dma_wait3A_1624 = tpu.memref_squeeze %dma_wait3A_1623 : memref<1x64x256xf32, #tpu.memory_space<vmem>> -> memref<64x256xf32, #tpu.memory_space<vmem>>
      %dma_wait3A_1625 = arith.constant 0 : i32
      %dma_wait3A_1626 = tpu.memref_slice %arg2[%add3A_1613, %dma_wait3A_1625] : memref<262144x256xf32, #tpu.memory_space<hbm>> -> memref<64x256xf32, #tpu.memory_space<hbm>>
      tpu.wait_dma2 semaphore(%arg10 : memref<!tpu.dma_semaphore, #tpu.memory_space<semaphore_mem>>) src(%dma_wait3A_1626 : memref<64x256xf32, #tpu.memory_space<hbm>>) dst(%dma_wait3A_1624 : memref<64x256xf32, #tpu.memory_space<vmem>>)
      %broadcast_in_dim3A_1627 = arith.constant 0.000000e+00 : f32
      %broadcast_in_dim3A_1628 = vector.broadcast %broadcast_in_dim3A_1627 : f32 to vector<16xf32>
      %broadcast_in_dim3A_1629 = arith.constant 0.000000e+00 : f32
      %broadcast_in_dim3A_1630 = vector.broadcast %broadcast_in_dim3A_1629 : f32 to vector<16xf32>
      %broadcast_in_dim3A_1631 = arith.constant 0.000000e+00 : f32
      %broadcast_in_dim3A_1632 = vector.broadcast %broadcast_in_dim3A_1631 : f32 to vector<16xf32>
      %broadcast_in_dim3A_1633 = arith.constant 0.000000e+00 : f32
      %broadcast_in_dim3A_1634 = vector.broadcast %broadcast_in_dim3A_1633 : f32 to vector<16xf32>
      %broadcast_in_dim3A_1635 = arith.constant 0.000000e+00 : f32
      %broadcast_in_dim3A_1636 = vector.broadcast %broadcast_in_dim3A_1635 : f32 to vector<16xf32>
      %broadcast_in_dim3A_1637 = arith.constant 0.000000e+00 : f32
      %broadcast_in_dim3A_1638 = vector.broadcast %broadcast_in_dim3A_1637 : f32 to vector<16xf32>
      %broadcast_in_dim3A_1639 = arith.constant 0.000000e+00 : f32
      %broadcast_in_dim3A_1640 = vector.broadcast %broadcast_in_dim3A_1639 : f32 to vector<16xf32>
      %broadcast_in_dim3A_1641 = arith.constant 0.000000e+00 : f32
      %broadcast_in_dim3A_1642 = vector.broadcast %broadcast_in_dim3A_1641 : f32 to vector<16xf32>
      %broadcast_in_dim3A_1643 = arith.constant 0.000000e+00 : f32
      %broadcast_in_dim3A_1644 = vector.broadcast %broadcast_in_dim3A_1643 : f32 to vector<16xf32>
      %broadcast_in_dim3A_1645 = arith.constant 0.000000e+00 : f32
      %broadcast_in_dim3A_1646 = vector.broadcast %broadcast_in_dim3A_1645 : f32 to vector<16xf32>
      %broadcast_in_dim3A_1647 = arith.constant 0.000000e+00 : f32
      %broadcast_in_dim3A_1648 = vector.broadcast %broadcast_in_dim3A_1647 : f32 to vector<16xf32>
      %broadcast_in_dim3A_1649 = arith.constant 0.000000e+00 : f32
      %broadcast_in_dim3A_1650 = vector.broadcast %broadcast_in_dim3A_1649 : f32 to vector<16xf32>
      %broadcast_in_dim3A_1651 = arith.constant 0.000000e+00 : f32
      %broadcast_in_dim3A_1652 = vector.broadcast %broadcast_in_dim3A_1651 : f32 to vector<16xf32>
      %broadcast_in_dim3A_1653 = arith.constant 0.000000e+00 : f32
      %broadcast_in_dim3A_1654 = vector.broadcast %broadcast_in_dim3A_1653 : f32 to vector<16xf32>
      %broadcast_in_dim3A_1655 = arith.constant 0.000000e+00 : f32
      %broadcast_in_dim3A_1656 = vector.broadcast %broadcast_in_dim3A_1655 : f32 to vector<16xf32>
      %broadcast_in_dim3A_1657 = arith.constant 0.000000e+00 : f32
      %broadcast_in_dim3A_1658 = vector.broadcast %broadcast_in_dim3A_1657 : f32 to vector<16xf32>
      %broadcast_in_dim3A_1659 = arith.constant 0.000000e+00 : f32
      %broadcast_in_dim3A_1660 = vector.broadcast %broadcast_in_dim3A_1659 : f32 to vector<16xf32>
      %broadcast_in_dim3A_1661 = arith.constant 0.000000e+00 : f32
      %broadcast_in_dim3A_1662 = vector.broadcast %broadcast_in_dim3A_1661 : f32 to vector<16xf32>
      %broadcast_in_dim3A_1663 = arith.constant 0.000000e+00 : f32
      %broadcast_in_dim3A_1664 = vector.broadcast %broadcast_in_dim3A_1663 : f32 to vector<16xf32>
      %broadcast_in_dim3A_1665 = arith.constant 0.000000e+00 : f32
      %broadcast_in_dim3A_1666 = vector.broadcast %broadcast_in_dim3A_1665 : f32 to vector<16xf32>
      %parallel_loop3A_1667 = arith.constant 0 : i32
      %parallel_loop3A_1668 = arith.constant 256 : i32
      %parallel_loop3A_1669 = arith.constant 1 : i32
      %parallel_loop3A_1670 = arith.constant 1 : i32
      %parallel_loop3A_1671:20 = scf.for %parallel_loop3A_1871 = %parallel_loop3A_1667 to %parallel_loop3A_1668 step %parallel_loop3A_1669 iter_args(%parallel_loop3A_1872 = %broadcast_in_dim3A_1628, %parallel_loop3A_1873 = %broadcast_in_dim3A_1630, %parallel_loop3A_1874 = %broadcast_in_dim3A_1632, %parallel_loop3A_1875 = %broadcast_in_dim3A_1634, %parallel_loop3A_1876 = %broadcast_in_dim3A_1636, %parallel_loop3A_1877 = %broadcast_in_dim3A_1638, %parallel_loop3A_1878 = %broadcast_in_dim3A_1640, %parallel_loop3A_1879 = %broadcast_in_dim3A_1642, %parallel_loop3A_1880 = %broadcast_in_dim3A_1644, %parallel_loop3A_1881 = %broadcast_in_dim3A_1646, %parallel_loop3A_1882 = %broadcast_in_dim3A_1648, %parallel_loop3A_1883 = %broadcast_in_dim3A_1650, %parallel_loop3A_1884 = %broadcast_in_dim3A_1652, %parallel_loop3A_1885 = %broadcast_in_dim3A_1654, %parallel_loop3A_1886 = %broadcast_in_dim3A_1656, %parallel_loop3A_1887 = %broadcast_in_dim3A_1658, %parallel_loop3A_1888 = %broadcast_in_dim3A_1660, %parallel_loop3A_1889 = %broadcast_in_dim3A_1662, %parallel_loop3A_1890 = %broadcast_in_dim3A_1664, %parallel_loop3A_1891 = %broadcast_in_dim3A_1666) -> (vector<16xf32>, vector<16xf32>, vector<16xf32>, vector<16xf32>, vector<16xf32>, vector<16xf32>, vector<16xf32>, vector<16xf32>, vector<16xf32>, vector<16xf32>, vector<16xf32>, vector<16xf32>, vector<16xf32>, vector<16xf32>, vector<16xf32>, vector<16xf32>, vector<16xf32>, vector<16xf32>, vector<16xf32>, vector<16xf32>)  : i32 {
        %parallel_loop3A_1892 = vector.broadcast %parallel_loop3A_1871 : i32 to vector<16xi32>
        %parallel_loop3A_1893 = arith.addi %parallel_loop3A_1892, %iota3A : vector<16xi32>
        %parallel_loop3A_1894 = arith.constant 255 : i32
        %parallel_loop3A_1895 = vector.broadcast %parallel_loop3A_1894 : i32 to vector<16xi32>
        %parallel_loop3A_1896 = arith.andi %parallel_loop3A_1893, %parallel_loop3A_1895 : vector<16xi32>
        %parallel_loop3A_1897 = tpu.vector_load_idx %arg7[%broadcast_in_dim3A_15, %parallel_loop3A_1896] : memref<5x256xf32, #tpu.memory_space<vmem>>[vector<16xi32>, vector<16xi32>], vector<16xf32>,
        %parallel_loop3A_1898 = tpu.vector_load_idx %arg7[%broadcast_in_dim3A_17, %parallel_loop3A_1896] : memref<5x256xf32, #tpu.memory_space<vmem>>[vector<16xi32>, vector<16xi32>], vector<16xf32>,
        %parallel_loop3A_1899 = tpu.vector_load_idx %arg7[%broadcast_in_dim3A_19, %parallel_loop3A_1896] : memref<5x256xf32, #tpu.memory_space<vmem>>[vector<16xi32>, vector<16xi32>], vector<16xf32>,
        %parallel_loop3A_1900 = tpu.vector_load_idx %arg7[%broadcast_in_dim3A_21, %parallel_loop3A_1896] : memref<5x256xf32, #tpu.memory_space<vmem>>[vector<16xi32>, vector<16xi32>], vector<16xf32>,
        %parallel_loop3A_1901 = tpu.vector_load_idx %arg7[%broadcast_in_dim3A_23, %parallel_loop3A_1896] : memref<5x256xf32, #tpu.memory_space<vmem>>[vector<16xi32>, vector<16xi32>], vector<16xf32>,
        %parallel_loop3A_1902 = arith.constant 0 : i32
        %parallel_loop3A_1903 = arith.constant 0 : i32
        %parallel_loop3A_1904 = tpu.memref_slice %arg5[%parallel_loop3A_1670, %parallel_loop3A_1902, %parallel_loop3A_1903] : memref<2x64x256xf32, #tpu.memory_space<vmem>> -> memref<1x64x256xf32, #tpu.memory_space<vmem>>
        %parallel_loop3A_1905 = tpu.memref_squeeze %parallel_loop3A_1904 : memref<1x64x256xf32, #tpu.memory_space<vmem>> -> memref<64x256xf32, #tpu.memory_space<vmem>>
        %parallel_loop3A_1906 = tpu.vector_load_idx %parallel_loop3A_1905[%add3A_5, %parallel_loop3A_1896] : memref<64x256xf32, #tpu.memory_space<vmem>>[vector<16xi32>, vector<16xi32>], vector<16xf32>,
        %parallel_loop3A_1907 = vector.bitcast %parallel_loop3A_1906 : vector<16xf32> to vector<16xi32>
        %parallel_loop3A_1908 = arith.constant 32768 : i32
        %parallel_loop3A_1909 = vector.broadcast %parallel_loop3A_1908 : i32 to vector<16xi32>
        %parallel_loop3A_1910 = arith.addi %parallel_loop3A_1907, %parallel_loop3A_1909 : vector<16xi32>
        %parallel_loop3A_1911 = arith.constant -65536 : i32
        %parallel_loop3A_1912 = vector.broadcast %parallel_loop3A_1911 : i32 to vector<16xi32>
        %parallel_loop3A_1913 = arith.andi %parallel_loop3A_1910, %parallel_loop3A_1912 : vector<16xi32>
        %parallel_loop3A_1914 = vector.bitcast %parallel_loop3A_1913 : vector<16xi32> to vector<16xf32>
        %parallel_loop3A_1915 = arith.mulf %parallel_loop3A_1914, %parallel_loop3A_1897 : vector<16xf32>
        %parallel_loop3A_1916 = arith.addf %parallel_loop3A_1872, %parallel_loop3A_1915 : vector<16xf32>
        %parallel_loop3A_1917 = arith.mulf %parallel_loop3A_1914, %parallel_loop3A_1898 : vector<16xf32>
        %parallel_loop3A_1918 = arith.addf %parallel_loop3A_1873, %parallel_loop3A_1917 : vector<16xf32>
        %parallel_loop3A_1919 = arith.mulf %parallel_loop3A_1914, %parallel_loop3A_1899 : vector<16xf32>
        %parallel_loop3A_1920 = arith.addf %parallel_loop3A_1874, %parallel_loop3A_1919 : vector<16xf32>
        %parallel_loop3A_1921 = arith.mulf %parallel_loop3A_1914, %parallel_loop3A_1900 : vector<16xf32>
        %parallel_loop3A_1922 = arith.addf %parallel_loop3A_1875, %parallel_loop3A_1921 : vector<16xf32>
        %parallel_loop3A_1923 = arith.mulf %parallel_loop3A_1914, %parallel_loop3A_1901 : vector<16xf32>
        %parallel_loop3A_1924 = arith.addf %parallel_loop3A_1876, %parallel_loop3A_1923 : vector<16xf32>
        %parallel_loop3A_1925 = arith.constant 0 : i32
        %parallel_loop3A_1926 = arith.constant 0 : i32
        %parallel_loop3A_1927 = tpu.memref_slice %arg5[%parallel_loop3A_1670, %parallel_loop3A_1925, %parallel_loop3A_1926] : memref<2x64x256xf32, #tpu.memory_space<vmem>> -> memref<1x64x256xf32, #tpu.memory_space<vmem>>
        %parallel_loop3A_1928 = tpu.memref_squeeze %parallel_loop3A_1927 : memref<1x64x256xf32, #tpu.memory_space<vmem>> -> memref<64x256xf32, #tpu.memory_space<vmem>>
        %parallel_loop3A_1929 = tpu.vector_load_idx %parallel_loop3A_1928[%add3A_8, %parallel_loop3A_1896] : memref<64x256xf32, #tpu.memory_space<vmem>>[vector<16xi32>, vector<16xi32>], vector<16xf32>,
        %parallel_loop3A_1930 = vector.bitcast %parallel_loop3A_1929 : vector<16xf32> to vector<16xi32>
        %parallel_loop3A_1931 = arith.constant 32768 : i32
        %parallel_loop3A_1932 = vector.broadcast %parallel_loop3A_1931 : i32 to vector<16xi32>
        %parallel_loop3A_1933 = arith.addi %parallel_loop3A_1930, %parallel_loop3A_1932 : vector<16xi32>
        %parallel_loop3A_1934 = arith.constant -65536 : i32
        %parallel_loop3A_1935 = vector.broadcast %parallel_loop3A_1934 : i32 to vector<16xi32>
        %parallel_loop3A_1936 = arith.andi %parallel_loop3A_1933, %parallel_loop3A_1935 : vector<16xi32>
        %parallel_loop3A_1937 = vector.bitcast %parallel_loop3A_1936 : vector<16xi32> to vector<16xf32>
        %parallel_loop3A_1938 = arith.mulf %parallel_loop3A_1937, %parallel_loop3A_1897 : vector<16xf32>
        %parallel_loop3A_1939 = arith.addf %parallel_loop3A_1877, %parallel_loop3A_1938 : vector<16xf32>
        %parallel_loop3A_1940 = arith.mulf %parallel_loop3A_1937, %parallel_loop3A_1898 : vector<16xf32>
        %parallel_loop3A_1941 = arith.addf %parallel_loop3A_1878, %parallel_loop3A_1940 : vector<16xf32>
        %parallel_loop3A_1942 = arith.mulf %parallel_loop3A_1937, %parallel_loop3A_1899 : vector<16xf32>
        %parallel_loop3A_1943 = arith.addf %parallel_loop3A_1879, %parallel_loop3A_1942 : vector<16xf32>
        %parallel_loop3A_1944 = arith.mulf %parallel_loop3A_1937, %parallel_loop3A_1900 : vector<16xf32>
        %parallel_loop3A_1945 = arith.addf %parallel_loop3A_1880, %parallel_loop3A_1944 : vector<16xf32>
        %parallel_loop3A_1946 = arith.mulf %parallel_loop3A_1937, %parallel_loop3A_1901 : vector<16xf32>
        %parallel_loop3A_1947 = arith.addf %parallel_loop3A_1881, %parallel_loop3A_1946 : vector<16xf32>
        %parallel_loop3A_1948 = arith.constant 0 : i32
        %parallel_loop3A_1949 = arith.constant 0 : i32
        %parallel_loop3A_1950 = tpu.memref_slice %arg5[%parallel_loop3A_1670, %parallel_loop3A_1948, %parallel_loop3A_1949] : memref<2x64x256xf32, #tpu.memory_space<vmem>> -> memref<1x64x256xf32, #tpu.memory_space<vmem>>
        %parallel_loop3A_1951 = tpu.memref_squeeze %parallel_loop3A_1950 : memref<1x64x256xf32, #tpu.memory_space<vmem>> -> memref<64x256xf32, #tpu.memory_space<vmem>>
        %parallel_loop3A_1952 = tpu.vector_load_idx %parallel_loop3A_1951[%add3A_11, %parallel_loop3A_1896] : memref<64x256xf32, #tpu.memory_space<vmem>>[vector<16xi32>, vector<16xi32>], vector<16xf32>,
        %parallel_loop3A_1953 = vector.bitcast %parallel_loop3A_1952 : vector<16xf32> to vector<16xi32>
        %parallel_loop3A_1954 = arith.constant 32768 : i32
        %parallel_loop3A_1955 = vector.broadcast %parallel_loop3A_1954 : i32 to vector<16xi32>
        %parallel_loop3A_1956 = arith.addi %parallel_loop3A_1953, %parallel_loop3A_1955 : vector<16xi32>
        %parallel_loop3A_1957 = arith.constant -65536 : i32
        %parallel_loop3A_1958 = vector.broadcast %parallel_loop3A_1957 : i32 to vector<16xi32>
        %parallel_loop3A_1959 = arith.andi %parallel_loop3A_1956, %parallel_loop3A_1958 : vector<16xi32>
        %parallel_loop3A_1960 = vector.bitcast %parallel_loop3A_1959 : vector<16xi32> to vector<16xf32>
        %parallel_loop3A_1961 = arith.mulf %parallel_loop3A_1960, %parallel_loop3A_1897 : vector<16xf32>
        %parallel_loop3A_1962 = arith.addf %parallel_loop3A_1882, %parallel_loop3A_1961 : vector<16xf32>
        %parallel_loop3A_1963 = arith.mulf %parallel_loop3A_1960, %parallel_loop3A_1898 : vector<16xf32>
        %parallel_loop3A_1964 = arith.addf %parallel_loop3A_1883, %parallel_loop3A_1963 : vector<16xf32>
        %parallel_loop3A_1965 = arith.mulf %parallel_loop3A_1960, %parallel_loop3A_1899 : vector<16xf32>
        %parallel_loop3A_1966 = arith.addf %parallel_loop3A_1884, %parallel_loop3A_1965 : vector<16xf32>
        %parallel_loop3A_1967 = arith.mulf %parallel_loop3A_1960, %parallel_loop3A_1900 : vector<16xf32>
        %parallel_loop3A_1968 = arith.addf %parallel_loop3A_1885, %parallel_loop3A_1967 : vector<16xf32>
        %parallel_loop3A_1969 = arith.mulf %parallel_loop3A_1960, %parallel_loop3A_1901 : vector<16xf32>
        %parallel_loop3A_1970 = arith.addf %parallel_loop3A_1886, %parallel_loop3A_1969 : vector<16xf32>
        %parallel_loop3A_1971 = arith.constant 0 : i32
        %parallel_loop3A_1972 = arith.constant 0 : i32
        %parallel_loop3A_1973 = tpu.memref_slice %arg5[%parallel_loop3A_1670, %parallel_loop3A_1971, %parallel_loop3A_1972] : memref<2x64x256xf32, #tpu.memory_space<vmem>> -> memref<1x64x256xf32, #tpu.memory_space<vmem>>
        %parallel_loop3A_1974 = tpu.memref_squeeze %parallel_loop3A_1973 : memref<1x64x256xf32, #tpu.memory_space<vmem>> -> memref<64x256xf32, #tpu.memory_space<vmem>>
        %parallel_loop3A_1975 = tpu.vector_load_idx %parallel_loop3A_1974[%add3A_14, %parallel_loop3A_1896] : memref<64x256xf32, #tpu.memory_space<vmem>>[vector<16xi32>, vector<16xi32>], vector<16xf32>,
        %parallel_loop3A_1976 = vector.bitcast %parallel_loop3A_1975 : vector<16xf32> to vector<16xi32>
        %parallel_loop3A_1977 = arith.constant 32768 : i32
        %parallel_loop3A_1978 = vector.broadcast %parallel_loop3A_1977 : i32 to vector<16xi32>
        %parallel_loop3A_1979 = arith.addi %parallel_loop3A_1976, %parallel_loop3A_1978 : vector<16xi32>
        %parallel_loop3A_1980 = arith.constant -65536 : i32
        %parallel_loop3A_1981 = vector.broadcast %parallel_loop3A_1980 : i32 to vector<16xi32>
        %parallel_loop3A_1982 = arith.andi %parallel_loop3A_1979, %parallel_loop3A_1981 : vector<16xi32>
        %parallel_loop3A_1983 = vector.bitcast %parallel_loop3A_1982 : vector<16xi32> to vector<16xf32>
        %parallel_loop3A_1984 = arith.mulf %parallel_loop3A_1983, %parallel_loop3A_1897 : vector<16xf32>
        %parallel_loop3A_1985 = arith.addf %parallel_loop3A_1887, %parallel_loop3A_1984 : vector<16xf32>
        %parallel_loop3A_1986 = arith.mulf %parallel_loop3A_1983, %parallel_loop3A_1898 : vector<16xf32>
        %parallel_loop3A_1987 = arith.addf %parallel_loop3A_1888, %parallel_loop3A_1986 : vector<16xf32>
        %parallel_loop3A_1988 = arith.mulf %parallel_loop3A_1983, %parallel_loop3A_1899 : vector<16xf32>
        %parallel_loop3A_1989 = arith.addf %parallel_loop3A_1889, %parallel_loop3A_1988 : vector<16xf32>
        %parallel_loop3A_1990 = arith.mulf %parallel_loop3A_1983, %parallel_loop3A_1900 : vector<16xf32>
        %parallel_loop3A_1991 = arith.addf %parallel_loop3A_1890, %parallel_loop3A_1990 : vector<16xf32>
        %parallel_loop3A_1992 = arith.mulf %parallel_loop3A_1983, %parallel_loop3A_1901 : vector<16xf32>
        %parallel_loop3A_1993 = arith.addf %parallel_loop3A_1891, %parallel_loop3A_1992 : vector<16xf32>
        scf.yield %parallel_loop3A_1916, %parallel_loop3A_1918, %parallel_loop3A_1920, %parallel_loop3A_1922, %parallel_loop3A_1924, %parallel_loop3A_1939, %parallel_loop3A_1941, %parallel_loop3A_1943, %parallel_loop3A_1945, %parallel_loop3A_1947, %parallel_loop3A_1962, %parallel_loop3A_1964, %parallel_loop3A_1966, %parallel_loop3A_1968, %parallel_loop3A_1970, %parallel_loop3A_1985, %parallel_loop3A_1987, %parallel_loop3A_1989, %parallel_loop3A_1991, %parallel_loop3A_1993 : vector<16xf32>, vector<16xf32>, vector<16xf32>, vector<16xf32>, vector<16xf32>, vector<16xf32>, vector<16xf32>, vector<16xf32>, vector<16xf32>, vector<16xf32>, vector<16xf32>, vector<16xf32>, vector<16xf32>, vector<16xf32>, vector<16xf32>, vector<16xf32>, vector<16xf32>, vector<16xf32>, vector<16xf32>, vector<16xf32>
      } {sc.loop_unroll_factor = 4 : i64, sc.parallel_access}
      %mul3A_1672 = arith.constant 2.000000e+00 : f32
      %mul3A_1673 = vector.broadcast %mul3A_1672 : f32 to vector<16xf32>
      %mul3A_1674 = arith.mulf %mul3A_1673, %parallel_loop3A_1671#0 : vector<16xf32>
      %sub3A_1675 = arith.subf %scan3A_37#0, %mul3A_1674 : vector<16xf32>
      %broadcast_in_dim3A_1676 = arith.constant 0 : i32
      %broadcast_in_dim3A_1677 = vector.broadcast %broadcast_in_dim3A_1676 : i32 to vector<16xi32>
      %mul3A_1678 = arith.constant 2.000000e+00 : f32
      %mul3A_1679 = vector.broadcast %mul3A_1678 : f32 to vector<16xf32>
      %mul3A_1680 = arith.mulf %mul3A_1679, %parallel_loop3A_1671#1 : vector<16xf32>
      %sub3A_1681 = arith.subf %scan3A_37#1, %mul3A_1680 : vector<16xf32>
      %lt3A_1682 = arith.cmpf olt, %sub3A_1681, %sub3A_1675 : vector<16xf32>
      %select_n3A_1683 = arith.select %lt3A_1682, %sub3A_1681, %sub3A_1675 : vector<16xi1>, vector<16xf32>
      %jit3A_1684 = arith.constant 1 : i32
      %broadcast_in_dim3A_1685 = vector.broadcast %jit3A_1684 : i32 to vector<16xi32>
      %select_n3A_1686 = arith.select %lt3A_1682, %broadcast_in_dim3A_1685, %broadcast_in_dim3A_1677 : vector<16xi1>, vector<16xi32>
      %mul3A_1687 = arith.constant 2.000000e+00 : f32
      %mul3A_1688 = vector.broadcast %mul3A_1687 : f32 to vector<16xf32>
      %mul3A_1689 = arith.mulf %mul3A_1688, %parallel_loop3A_1671#2 : vector<16xf32>
      %sub3A_1690 = arith.subf %scan3A_37#2, %mul3A_1689 : vector<16xf32>
      %lt3A_1691 = arith.cmpf olt, %sub3A_1690, %select_n3A_1683 : vector<16xf32>
      %select_n3A_1692 = arith.select %lt3A_1691, %sub3A_1690, %select_n3A_1683 : vector<16xi1>, vector<16xf32>
      %jit3A_1693 = arith.constant 2 : i32
      %broadcast_in_dim3A_1694 = vector.broadcast %jit3A_1693 : i32 to vector<16xi32>
      %select_n3A_1695 = arith.select %lt3A_1691, %broadcast_in_dim3A_1694, %select_n3A_1686 : vector<16xi1>, vector<16xi32>
      %mul3A_1696 = arith.constant 2.000000e+00 : f32
      %mul3A_1697 = vector.broadcast %mul3A_1696 : f32 to vector<16xf32>
      %mul3A_1698 = arith.mulf %mul3A_1697, %parallel_loop3A_1671#3 : vector<16xf32>
      %sub3A_1699 = arith.subf %scan3A_37#3, %mul3A_1698 : vector<16xf32>
      %lt3A_1700 = arith.cmpf olt, %sub3A_1699, %select_n3A_1692 : vector<16xf32>
      %select_n3A_1701 = arith.select %lt3A_1700, %sub3A_1699, %select_n3A_1692 : vector<16xi1>, vector<16xf32>
      %jit3A_1702 = arith.constant 3 : i32
      %broadcast_in_dim3A_1703 = vector.broadcast %jit3A_1702 : i32 to vector<16xi32>
      %select_n3A_1704 = arith.select %lt3A_1700, %broadcast_in_dim3A_1703, %select_n3A_1695 : vector<16xi1>, vector<16xi32>
      %mul3A_1705 = arith.constant 2.000000e+00 : f32
      %mul3A_1706 = vector.broadcast %mul3A_1705 : f32 to vector<16xf32>
      %mul3A_1707 = arith.mulf %mul3A_1706, %parallel_loop3A_1671#4 : vector<16xf32>
      %sub3A_1708 = arith.subf %scan3A_37#4, %mul3A_1707 : vector<16xf32>
      %lt3A_1709 = arith.cmpf olt, %sub3A_1708, %select_n3A_1701 : vector<16xf32>
      %select_n3A_1710 = arith.select %lt3A_1709, %sub3A_1708, %select_n3A_1701 : vector<16xi1>, vector<16xf32>
      %jit3A_1711 = arith.constant 4 : i32
      %broadcast_in_dim3A_1712 = vector.broadcast %jit3A_1711 : i32 to vector<16xi32>
      %select_n3A_1713 = arith.select %lt3A_1709, %broadcast_in_dim3A_1712, %select_n3A_1704 : vector<16xi1>, vector<16xi32>
      %mul3A_1714 = arith.constant 64 : i32
      %mul3A_1715 = arith.muli %add3A_1610, %mul3A_1714 : i32
      %add3A_1716 = arith.constant 0 : i32
      %add3A_1717 = arith.addi %mul3A_1715, %add3A_1716 : i32
      %swap3A_1718 = arith.index_cast %add3A_1717 : i32 to index
      %swap3A_1719 = tpu.vector_load %arg8[%swap3A_1718] {strides = array<i32>} : memref<768xi32, #tpu.memory_space<vmem>>, vector<16xi32>,
      tpu.vector_store %arg8[%swap3A_1718], %select_n3A_1713 {strides = array<i32>} : memref<768xi32, #tpu.memory_space<vmem>>, vector<16xi32>,
      %mul3A_1720 = arith.constant 2.000000e+00 : f32
      %mul3A_1721 = vector.broadcast %mul3A_1720 : f32 to vector<16xf32>
      %mul3A_1722 = arith.mulf %mul3A_1721, %parallel_loop3A_1671#5 : vector<16xf32>
      %sub3A_1723 = arith.subf %scan3A_37#0, %mul3A_1722 : vector<16xf32>
      %broadcast_in_dim3A_1724 = arith.constant 0 : i32
      %broadcast_in_dim3A_1725 = vector.broadcast %broadcast_in_dim3A_1724 : i32 to vector<16xi32>
      %mul3A_1726 = arith.constant 2.000000e+00 : f32
      %mul3A_1727 = vector.broadcast %mul3A_1726 : f32 to vector<16xf32>
      %mul3A_1728 = arith.mulf %mul3A_1727, %parallel_loop3A_1671#6 : vector<16xf32>
      %sub3A_1729 = arith.subf %scan3A_37#1, %mul3A_1728 : vector<16xf32>
      %lt3A_1730 = arith.cmpf olt, %sub3A_1729, %sub3A_1723 : vector<16xf32>
      %select_n3A_1731 = arith.select %lt3A_1730, %sub3A_1729, %sub3A_1723 : vector<16xi1>, vector<16xf32>
      %jit3A_1732 = arith.constant 1 : i32
      %broadcast_in_dim3A_1733 = vector.broadcast %jit3A_1732 : i32 to vector<16xi32>
      %select_n3A_1734 = arith.select %lt3A_1730, %broadcast_in_dim3A_1733, %broadcast_in_dim3A_1725 : vector<16xi1>, vector<16xi32>
      %mul3A_1735 = arith.constant 2.000000e+00 : f32
      %mul3A_1736 = vector.broadcast %mul3A_1735 : f32 to vector<16xf32>
      %mul3A_1737 = arith.mulf %mul3A_1736, %parallel_loop3A_1671#7 : vector<16xf32>
      %sub3A_1738 = arith.subf %scan3A_37#2, %mul3A_1737 : vector<16xf32>
      %lt3A_1739 = arith.cmpf olt, %sub3A_1738, %select_n3A_1731 : vector<16xf32>
      %select_n3A_1740 = arith.select %lt3A_1739, %sub3A_1738, %select_n3A_1731 : vector<16xi1>, vector<16xf32>
      %jit3A_1741 = arith.constant 2 : i32
      %broadcast_in_dim3A_1742 = vector.broadcast %jit3A_1741 : i32 to vector<16xi32>
      %select_n3A_1743 = arith.select %lt3A_1739, %broadcast_in_dim3A_1742, %select_n3A_1734 : vector<16xi1>, vector<16xi32>
      %mul3A_1744 = arith.constant 2.000000e+00 : f32
      %mul3A_1745 = vector.broadcast %mul3A_1744 : f32 to vector<16xf32>
      %mul3A_1746 = arith.mulf %mul3A_1745, %parallel_loop3A_1671#8 : vector<16xf32>
      %sub3A_1747 = arith.subf %scan3A_37#3, %mul3A_1746 : vector<16xf32>
      %lt3A_1748 = arith.cmpf olt, %sub3A_1747, %select_n3A_1740 : vector<16xf32>
      %select_n3A_1749 = arith.select %lt3A_1748, %sub3A_1747, %select_n3A_1740 : vector<16xi1>, vector<16xf32>
      %jit3A_1750 = arith.constant 3 : i32
      %broadcast_in_dim3A_1751 = vector.broadcast %jit3A_1750 : i32 to vector<16xi32>
      %select_n3A_1752 = arith.select %lt3A_1748, %broadcast_in_dim3A_1751, %select_n3A_1743 : vector<16xi1>, vector<16xi32>
      %mul3A_1753 = arith.constant 2.000000e+00 : f32
      %mul3A_1754 = vector.broadcast %mul3A_1753 : f32 to vector<16xf32>
      %mul3A_1755 = arith.mulf %mul3A_1754, %parallel_loop3A_1671#9 : vector<16xf32>
      %sub3A_1756 = arith.subf %scan3A_37#4, %mul3A_1755 : vector<16xf32>
      %lt3A_1757 = arith.cmpf olt, %sub3A_1756, %select_n3A_1749 : vector<16xf32>
      %select_n3A_1758 = arith.select %lt3A_1757, %sub3A_1756, %select_n3A_1749 : vector<16xi1>, vector<16xf32>
      %jit3A_1759 = arith.constant 4 : i32
      %broadcast_in_dim3A_1760 = vector.broadcast %jit3A_1759 : i32 to vector<16xi32>
      %select_n3A_1761 = arith.select %lt3A_1757, %broadcast_in_dim3A_1760, %select_n3A_1752 : vector<16xi1>, vector<16xi32>
      %mul3A_1762 = arith.constant 64 : i32
      %mul3A_1763 = arith.muli %add3A_1610, %mul3A_1762 : i32
      %add3A_1764 = arith.constant 16 : i32
      %add3A_1765 = arith.addi %mul3A_1763, %add3A_1764 : i32
      %swap3A_1766 = arith.index_cast %add3A_1765 : i32 to index
      %swap3A_1767 = tpu.vector_load %arg8[%swap3A_1766] {strides = array<i32>} : memref<768xi32, #tpu.memory_space<vmem>>, vector<16xi32>,
      tpu.vector_store %arg8[%swap3A_1766], %select_n3A_1761 {strides = array<i32>} : memref<768xi32, #tpu.memory_space<vmem>>, vector<16xi32>,
      %mul3A_1768 = arith.constant 2.000000e+00 : f32
      %mul3A_1769 = vector.broadcast %mul3A_1768 : f32 to vector<16xf32>
      %mul3A_1770 = arith.mulf %mul3A_1769, %parallel_loop3A_1671#10 : vector<16xf32>
      %sub3A_1771 = arith.subf %scan3A_37#0, %mul3A_1770 : vector<16xf32>
      %broadcast_in_dim3A_1772 = arith.constant 0 : i32
      %broadcast_in_dim3A_1773 = vector.broadcast %broadcast_in_dim3A_1772 : i32 to vector<16xi32>
      %mul3A_1774 = arith.constant 2.000000e+00 : f32
      %mul3A_1775 = vector.broadcast %mul3A_1774 : f32 to vector<16xf32>
      %mul3A_1776 = arith.mulf %mul3A_1775, %parallel_loop3A_1671#11 : vector<16xf32>
      %sub3A_1777 = arith.subf %scan3A_37#1, %mul3A_1776 : vector<16xf32>
      %lt3A_1778 = arith.cmpf olt, %sub3A_1777, %sub3A_1771 : vector<16xf32>
      %select_n3A_1779 = arith.select %lt3A_1778, %sub3A_1777, %sub3A_1771 : vector<16xi1>, vector<16xf32>
      %jit3A_1780 = arith.constant 1 : i32
      %broadcast_in_dim3A_1781 = vector.broadcast %jit3A_1780 : i32 to vector<16xi32>
      %select_n3A_1782 = arith.select %lt3A_1778, %broadcast_in_dim3A_1781, %broadcast_in_dim3A_1773 : vector<16xi1>, vector<16xi32>
      %mul3A_1783 = arith.constant 2.000000e+00 : f32
      %mul3A_1784 = vector.broadcast %mul3A_1783 : f32 to vector<16xf32>
      %mul3A_1785 = arith.mulf %mul3A_1784, %parallel_loop3A_1671#12 : vector<16xf32>
      %sub3A_1786 = arith.subf %scan3A_37#2, %mul3A_1785 : vector<16xf32>
      %lt3A_1787 = arith.cmpf olt, %sub3A_1786, %select_n3A_1779 : vector<16xf32>
      %select_n3A_1788 = arith.select %lt3A_1787, %sub3A_1786, %select_n3A_1779 : vector<16xi1>, vector<16xf32>
      %jit3A_1789 = arith.constant 2 : i32
      %broadcast_in_dim3A_1790 = vector.broadcast %jit3A_1789 : i32 to vector<16xi32>
      %select_n3A_1791 = arith.select %lt3A_1787, %broadcast_in_dim3A_1790, %select_n3A_1782 : vector<16xi1>, vector<16xi32>
      %mul3A_1792 = arith.constant 2.000000e+00 : f32
      %mul3A_1793 = vector.broadcast %mul3A_1792 : f32 to vector<16xf32>
      %mul3A_1794 = arith.mulf %mul3A_1793, %parallel_loop3A_1671#13 : vector<16xf32>
      %sub3A_1795 = arith.subf %scan3A_37#3, %mul3A_1794 : vector<16xf32>
      %lt3A_1796 = arith.cmpf olt, %sub3A_1795, %select_n3A_1788 : vector<16xf32>
      %select_n3A_1797 = arith.select %lt3A_1796, %sub3A_1795, %select_n3A_1788 : vector<16xi1>, vector<16xf32>
      %jit3A_1798 = arith.constant 3 : i32
      %broadcast_in_dim3A_1799 = vector.broadcast %jit3A_1798 : i32 to vector<16xi32>
      %select_n3A_1800 = arith.select %lt3A_1796, %broadcast_in_dim3A_1799, %select_n3A_1791 : vector<16xi1>, vector<16xi32>
      %mul3A_1801 = arith.constant 2.000000e+00 : f32
      %mul3A_1802 = vector.broadcast %mul3A_1801 : f32 to vector<16xf32>
      %mul3A_1803 = arith.mulf %mul3A_1802, %parallel_loop3A_1671#14 : vector<16xf32>
      %sub3A_1804 = arith.subf %scan3A_37#4, %mul3A_1803 : vector<16xf32>
      %lt3A_1805 = arith.cmpf olt, %sub3A_1804, %select_n3A_1797 : vector<16xf32>
      %select_n3A_1806 = arith.select %lt3A_1805, %sub3A_1804, %select_n3A_1797 : vector<16xi1>, vector<16xf32>
      %jit3A_1807 = arith.constant 4 : i32
      %broadcast_in_dim3A_1808 = vector.broadcast %jit3A_1807 : i32 to vector<16xi32>
      %select_n3A_1809 = arith.select %lt3A_1805, %broadcast_in_dim3A_1808, %select_n3A_1800 : vector<16xi1>, vector<16xi32>
      %mul3A_1810 = arith.constant 64 : i32
      %mul3A_1811 = arith.muli %add3A_1610, %mul3A_1810 : i32
      %add3A_1812 = arith.constant 32 : i32
      %add3A_1813 = arith.addi %mul3A_1811, %add3A_1812 : i32
      %swap3A_1814 = arith.index_cast %add3A_1813 : i32 to index
      %swap3A_1815 = tpu.vector_load %arg8[%swap3A_1814] {strides = array<i32>} : memref<768xi32, #tpu.memory_space<vmem>>, vector<16xi32>,
      tpu.vector_store %arg8[%swap3A_1814], %select_n3A_1809 {strides = array<i32>} : memref<768xi32, #tpu.memory_space<vmem>>, vector<16xi32>,
      %mul3A_1816 = arith.constant 2.000000e+00 : f32
      %mul3A_1817 = vector.broadcast %mul3A_1816 : f32 to vector<16xf32>
      %mul3A_1818 = arith.mulf %mul3A_1817, %parallel_loop3A_1671#15 : vector<16xf32>
      %sub3A_1819 = arith.subf %scan3A_37#0, %mul3A_1818 : vector<16xf32>
      %broadcast_in_dim3A_1820 = arith.constant 0 : i32
      %broadcast_in_dim3A_1821 = vector.broadcast %broadcast_in_dim3A_1820 : i32 to vector<16xi32>
      %mul3A_1822 = arith.constant 2.000000e+00 : f32
      %mul3A_1823 = vector.broadcast %mul3A_1822 : f32 to vector<16xf32>
      %mul3A_1824 = arith.mulf %mul3A_1823, %parallel_loop3A_1671#16 : vector<16xf32>
      %sub3A_1825 = arith.subf %scan3A_37#1, %mul3A_1824 : vector<16xf32>
      %lt3A_1826 = arith.cmpf olt, %sub3A_1825, %sub3A_1819 : vector<16xf32>
      %select_n3A_1827 = arith.select %lt3A_1826, %sub3A_1825, %sub3A_1819 : vector<16xi1>, vector<16xf32>
      %jit3A_1828 = arith.constant 1 : i32
      %broadcast_in_dim3A_1829 = vector.broadcast %jit3A_1828 : i32 to vector<16xi32>
      %select_n3A_1830 = arith.select %lt3A_1826, %broadcast_in_dim3A_1829, %broadcast_in_dim3A_1821 : vector<16xi1>, vector<16xi32>
      %mul3A_1831 = arith.constant 2.000000e+00 : f32
      %mul3A_1832 = vector.broadcast %mul3A_1831 : f32 to vector<16xf32>
      %mul3A_1833 = arith.mulf %mul3A_1832, %parallel_loop3A_1671#17 : vector<16xf32>
      %sub3A_1834 = arith.subf %scan3A_37#2, %mul3A_1833 : vector<16xf32>
      %lt3A_1835 = arith.cmpf olt, %sub3A_1834, %select_n3A_1827 : vector<16xf32>
      %select_n3A_1836 = arith.select %lt3A_1835, %sub3A_1834, %select_n3A_1827 : vector<16xi1>, vector<16xf32>
      %jit3A_1837 = arith.constant 2 : i32
      %broadcast_in_dim3A_1838 = vector.broadcast %jit3A_1837 : i32 to vector<16xi32>
      %select_n3A_1839 = arith.select %lt3A_1835, %broadcast_in_dim3A_1838, %select_n3A_1830 : vector<16xi1>, vector<16xi32>
      %mul3A_1840 = arith.constant 2.000000e+00 : f32
      %mul3A_1841 = vector.broadcast %mul3A_1840 : f32 to vector<16xf32>
      %mul3A_1842 = arith.mulf %mul3A_1841, %parallel_loop3A_1671#18 : vector<16xf32>
      %sub3A_1843 = arith.subf %scan3A_37#3, %mul3A_1842 : vector<16xf32>
      %lt3A_1844 = arith.cmpf olt, %sub3A_1843, %select_n3A_1836 : vector<16xf32>
      %select_n3A_1845 = arith.select %lt3A_1844, %sub3A_1843, %select_n3A_1836 : vector<16xi1>, vector<16xf32>
      %jit3A_1846 = arith.constant 3 : i32
      %broadcast_in_dim3A_1847 = vector.broadcast %jit3A_1846 : i32 to vector<16xi32>
      %select_n3A_1848 = arith.select %lt3A_1844, %broadcast_in_dim3A_1847, %select_n3A_1839 : vector<16xi1>, vector<16xi32>
      %mul3A_1849 = arith.constant 2.000000e+00 : f32
      %mul3A_1850 = vector.broadcast %mul3A_1849 : f32 to vector<16xf32>
      %mul3A_1851 = arith.mulf %mul3A_1850, %parallel_loop3A_1671#19 : vector<16xf32>
      %sub3A_1852 = arith.subf %scan3A_37#4, %mul3A_1851 : vector<16xf32>
      %lt3A_1853 = arith.cmpf olt, %sub3A_1852, %select_n3A_1845 : vector<16xf32>
      %select_n3A_1854 = arith.select %lt3A_1853, %sub3A_1852, %select_n3A_1845 : vector<16xi1>, vector<16xf32>
      %jit3A_1855 = arith.constant 4 : i32
      %broadcast_in_dim3A_1856 = vector.broadcast %jit3A_1855 : i32 to vector<16xi32>
      %select_n3A_1857 = arith.select %lt3A_1853, %broadcast_in_dim3A_1856, %select_n3A_1848 : vector<16xi1>, vector<16xi32>
      %mul3A_1858 = arith.constant 64 : i32
      %mul3A_1859 = arith.muli %add3A_1610, %mul3A_1858 : i32
      %add3A_1860 = arith.constant 48 : i32
      %add3A_1861 = arith.addi %mul3A_1859, %add3A_1860 : i32
      %swap3A_1862 = arith.index_cast %add3A_1861 : i32 to index
      %swap3A_1863 = tpu.vector_load %arg8[%swap3A_1862] {strides = array<i32>} : memref<768xi32, #tpu.memory_space<vmem>>, vector<16xi32>,
      tpu.vector_store %arg8[%swap3A_1862], %select_n3A_1857 {strides = array<i32>} : memref<768xi32, #tpu.memory_space<vmem>>, vector<16xi32>,
      %add3A_1864 = arith.constant 2 : i32
      %add3A_1865 = arith.addi %add3A_1610, %add3A_1864 : i32
      %lt3A_1866 = arith.constant 12 : i32
      %lt3A_1867 = arith.cmpi slt, %add3A_1865, %lt3A_1866 : i32
      %convert_element_type3A_1868 = arith.extui %lt3A_1867 : i1 to i32
      %cond3A_1869 = arith.constant 0 : i32
      %cond3A_1870 = arith.cmpi ne, %convert_element_type3A_1868, %cond3A_1869 : i32
      scf.if %cond3A_1870 {
        %add3A_1871 = arith.constant 2 : i32
        %add3A_1872 = arith.addi %add3A_1610, %add3A_1871 : i32
        %mul3A_1873 = arith.constant 64 : i32
        %mul3A_1874 = arith.muli %add3A_1872, %mul3A_1873 : i32
        %add3A_1875 = arith.addi %mul3A_2, %mul3A_1874 : i32
        %dma_start3A_1876 = arith.constant 1 : i32
        %dma_start3A_1877 = arith.constant 0 : i32
        %dma_start3A_1878 = arith.constant 0 : i32
        %dma_start3A_1879 = tpu.memref_slice %arg5[%dma_start3A_1876, %dma_start3A_1877, %dma_start3A_1878] : memref<2x64x256xf32, #tpu.memory_space<vmem>> -> memref<1x64x256xf32, #tpu.memory_space<vmem>>
        %dma_start3A_1880 = tpu.memref_squeeze %dma_start3A_1879 : memref<1x64x256xf32, #tpu.memory_space<vmem>> -> memref<64x256xf32, #tpu.memory_space<vmem>>
        %dma_start3A_1881 = arith.constant 0 : i32
        %dma_start3A_1882 = tpu.memref_slice %arg2[%add3A_1875, %dma_start3A_1881] : memref<262144x256xf32, #tpu.memory_space<hbm>> -> memref<64x256xf32, #tpu.memory_space<hbm>>
        %dma_start3A_1883 = arith.constant 0 : i32
        %dma_start3A_1884 = arith.constant 0 : i32
        %dma_start3A_1885 = tpu.memref_slice %arg5[%dma_start3A_1876, %dma_start3A_1883, %dma_start3A_1884] : memref<2x64x256xf32, #tpu.memory_space<vmem>> -> memref<1x64x256xf32, #tpu.memory_space<vmem>>
        %dma_start3A_1886 = tpu.memref_squeeze %dma_start3A_1885 : memref<1x64x256xf32, #tpu.memory_space<vmem>> -> memref<64x256xf32, #tpu.memory_space<vmem>>
        %dma_start3A_1887 = arith.constant 0 : i32
        %dma_start3A_1888 = tpu.memref_slice %arg2[%add3A_1875, %dma_start3A_1887] : memref<262144x256xf32, #tpu.memory_space<hbm>> -> memref<64x256xf32, #tpu.memory_space<hbm>>
        tpu.enqueue_dma source(%dma_start3A_1888 : memref<64x256xf32, #tpu.memory_space<hbm>>) target(%dma_start3A_1886 : memref<64x256xf32, #tpu.memory_space<vmem>>) target_semaphore(%arg10 : memref<!tpu.dma_semaphore, #tpu.memory_space<semaphore_mem>>)
      } else {
      }
    }
    %scan3A_1349 = arith.constant 6 : i32
    "tpu.region"() ({
      %run_scoped3A = tpu.sem_alloc : memref<!tpu.dma_semaphore, #tpu.memory_space<semaphore_mem>>
      %dma_start3A_1350 = tpu.memref_slice %arg4[%mul3A_2] : memref<24576xi32, #tpu.memory_space<hbm>> -> memref<768xi32, #tpu.memory_space<hbm>>
      %dma_start3A_1351 = tpu.memref_slice %arg4[%mul3A_2] : memref<24576xi32, #tpu.memory_space<hbm>> -> memref<768xi32, #tpu.memory_space<hbm>>
      tpu.enqueue_dma source(%arg8 : memref<768xi32, #tpu.memory_space<vmem>>) target(%dma_start3A_1351 : memref<768xi32, #tpu.memory_space<hbm>>) target_semaphore(%run_scoped3A : memref<!tpu.dma_semaphore, #tpu.memory_space<semaphore_mem>>)
      %dma_wait3A = tpu.memref_slice %arg4[%mul3A_2] : memref<24576xi32, #tpu.memory_space<hbm>> -> memref<768xi32, #tpu.memory_space<hbm>>
      %dma_wait3A_1352 = tpu.memref_slice %arg4[%mul3A_2] : memref<24576xi32, #tpu.memory_space<hbm>> -> memref<768xi32, #tpu.memory_space<hbm>>
      tpu.wait_dma2 semaphore(%run_scoped3A : memref<!tpu.dma_semaphore, #tpu.memory_space<semaphore_mem>>) src(%arg8 : memref<768xi32, #tpu.memory_space<vmem>>) dst(%dma_wait3A_1352 : memref<768xi32, #tpu.memory_space<hbm>>)
      tpu.yield
    }) : () -> ()
    return
  }
}

module attributes {stable_mosaic.version = 14 : i64} {
  func.func @_tc_body(%arg0: i32, %arg1: memref<8192x256xf32, #tpu.memory_space<vmem>>, %arg2: memref<5x256xf32, #tpu.memory_space<vmem>>, %arg3: memref<8192xi32, #tpu.memory_space<vmem>>) attributes {dimension_semantics = [#tpu.dimension_semantics<arbitrary>], iteration_bounds = array<i64: 29>, scalar_prefetch = 0 : i64, scratch_operands = 0 : i64, tpu.core_type = #tpu.core_type<tc>, window_params = [{transform_indices = @transform_0, window_bounds = array<i64: 8192, 256>}, {pipeline_mode = #tpu.pipeline_mode<synchronous>, transform_indices = @transform_1, window_bounds = array<i64: 5, 256>}, {transform_indices = @transform_2, window_bounds = array<i64: 8192>}]} {
    %get3A = arith.constant 0 : index
    %get3A_0 = arith.constant 0 : index
    %get3A_1 = vector.load %arg1[%get3A, %get3A_0] : memref<8192x256xf32, #tpu.memory_space<vmem>>, vector<8192x256xf32>
    %get3A_2 = arith.constant 0 : index
    %get3A_3 = arith.constant 0 : index
    %get3A_4 = vector.load %arg2[%get3A_2, %get3A_3] : memref<5x256xf32, #tpu.memory_space<vmem>>, vector<5x256xf32>
    %dot_general3A = arith.constant dense<0.000000e+00> : vector<5x8192xf32>
    %dot_general3A_5 = tpu.matmul %get3A_4, %get3A_1, %dot_general3A {dimension_numbers = #tpu.dot_dimension_numbers<[1], [1], [0], [0], [0, 0, 1, 0], [], []>, transpose_lhs_hint = false} : vector<5x256xf32>, vector<8192x256xf32>, vector<5x8192xf32> -> vector<5x8192xf32>
    %mul3A = arith.mulf %get3A_4, %get3A_4 : vector<5x256xf32>
    %reduce_sum3A = arith.constant dense<0.000000e+00> : vector<5xf32>
    %reduce_sum3A_6 = vector.multi_reduction <add>, %mul3A, %reduce_sum3A [1] : vector<5x256xf32> to vector<5xf32>
    %broadcast_in_dim3A = vector.shape_cast %reduce_sum3A_6 : vector<5xf32> to vector<5x1xf32>
    %mul3A_7 = arith.constant 2.000000e+00 : f32
    %mul3A_8 = vector.broadcast %mul3A_7 : f32 to vector<5x8192xf32>
    %mul3A_9 = arith.mulf %mul3A_8, %dot_general3A_5 : vector<5x8192xf32>
    %sub3A = vector.broadcast %broadcast_in_dim3A : vector<5x1xf32> to vector<5x8192xf32>
    %sub3A_10 = arith.subf %sub3A, %mul3A_9 : vector<5x8192xf32>
    %reduce_min3A = arith.constant dense<0x7F800000> : vector<8192xf32>
    %reduce_min3A_11 = vector.multi_reduction <minimumf>, %sub3A_10, %reduce_min3A [0] : vector<5x8192xf32> to vector<8192xf32>
    %broadcast_in_dim3A_12 = vector.shape_cast %reduce_min3A_11 : vector<8192xf32> to vector<1x8192xf32>
    %iota3A = tpu.iota {dimensions = array<i32: 0>} : vector<5x8192xi32>
    %eq3A = vector.broadcast %broadcast_in_dim3A_12 : vector<1x8192xf32> to vector<5x8192xf32>
    %eq3A_13 = arith.cmpf oeq, %sub3A_10, %eq3A : vector<5x8192xf32>
    %jit3A = arith.constant 5 : i32
    %broadcast_in_dim3A_14 = vector.broadcast %jit3A : i32 to vector<5x8192xi32>
    %select_n3A = arith.select %eq3A_13, %iota3A, %broadcast_in_dim3A_14 : vector<5x8192xi1>, vector<5x8192xi32>
    %reduce_min3A_15 = arith.constant dense<2147483647> : vector<8192xi32>
    %reduce_min3A_16 = vector.multi_reduction <minsi>, %select_n3A, %reduce_min3A_15 [0] : vector<5x8192xi32> to vector<8192xi32>
    %swap3A = arith.constant 0 : index
    %swap3A_17 = vector.load %arg3[%swap3A] : memref<8192xi32, #tpu.memory_space<vmem>>, vector<8192xi32>
    tpu.vector_store %arg3[%swap3A], %reduce_min3A_16 {strides = array<i32>} : memref<8192xi32, #tpu.memory_space<vmem>>, vector<8192xi32>,
    return
  }
  func.func @transform_0(%arg0: i32) -> (i32, i32) {
    %add3A = arith.constant 3 : i32
    %add3A_0 = arith.addi %arg0, %add3A : i32
    %c0_i32 = arith.constant 0 : i32
    %c0_i32_1 = arith.constant 0 : i32
    return %add3A_0, %c0_i32 : i32, i32
  }
  func.func @transform_1(%arg0: i32) -> (i32, i32) {
    %c0_i32 = arith.constant 0 : i32
    %c0_i32_0 = arith.constant 0 : i32
    %c0_i32_1 = arith.constant 0 : i32
    return %c0_i32, %c0_i32_0 : i32, i32
  }
  func.func @transform_2(%arg0: i32) -> i32 {
    %c0_i32 = arith.constant 0 : i32
    return %arg0 : i32
  }
}

</mosaic_0001>

<sc_bundles>
// kernel: kernel.4.cloned.1.call-start
scs
__scs_entry_jumppad:
0x0: {  	(pc) =	sbr.rel $0x88, $3  }
0x1: {  	(tag) =	ssettag $0x0;
	lr =	simm.s32 $0x1  }
0x2: {  	[smem:$0x3F9F] =	sst lr;
	_ =	strace $0xD0000000  }
0x3: {  	_ = 	snop  }
0x4: {  	_ = 	snop  }
0x5: {  	_ = 	snop  }
0x6: {  	_ = 	snop  }
0x7: {  	_ = 	snop  }
__scs_overlays_trampoline_lowered:
0x8: {  	[smem:$0x3FAE] =	sst s0  }
0x9: {  	[smem:$0x3FAF] =	sst s1  }
0xa: {  	[smem:$0x3FB0] =	sst s2  }
0xb: {  	[smem:$0x3FB1] =	sst s3  }
0xc: {  	[smem:$0x3FB2] =	sst s4  }
0xd: {  	[smem:$0x3FB3] =	sst s5  }
0xe: {  	[smem:$0x3FB4] =	sst s6  }
0xf: {  	[smem:$0x3FB5] =	sst s7  }
0x10: {  	[smem:$0x3FB6] =	sst s8  }
0x11: {  	[smem:$0x3FB7] =	sst s9;
	s0 =	simm.s32 @!p0 $0x0  }
0x12: {  	s1 =	sld [smem:$0x3F9D];
	s0 =	simm.s32 @p0 $0x1  }
0x13: {  	[smem:$0x3FB8] =	sst s0;
	s0 =	simm.s32 @!p1 $0x0  }
0x14: {  	s2 =	sld [smem:$0x3F9C];
	s0 =	simm.s32 @p1 $0x1  }
0x15: {  	[smem:$0x3FB9] =	sst s0;
	s0 =	simm.s32 @!p2 $0x0  }
0x16: {  	s3 =	sld [smem:$0x3FDB];
	s0 =	simm.s32 @p2 $0x1  }
0x17: {  	s4 =	simm.s32 $0x1BF5;
	[smem:$0x3FBB] =	sst s0  }
0x18: {  	s0 =	sld [smem:$0x3F9E];
	_ =	swait.ge [sflag:s4], $0x0  }
0x19: {  	s7 =	sld [smem:$0x3F9F]  }
0x1a: {  	s8 =	sadd.s32 $0xFFFFE003, lr  }
0x1b: {  	s9 =	sadd.s32 $0xFFFFFEF7, lr;
	s5 =	simm.s32 $0xFFFFFFFF;
	p2 =	slt.u32 s8, $0xFFFFF086  }
0x1c: {  	p1 =	slt.u32 s9, $0xF7A;
	s5 =	simm.s32 @!p2 $0x0  }
0x1d: {  	s5 =	simm.s32 @p1 $0x1;
	p0 =	seq.s32 s7, s2  }
0x1e: {  	s7 =	smul.u32 @!p0 $0xF7A, s2;
	p2 =	seq.s32 @!p0 s5, $0x0  }
0x1f: {  	s9 =	smul.u32 $0xF7A, s1;
	s8 =	simm.s32 @!p0 $0x1BF5;
	p2 =	por !p2, p0  }
0x20: {  	[sflag:s8] =	ssyncset.s32 @!p0 $0xFFFFF086;
	s6 =	sadd.s32 @!p0 s3, s7;
	s7 =	simm.s32 @!p0 $0x108  }
0x21: {  	s3 =	sadd.s32 s3, s9;
	s6 =	sadd.s32 @!p0 $0x88, s6;
	s7 =	simm.s32 @p2 $0x1082  }
0x22: {  	[simem:s7], [sflag:s8] =	dma.local @!p0 [hbm:s6], $0xF7A  }
0x23: {  	s9 =	sor.u32 $0xD0000000, s2;
	s6 =	simm.s32 $0x108;
	_ =	swait.ge @!p0 [sflag:s8], $0x0  }
0x24: {  	s3 =	sadd.s32 $0x88, s3;
	s6 =	simm.s32 @!p1 $0x1082;
	[sflag:s4] =	ssyncset.s32 $0xFFFFF086  }
0x25: {  	[simem:s6], [sflag:s4] =	dma.local [hbm:s3], $0xF7A  }
0x26: {  	[smem:$0x3F9F] =	sst s1;
	(tag) =	ssettag s2;
	_ =	strace s9  }
0x27: {  	s1 =	sld [smem:$0x3FAF]  }
0x28: {  	s2 =	sld [smem:$0x3FB0]  }
0x29: {  	s4 =	sld [smem:$0x3FB2]  }
0x2a: {  	p0 =	seq.s32 s5, $0x0;
	s5 =	sld [smem:$0x3FB3]  }
0x2b: {  	s6 =	sld [smem:$0x3FB4]  }
0x2c: {  	s7 =	sld [smem:$0x3FB5]  }
0x2d: {  	s3 =	simm.s32 $0x108;
	s8 =	sld [smem:$0x3FB6]  }
0x2e: {  	s3 =	simm.s32 @!p0 $0x1082;
	s9 =	sld [smem:$0x3FB7]  }
0x2f: {  	lr =	sadd.s32 s0, s3;
	s0 =	sld [smem:$0x3FAE]  }
0x30: {  	s3 =	sld [smem:$0x3FB1]  }
0x31: {  	[smem:$0x3FBA] =	sst s10  }
0x32: {  	s10 =	sld [smem:$0x3FB8];
	_ =	sdelay $0x3  }
0x33: {  	p0 =	seq.s32 s10, $0x1;
	s10 =	sld [smem:$0x3FBA];
	_ =	sdelay $0x3  }
0x34: {  	[smem:$0x3FBA] =	sst s10  }
0x35: {  	s10 =	sld [smem:$0x3FB9];
	_ =	sdelay $0x3  }
0x36: {  	p1 =	seq.s32 s10, $0x1;
	s10 =	sld [smem:$0x3FBA];
	_ =	sdelay $0x3  }
0x37: {  	[smem:$0x3FBA] =	sst s10  }
0x38: {  	s10 =	sld [smem:$0x3FBB]  }
0x39: {  	_ = 	snop;
	(pc) =	sbr.ind lr, $3  }
0x3a: {  	_ = 	snop  }
0x3b: {  	_ = 	snop  }
0x3c: {  	p2 =	seq.s32 s10, $0x1;
	s10 =	sld [smem:$0x3FBA]  }
0x3d: {  	_ =	shalt  }
0x3e: {  	_ =	shalt  }
0x3f: {  	_ =	shalt  }
0x40: {  	_ =	shalt  }
0x41: {  	_ =	shalt  }
0x42: {  	_ =	shalt  }
0x43: {  	_ =	shalt  }
0x44: {  	_ =	shalt  }
0x45: {  	_ =	shalt  }
0x46: {  	_ =	shalt  }
0x47: {  	_ =	shalt  }
0x48: {  	_ =	shalt  }
0x49: {  	_ =	shalt  }
0x4a: {  	_ =	shalt  }
0x4b: {  	_ =	shalt  }
0x4c: {  	_ =	shalt  }
0x4d: {  	_ =	shalt  }
0x4e: {  	_ =	shalt  }
0x4f: {  	_ =	shalt  }
0x50: {  	_ =	shalt  }
0x51: {  	_ =	shalt  }
0x52: {  	_ =	shalt  }
0x53: {  	_ =	shalt  }
0x54: {  	_ =	shalt  }
0x55: {  	_ =	shalt  }
0x56: {  	_ =	shalt  }
0x57: {  	_ =	shalt  }
0x58: {  	_ =	shalt  }
0x59: {  	_ =	shalt  }
0x5a: {  	_ =	shalt  }
0x5b: {  	_ =	shalt  }
0x5c: {  	_ =	shalt  }
0x5d: {  	_ =	shalt  }
0x5e: {  	_ =	shalt  }
0x5f: {  	_ =	shalt  }
0x60: {  	_ =	shalt  }
0x61: {  	_ =	shalt  }
0x62: {  	_ =	shalt  }
0x63: {  	_ =	shalt  }
0x64: {  	_ =	shalt  }
0x65: {  	_ =	shalt  }
0x66: {  	_ =	shalt  }
0x67: {  	_ =	shalt  }
0x68: {  	_ =	shalt  }
0x69: {  	_ =	shalt  }
0x6a: {  	_ =	shalt  }
0x6b: {  	_ =	shalt  }
0x6c: {  	_ =	shalt  }
0x6d: {  	_ =	shalt  }
0x6e: {  	_ =	shalt  }
0x6f: {  	_ =	shalt  }
0x70: {  	_ =	shalt  }
0x71: {  	_ =	shalt  }
0x72: {  	_ =	shalt  }
0x73: {  	_ =	shalt  }
0x74: {  	_ =	shalt  }
0x75: {  	_ =	shalt  }
0x76: {  	_ =	shalt  }
0x77: {  	_ =	shalt  }
0x78: {  	_ =	shalt  }
0x79: {  	_ =	shalt  }
0x7a: {  	_ =	shalt  }
0x7b: {  	_ =	shalt  }
0x7c: {  	_ =	shalt  }
0x7d: {  	_ =	shalt  }
0x7e: {  	_ =	shalt  }
0x7f: {  	_ =	shalt  }
0x80: {  	_ =	shalt  }
0x81: {  	_ =	shalt  }
0x82: {  	_ =	shalt  }
0x83: {  	_ =	shalt  }
0x84: {  	_ =	shalt  }
0x85: {  	_ =	shalt  }
0x86: {  	_ =	shalt  }
0x87: {  	_ =	shalt  }
.Lfunc_end0:
.L_simem_size_0:
called_computation_lowered:
.L_overlay_start_0:
0x88: {  	s2 =	sld [smem:$0x3FD9]  }
0x89: {  	s3 =	sld [smem:$0x3FFE];
	_ =	sdelay $0x1  }
0x8a: {  	s1 =	srdreg.scid  }
0x8b: {  	s0 =	sand.u32 $0x1, s1  }
0x8c: {  	s17 =	sshll.u32 s0, $0xA;
	s2 =	sadd.s32 s3, s2  }
0x8d: {  	s2 =	sadd.s32 s2, s17  }
0x8e: {  	[smem:$0x3FC6] =	sst s2  }
0x8f: {  	_ = 	snop  }
0x90: {  	s2 =	sld [smem:$0x3FC9]  }
0x91: {  	s18 =	sld [smem:$0x3FC8];
	(tm) =	ssettm $0x1  }
0x92: {  	s4 =	sld [smem:$0x3FFB];
	_ =	sdelay $0x3  }
0x93: {  	_ =	strace s4  }
0x94: {  	s4 =	sld [smem:$0x3FFC];
	_ =	sdelay $0x3  }
0x95: {  	_ =	strace s4  }
0x96: {  	s4 =	sld [smem:$0x3FFD];
	_ =	sdelay $0x3  }
0x97: {  	_ =	strace s4  }
0x98: {  	_ =	strace $0x8FFFFFFF  }
0x99: {  	s19 =	sld [smem:$0x3FDB];
	_ =	sdelay $0x1  }
0x9a: {  	s5 =	simm.s32 $_scs_section_size  }
0x9b: {  	s6 =	simm.s32 $_size__tile_overlayer_lowered;
	s7 =	simm.s32 $_tile_overlayer_lowered  }
0x9c: {  	s22 =	simm.s32 $0x1BFF;
	s21 =	sshll.u32 s7, $0x1;
	s4 =	sadd.s32 s5, s19  }
0x9d: {  	s8 =	simm.s32 $0x0;
	s20 =	sshll.u32 s6, $0x1;
	s6 =	sadd.s32 s21, s4  }
0x9e: {  	[timem:s8], [sflag:s22] =	dma.local [hbm:s6], s20  }
0x9f: {  	_ =	swait.ge [sflag:s22], s20  }
0xa0: {  	s5 =	ssub.s32 $0x0, s20;
	[sflag:s22] =	ssyncset.done $0x0  }
0xa1: {  	[sflag:s22] =	ssyncadd.s32 s5;
	_ =	sdelay $0x1  }
0xa2: {  	s23 =	simm.s32 $0x1B8B  }
0xa3: {  	_ =	swait.ge [sflag:s23], $0x1  }
0xa4: {  	[sflag:s23] =	ssyncset.done $0x0  }
0xa5: {  	s25 =	simm.s32 $0x1B8E;
	s24 =	sld [smem:$0x3FFE];
	[sflag:s23] =	ssyncadd.s32 $0xFFFFFFFF  }
0xa6: {  	s26 =	simm.s32 $execute0_lowered;
	[smem:$0x3FD2] =	sst s25  }
0xa7: {  	s6 =	sshll.u32 s26, $0x1;
	_ =	strace $0x80000046;
	[dreg:$0x1] =	wrdreg $0xFFFFFFFF  }
0xa8: {  	s28 =	simm.s32 $_size_execute0_lowered;
	s4 =	sadd.s32 s4, s6;
	[dreg:$0x0] =	wrdreg $0x0  }
0xa9: {  	s6 =	sshll.u32 s28, $0x1;
	[dreg:$0x2] =	wrdreg s4  }
0xaa: {  	[dreg:$0x3] =	wrdreg s6  }
0xab: {  	[dreg:$0x4] =	wrdreg $0xC0  }
0xac: {  	_ =	task [dreg:s8], $0x5FFFF  }
0xad: {  	[dreg:$0x1] =	wrdreg $0xFFFFFFFF  }
0xae: {  	[dreg:$0x0] =	wrdreg $0x60  }
0xaf: {  	[dreg:$0x2] =	wrdreg s2  }
0xb0: {  	[dreg:$0x3] =	wrdreg s18  }
0xb1: {  	[dreg:$0x4] =	wrdreg s24  }
0xb2: {  	[dreg:$0x5] =	wrdreg $0x9  }
0xb3: {  	_ =	task.clear_ibuf [dreg:s8], $0x6FFFF;
	_ =	strace $0x90000046  }
0xb4: {  	s29 =	simm.s32 $0x9;
	_ =	strace $0x80000048  }
0xb5: {  	_ =	swait.ge [sflag:s29], $0x1  }
0xb6: {  	[sflag:s29] =	ssyncadd.s32 $0xFFFFFFFF  }
0xb7: {  	_ =	strace $0x90000048  }
0xb8: {  	_ =	sfence  }
0xb9: {  	s30 =	sld [smem:$0x0];
	_ =	sdelay $0x2  }
0xba: {  	s31 =	sshll.u32 s1, $0xD;
	s1 =	sshrl.u32 s1, $0x2  }
0xbb: {  	s3 =	sand.u32 $0x4000, s31;
	s1 =	sadd.s32 s1, s30  }
0xbc: {  	s0 =	sor.u32 s3, s0;
	s1 =	sshll.u32 s1, $0x11  }
0xbd: {  	s0 =	sor.u32 s1, s0  }
0xbe: {  	s0 =	sadd.s32 $0x8F2B, s0  }
0xbf: {  	[sflag:s0] =	ssyncadd.remote.s32 $0x1  }
0xc0: {  	_ =	sfence.sel $0xFFFF  }
0xc1: {  	[dreg:$0x0] =	wrdreg $0xFFFFFFFF;
	(pc) =	sbr.abs _section_cstart, $3  }
0xc2: {  	[dreg:$0x1] =	wrdreg $0xFFFFFFFF  }
0xc3: {  	_ =	task.clear_ibuf [dreg:s8], $0x2FFFF;
	_ =	strace $0x9FFFFFFF  }
0xc4: {  	(tm) =	ssettm $0x7FFFFFFF  }
0xc5: {  	_ =	shalt  }
tec
execute0_lowered:
.L_overlay_start_1:
0x0: {  	(tag) =	ssettag $0x1  }
0x1: {  	v0 =	vimm.s32 $0xB80;
	vm14 =	vcmask $0x300  }
0x2: {  	vm13 =	vcmask $0x704;
	v0 =	vsel vm14, $0x0, v0  }
0x3: {  	vm12 =	vcmask $0xB08;
	v0 =	vsel vm13, $0x80, v0  }
0x4: {  	vm11 =	vcmask $0xF0C;
	v0 =	vsel vm12, $0x100, v0  }
0x5: {  	vm10 =	vcmask $0x1310;
	v0 =	vsel vm11, $0x180, v0  }
0x6: {  	vm9 =	vcmask $0x1714;
	v0 =	vsel vm10, $0x200, v0  }
0x7: {  	vm8 =	vcmask $0x1B18;
	v0 =	vsel vm9, $0x280, v0  }
0x8: {  	vm7 =	vcmask $0x1F1C;
	v0 =	vsel vm8, $0x300, v0  }
0x9: {  	vm6 =	vcmask $0x2320;
	vm5 =	vcmask $0x2724;
	v0 =	vsel vm7, $0x380, v0  }
0xa: {  	vm4 =	vcmask $0x2B28;
	vm3 =	vcmask $0x2F2C;
	v0 =	vsel vm6, $0x800, v0  }
0xb: {  	vm2 =	vcmask $0x3330;
	vm0 =	vcmask $0x3734;
	v0 =	vsel vm5, $0x880, v0  }
0xc: {  	vm1 =	vcmask $0x3B38;
	v61 =	vimm.s32 $0x1B80;
	v0 =	vsel vm4, $0x900, v0  }
0xd: {  	v1 =	vimm.s32 $0x2B80;
	v2 =	vimm.s32 $0x3B80;
	v0 =	vsel vm3, $0x980, v0  }
0xe: {  	v1 =	vsel vm14, $0x2000, v1;
	v2 =	vsel vm14, $0x3000, v2;
	v0 =	vsel vm2, $0xA00, v0  }
0xf: {  	v1 =	vsel vm13, $0x2080, v1;
	v2 =	vsel vm13, $0x3080, v2;
	v0 =	vsel vm0, $0xA80, v0  }
0x10: {  	v1 =	vsel vm12, $0x2100, v1;
	v28 =	vsel vm1, $0xB00, v0;
	v0 =	vsel vm14, $0x1000, v61  }
0x11: {  	v2 =	vsel vm12, $0x3100, v2;
	v1 =	vsel vm11, $0x2180, v1;
	v0 =	vsel vm13, $0x1080, v0  }
0x12: {  	v2 =	vsel vm11, $0x3180, v2;
	v1 =	vsel vm10, $0x2200, v1;
	v0 =	vsel vm12, $0x1100, v0  }
0x13: {  	s0 =	rddreg [dreg:$0x0];
	v2 =	vsel vm10, $0x3200, v2;
	v1 =	vsel vm9, $0x2280, v1;
	v0 =	vsel vm11, $0x1180, v0  }
0x14: {  	s1 =	rddreg [dreg:$0x1];
	v2 =	vsel vm9, $0x3280, v2;
	v1 =	vsel vm8, $0x2300, v1;
	v0 =	vsel vm10, $0x1200, v0  }
0x15: {  	s2 =	srdreg.scid;
	s6 =	rddreg [dreg:$0x2];
	v2 =	vsel vm8, $0x3300, v2;
	v1 =	vsel vm7, $0x2380, v1;
	v0 =	vsel vm9, $0x1280, v0  }
0x16: {  	s3 =	rddreg [dreg:$0x3];
	s4 =	simm.s32 $0x0;
	s5 =	sand.u32 $0x1, s2;
	v2 =	vsel vm7, $0x3380, v2;
	v1 =	vsel vm6, $0x2800, v1;
	v0 =	vsel vm8, $0x1300, v0  }
0x17: {  	s12 =	simm.s32 $0x3;
	s2 =	stileid.u32;
	s7 =	sshll.u32 s5, $0x4;
	v2 =	vsel vm6, $0x3800, v2;
	v1 =	vsel vm5, $0x2880, v1;
	v0 =	vsel vm7, $0x1380, v0  }
0x18: {  	s13 =	simm.s32 $0x4000;
	s14 =	simm.s32 $0x1;
	s7 =	sor.u32 s2, s7;
	v2 =	vsel vm5, $0x3880, v2;
	v1 =	vsel vm4, $0x2900, v1;
	v0 =	vsel vm6, $0x1800, v0  }
0x19: {  	s15 =	simm.s32 $0x8800;
	s16 =	simm.s32 $0x2;
	s8 =	smul.u32 $0x6000, s7;
	v2 =	vsel vm4, $0x3900, v2;
	v1 =	vsel vm3, $0x2980, v1;
	v0 =	vsel vm5, $0x1880, v0  }
0x1a: {  	[smem:$0x7FF] =	sst s4;
	s10 =	ssub.s32 $0x2, s5;
	s9 =	smul.u32 $0x60, s7;
	v2 =	vsel vm3, $0x3980, v2;
	v1 =	vsel vm2, $0x2A00, v1;
	v0 =	vsel vm4, $0x1900, v0  }
.Ltmp0:
0x1b: {  	_ =	strace $0x80000047;
	s11 =	sshrl.u32 s10, $0x1;
	v2 =	vsel vm2, $0x3A00, v2;
	v62 =	vsel vm0, $0x2A80, v1;
	v0 =	vsel vm3, $0x1980, v0;
	(pc) =	sbr.rel .LBB2_1-.Ltmp0, $4  }
0x1c: {  	s17 =	simm.s32 $0x9000;
	s31 =	smul.u32 $0x30000, s7;
	s10 =	ssub.s32 s10, s11;
	v63 =	vsel vm0, $0x3A80, v2;
	v32 =	vsel vm1, $0x2B00, v62;
	[tilespmem:$0x1FFD0] =	vst v28;
	v0 =	vsel vm2, $0x1A00, v0  }
0x1d: {  	s18 =	simm.s32 $0x0;
	s11 =	simm.s32 $0x8000;
	s10 =	smax.u32 s10, $0x1;
	v33 =	vsel vm1, $0x3B00, v63;
	[tilespmem:$0x1FFE0] =	vst v32;
	v0 =	vsel vm0, $0x1A80, v0  }
0x1e: {  	s5 =	sadd.s32 s0, s8;
	s9 =	sadd.s32 s9, s6;
	s7 =	sor.u32 $0x8000, s31;
	[tilespmem:$0x1FFF0] =	vst v33;
	v30 =	vsel vm1, $0x1B00, v0  }
0x1f: {  	v27 =	vlaneseq.u32;
	s8 =	sor.u32 $0xC000, s31;
	s6 =	sadd.s32 $0x800, s5;
	s9 =	sadd.s32 $0x600, s9;
	[tilespmem:$0x1FFC0] =	vst v30  }
.LBB2_10:
0x20: {  	s18 =	sadd.s32 $0x1, s18  }
0x21: {  	p0 =	sne.s32 s18, s10  }
.Ltmp1:
0x22: {  	_ = 	snop;
	(pc) =	sbr.rel @!p0 .LBB2_11-.Ltmp1, $4  }
0x23: {  	[hbm4b:s9+s4] =	stream.linear.scatter [tilespmem:s17], [sflag:$0x3], $0x300, $0x38;
	[tilespmem:$0x9300] =	vst v63  }
0x24: {  	_ =	swait.ge [sflag:s12], $0x300  }
0x25: {  	[sflag:s12] =	ssyncset.done $0x0  }
0x26: {  	v27 =	vlaneseq.u32;
	v32 =	vmov v21;
	v33 =	vmov v22;
	[sflag:s12] =	ssyncadd.s32 $0xFFFFFD00  }
.LBB2_1:
0x27: {  	v0 =	vmov s4  }
0x28: {  	v1 =	vshll.u32 v0, $0x3  }
0x29: {  	v0 =	vand.u32 $0x7F, v0;
	v1 =	vand.u32 $0x400, v1  }
0x2a: {  	v0 =	vor.u32 v0, v1  }
0x2b: {  	[tilespmem:s11], [sflag:$0x3] =	stream.linear.gather [hbm4b:s1+s4], $0x800, $0x38;
	v1 =	vor.u32 $0x200, v0;
	[tilespmem:$0x9300] =	vst v63  }
0x2c: {  	s19 =	simm.s32 $0x1;
	_ =	swait.ge [sflag:s12], $0x800;
	v4 =	vor.u32 $0x80, v0  }
0x2d: {  	v2 =	vmov s19;
	[sflag:s12] =	ssyncset.done $0x0;
	v5 =	vor.u32 $0x100, v0  }
0x2e: {  	v3 =	vshll.u32 v2, $0x3;
	[sflag:s12] =	ssyncadd.s32 $0xFFFFF800  }
0x2f: {  	v7 =	vor.u32 $0x180, v0;
	v6 =	vld.idx.msk [tilespmem:v0+s11+$0x0], $0xffff;
	v0 =	vand.u32 $0x7F, v2;
	v2 =	vand.u32 $0x400, v3  }
0x30: {  	v3 =	vor.u32 v0, v2;
	v19 =	vld.idx.msk [tilespmem:v1+s11+$0x0], $0xffff  }
0x31: {  	v10 =	vimm.f32 $0.0e+00;
	v14 =	vld.idx.msk [tilespmem:v4+s11+$0x0], $0xffff;
	v4 =	vor.u32 $0x200, v3  }
0x32: {  	s31 =	simm.s32 $0x2;
	v13 =	vimm.f32 $0.0e+00;
	v9 =	vimm.f32 $0.0e+00;
	v12 =	vld.idx.msk [tilespmem:v5+s11+$0x0], $0xffff;
	v2 =	vor.u32 $0x80, v3  }
0x33: {  	v8 =	vimm.f32 $0.0e+00;
	v5 =	vmov s31;
	v0 =	vor.u32 $0x100, v3  }
0x34: {  	s19 =	simm.s32 $0x3;
	v7 =	vld.idx.msk [tilespmem:v7+s11+$0x0], $0xffff;
	v1 =	vor.u32 $0x180, v3;
	v11 =	vmul.f32 v6, v6;
	v6 =	vimm.f32 $0.0e+00  }
.LBB2_2:
0x35: {  	p0 =	sne.s32 s19, $0xFF;
	v15 =	vshll.u32 v5, $0x3;
	v16 =	vld.idx.msk [tilespmem:v3+s11+$0x0], $0xffff;
	v17 =	vmul.f32 v19, v19  }
0x36: {  	v3 =	vand.u32 $0x7F, v5;
	v5 =	vand.u32 $0x400, v15;
	v19 =	vld.idx.msk [tilespmem:v4+s11+$0x0], $0xffff;
	v15 =	vmul.f32 v14, v14  }
.Ltmp2:
0x37: {  	v3 =	vor.u32 v3, v5;
	v14 =	vld.idx.msk [tilespmem:v2+s11+$0x0], $0xffff;
	v5 =	vmul.f32 v12, v12;
	v10 =	vadd.f32 v17, v10;
	(pc) =	sbr.rel @p0 .LBB2_2-.Ltmp2, $4  }
0x38: {  	v2 =	vor.u32 $0x80, v3;
	v4 =	vor.u32 $0x200, v3;
	v12 =	vld.idx.msk [tilespmem:v0+s11+$0x0], $0xffff;
	v0 =	vor.u32 $0x100, v3  }
0x39: {  	v13 =	vadd.f32 v15, v13;
	v15 =	vmul.f32 v7, v7;
	v7 =	vld.idx.msk [tilespmem:v1+s11+$0x0], $0xffff;
	v1 =	vor.u32 $0x180, v3  }
0x3a: {  	v9 =	vadd.f32 v11, v9;
	v8 =	vadd.f32 v5, v8  }
0x3b: {  	v5 =	vmov s19;
	s19 =	sadd.s32 $0x1, s19;
	v11 =	vmul.f32 v16, v16;
	v6 =	vadd.f32 v15, v6  }
0x3c: {  	_ =	sdelay $0x3  }
0x3d: {  	v25 =	vld.idx.msk [tilespmem:v3+s11+$0x0], $0xffff  }
0x3e: {  	v24 =	vld.idx.msk [tilespmem:v4+s11+$0x0], $0xffff  }
0x3f: {  	v23 =	vld.idx.msk [tilespmem:v2+s11+$0x0], $0xffff  }
0x40: {  	v22 =	vld.idx.msk [tilespmem:v0+s11+$0x0], $0xffff  }
0x41: {  	v21 =	vld.idx.msk [tilespmem:v1+s11+$0x0], $0xffff  }
0x42: {  	v40 =	vld [tilespmem:$0x8000]  }
0x43: {  	v41 =	vld [tilespmem:$0x8010]  }
0x44: {  	v42 =	vld [tilespmem:$0x8020]  }
0x45: {  	v15 =	vshll.u32 v5, $0x3;
	v43 =	vld [tilespmem:$0x8030]  }
0x46: {  	v35 =	vand.u32 $0x7F, v5;
	v44 =	vld [tilespmem:$0x8040];
	v15 =	vand.u32 $0x400, v15  }
0x47: {  	v45 =	vld [tilespmem:$0x8050];
	v36 =	vor.u32 v35, v15  }
0x48: {  	v26 =	vld [tilespmem:$0x8060];
	v37 =	vor.u32 $0x200, v36  }
0x49: {  	v48 =	vld [tilespmem:$0x8070];
	v38 =	vor.u32 $0x80, v36  }
0x4a: {  	v51 =	vld [tilespmem:$0x8400];
	v5 =	vor.u32 $0x100, v36  }
0x4b: {  	v54 =	vld [tilespmem:$0x8410];
	v39 =	vor.u32 $0x180, v36  }
0x4c: {  	v16 =	vld.idx.msk [tilespmem:v36+s11+$0x0], $0xffff  }
0x4d: {  	v20 =	vld.idx.msk [tilespmem:v37+s11+$0x0], $0xffff  }
0x4e: {  	v0 =	vadd.s32 $0x8000, v40;
	v17 =	vld.idx.msk [tilespmem:v38+s11+$0x0], $0xffff  }
0x4f: {  	v1 =	vadd.s32 $0x8000, v41;
	v0 =	vand.u32 $0xFFFF0000, v0;
	v18 =	vld.idx.msk [tilespmem:v5+s11+$0x0], $0xffff  }
0x50: {  	v47 =	vadd.s32 $0x8000, v42;
	v46 =	vand.u32 $0xFFFF0000, v1;
	v15 =	vld.idx.msk [tilespmem:v39+s11+$0x0], $0xffff;
	[tilespmem:$0x8800] =	vst v0  }
0x51: {  	v57 =	vld [tilespmem:$0x8420];
	v50 =	vadd.s32 $0x8000, v43;
	v49 =	vand.u32 $0xFFFF0000, v47;
	[tilespmem:$0x8810] =	vst v46  }
0x52: {  	v62 =	vld [tilespmem:$0x8440];
	v53 =	vadd.s32 $0x8000, v44;
	v52 =	vand.u32 $0xFFFF0000, v50;
	[tilespmem:$0x8820] =	vst v49  }
0x53: {  	v35 =	vld [tilespmem:$0x8450];
	v56 =	vadd.s32 $0x8000, v45;
	v55 =	vand.u32 $0xFFFF0000, v53;
	[tilespmem:$0x8830] =	vst v52  }
0x54: {  	v59 =	vadd.s32 $0x8000, v26;
	v26 =	vld [tilespmem:$0x8430];
	v58 =	vand.u32 $0xFFFF0000, v56;
	[tilespmem:$0x8840] =	vst v55  }
0x55: {  	v61 =	vadd.s32 $0x8000, v48;
	v41 =	vld [tilespmem:$0x8470];
	v60 =	vand.u32 $0xFFFF0000, v59;
	[tilespmem:$0x8850] =	vst v58  }
0x56: {  	v34 =	vadd.s32 $0x8000, v51;
	v63 =	vand.u32 $0xFFFF0000, v61;
	[tilespmem:$0x8860] =	vst v60;
	v38 =	vld [tilespmem:$0x8460]  }
0x57: {  	v40 =	vadd.s32 $0x8000, v57;
	v36 =	vand.u32 $0xFFFF0000, v34;
	[tilespmem:$0x8870] =	vst v63;
	v46 =	vld [tilespmem:$0x8090]  }
0x58: {  	v45 =	vadd.s32 $0x8000, v62;
	v42 =	vand.u32 $0xFFFF0000, v40;
	[tilespmem:$0x8C00] =	vst v36;
	v49 =	vld [tilespmem:$0x80A0]  }
0x59: {  	v47 =	vand.u32 $0xFFFF0000, v45;
	v48 =	vadd.s32 $0x8000, v35;
	[tilespmem:$0x8C20] =	vst v42;
	v52 =	vld [tilespmem:$0x80B0]  }
0x5a: {  	v37 =	vadd.s32 $0x8000, v54;
	[tilespmem:$0x8C40] =	vst v47;
	v50 =	vand.u32 $0xFFFF0000, v48;
	v55 =	vld [tilespmem:$0x80C0]  }
0x5b: {  	v60 =	vld [tilespmem:$0x80E0];
	v39 =	vand.u32 $0xFFFF0000, v37;
	[tilespmem:$0x8C50] =	vst v50;
	v43 =	vadd.s32 $0x8000, v26  }
0x5c: {  	v63 =	vld [tilespmem:$0x80F0];
	[tilespmem:$0x8C10] =	vst v39;
	v54 =	vadd.s32 $0x8000, v41;
	v44 =	vand.u32 $0xFFFF0000, v43  }
0x5d: {  	v36 =	vld [tilespmem:$0x8480];
	v56 =	vand.u32 $0xFFFF0000, v54;
	[tilespmem:$0x8C30] =	vst v44;
	v51 =	vadd.s32 $0x8000, v38  }
0x5e: {  	v26 =	vld [tilespmem:$0x8080];
	[tilespmem:$0x8C70] =	vst v56;
	v59 =	vadd.s32 $0x8000, v46;
	v53 =	vand.u32 $0xFFFF0000, v51  }
0x5f: {  	v47 =	vld [tilespmem:$0x84C0];
	v62 =	vadd.s32 $0x8000, v49;
	v61 =	vand.u32 $0xFFFF0000, v59;
	[tilespmem:$0x8C60] =	vst v53  }
0x60: {  	v50 =	vld [tilespmem:$0x84D0];
	v35 =	vadd.s32 $0x8000, v52;
	v34 =	vand.u32 $0xFFFF0000, v62;
	[tilespmem:$0x8890] =	vst v61  }
0x61: {  	v39 =	vld [tilespmem:$0x8490];
	v38 =	vadd.s32 $0x8000, v55;
	v37 =	vand.u32 $0xFFFF0000, v35;
	[tilespmem:$0x88A0] =	vst v34  }
0x62: {  	v44 =	vld [tilespmem:$0x84B0];
	v43 =	vadd.s32 $0x8000, v60;
	v40 =	vand.u32 $0xFFFF0000, v38;
	[tilespmem:$0x88B0] =	vst v37  }
0x63: {  	v46 =	vadd.s32 $0x8000, v63;
	v45 =	vand.u32 $0xFFFF0000, v43;
	v57 =	vadd.s32 $0x8000, v26;
	v26 =	vld [tilespmem:$0x80D0];
	[tilespmem:$0x88C0] =	vst v40  }
0x64: {  	v49 =	vadd.s32 $0x8000, v36;
	v48 =	vand.u32 $0xFFFF0000, v46;
	[tilespmem:$0x88E0] =	vst v45;
	v53 =	vld [tilespmem:$0x84E0]  }
0x65: {  	v60 =	vadd.s32 $0x8000, v47;
	v51 =	vand.u32 $0xFFFF0000, v49;
	[tilespmem:$0x88F0] =	vst v48;
	v61 =	vld [tilespmem:$0x8110]  }
0x66: {  	v62 =	vand.u32 $0xFFFF0000, v60;
	v63 =	vadd.s32 $0x8000, v50;
	[tilespmem:$0x8C80] =	vst v51;
	v34 =	vld [tilespmem:$0x8120]  }
0x67: {  	[tilespmem:$0x8CC0] =	vst v62;
	v35 =	vand.u32 $0xFFFF0000, v63;
	v37 =	vld [tilespmem:$0x8130]  }
0x68: {  	v52 =	vadd.s32 $0x8000, v39;
	v45 =	vld [tilespmem:$0x8160];
	v58 =	vand.u32 $0xFFFF0000, v57;
	[tilespmem:$0x8CD0] =	vst v35  }
0x69: {  	v48 =	vld [tilespmem:$0x8170];
	v54 =	vand.u32 $0xFFFF0000, v52;
	[tilespmem:$0x8880] =	vst v58;
	v57 =	vadd.s32 $0x8000, v44  }
0x6a: {  	v51 =	vld [tilespmem:$0x8500];
	[tilespmem:$0x8C90] =	vst v54;
	v59 =	vand.u32 $0xFFFF0000, v57;
	v41 =	vadd.s32 $0x8000, v26  }
0x6b: {  	v35 =	vld [tilespmem:$0x8550];
	[tilespmem:$0x8CB0] =	vst v59;
	v36 =	vadd.s32 $0x8000, v53;
	v42 =	vand.u32 $0xFFFF0000, v41  }
0x6c: {  	v26 =	vld [tilespmem:$0x84A0];
	v44 =	vadd.s32 $0x8000, v61;
	v38 =	vand.u32 $0xFFFF0000, v36;
	[tilespmem:$0x88D0] =	vst v42  }
0x6d: {  	v58 =	vld [tilespmem:$0x8100];
	v47 =	vadd.s32 $0x8000, v34;
	v46 =	vand.u32 $0xFFFF0000, v44;
	[tilespmem:$0x8CE0] =	vst v38  }
0x6e: {  	v62 =	vld [tilespmem:$0x8540];
	v50 =	vadd.s32 $0x8000, v37;
	v49 =	vand.u32 $0xFFFF0000, v47;
	[tilespmem:$0x8910] =	vst v46  }
0x6f: {  	v59 =	vld [tilespmem:$0x8530];
	v61 =	vadd.s32 $0x8000, v48;
	v52 =	vand.u32 $0xFFFF0000, v50;
	[tilespmem:$0x8920] =	vst v49  }
0x70: {  	v34 =	vadd.s32 $0x8000, v51;
	v63 =	vand.u32 $0xFFFF0000, v61;
	v42 =	vld [tilespmem:$0x8150];
	[tilespmem:$0x8930] =	vst v52  }
0x71: {  	v36 =	vand.u32 $0xFFFF0000, v34;
	v48 =	vadd.s32 $0x8000, v35;
	[tilespmem:$0x8970] =	vst v63;
	v55 =	vadd.s32 $0x8000, v26;
	v26 =	vld [tilespmem:$0x84F0]  }
0x72: {  	v41 =	vadd.s32 $0x8000, v58;
	[tilespmem:$0x8D00] =	vst v36;
	v46 =	vld [tilespmem:$0x8190];
	v50 =	vand.u32 $0xFFFF0000, v48  }
0x73: {  	v58 =	vadd.s32 $0x8000, v45;
	v49 =	vld [tilespmem:$0x81A0];
	v43 =	vand.u32 $0xFFFF0000, v41;
	[tilespmem:$0x8D50] =	vst v50  }
0x74: {  	v45 =	vadd.s32 $0x8000, v62;
	v63 =	vld [tilespmem:$0x81F0];
	v60 =	vand.u32 $0xFFFF0000, v58;
	[tilespmem:$0x8900] =	vst v43  }
0x75: {  	v47 =	vand.u32 $0xFFFF0000, v45;
	[tilespmem:$0x8960] =	vst v60;
	v43 =	vld [tilespmem:$0x8180]  }
0x76: {  	[tilespmem:$0x8D40] =	vst v47;
	v56 =	vand.u32 $0xFFFF0000, v55;
	v55 =	vadd.s32 $0x8000, v42;
	v39 =	vadd.s32 $0x8000, v26;
	v26 =	vld [tilespmem:$0x8140]  }
0x77: {  	[tilespmem:$0x8CA0] =	vst v56;
	v56 =	vld [tilespmem:$0x8520];
	v42 =	vadd.s32 $0x8000, v59;
	v57 =	vand.u32 $0xFFFF0000, v55  }
0x78: {  	v60 =	vld [tilespmem:$0x81E0];
	v59 =	vadd.s32 $0x8000, v46;
	v44 =	vand.u32 $0xFFFF0000, v42;
	[tilespmem:$0x8950] =	vst v57  }
0x79: {  	v47 =	vld [tilespmem:$0x85C0];
	v62 =	vadd.s32 $0x8000, v49;
	v61 =	vand.u32 $0xFFFF0000, v59;
	[tilespmem:$0x8D30] =	vst v44  }
0x7a: {  	v34 =	vand.u32 $0xFFFF0000, v62;
	v57 =	vld [tilespmem:$0x81D0];
	[tilespmem:$0x8990] =	vst v61  }
0x7b: {  	v46 =	vadd.s32 $0x8000, v63;
	[tilespmem:$0x89A0] =	vst v34;
	v40 =	vand.u32 $0xFFFF0000, v39;
	v53 =	vadd.s32 $0x8000, v26;
	v26 =	vld [tilespmem:$0x8510]  }
0x7c: {  	v48 =	vand.u32 $0xFFFF0000, v46;
	[tilespmem:$0x8CF0] =	vst v40;
	v39 =	vadd.s32 $0x8000, v56;
	v40 =	vld [tilespmem:$0x8570]  }
0x7d: {  	v44 =	vld [tilespmem:$0x85B0];
	[tilespmem:$0x89F0] =	vst v48;
	v56 =	vadd.s32 $0x8000, v43;
	v41 =	vand.u32 $0xFFFF0000, v39  }
0x7e: {  	v61 =	vld [tilespmem:$0x8210];
	v43 =	vadd.s32 $0x8000, v60;
	v58 =	vand.u32 $0xFFFF0000, v56;
	[tilespmem:$0x8D20] =	vst v41  }
0x7f: {  	v45 =	vand.u32 $0xFFFF0000, v43;
	[tilespmem:$0x8980] =	vst v58;
	v41 =	vld [tilespmem:$0x85A0]  }
0x80: {  	v60 =	vadd.s32 $0x8000, v47;
	[tilespmem:$0x89E0] =	vst v45;
	v54 =	vand.u32 $0xFFFF0000, v53;
	v37 =	vadd.s32 $0x8000, v26;
	v26 =	vld [tilespmem:$0x8560]  }
0x81: {  	v62 =	vand.u32 $0xFFFF0000, v60;
	[tilespmem:$0x8940] =	vst v54;
	v53 =	vadd.s32 $0x8000, v40;
	v54 =	vld [tilespmem:$0x81C0]  }
0x82: {  	v58 =	vld [tilespmem:$0x8200];
	[tilespmem:$0x8DC0] =	vst v62;
	v40 =	vadd.s32 $0x8000, v57;
	v55 =	vand.u32 $0xFFFF0000, v53  }
0x83: {  	v45 =	vld [tilespmem:$0x8260];
	v57 =	vadd.s32 $0x8000, v44;
	v42 =	vand.u32 $0xFFFF0000, v40;
	[tilespmem:$0x8D70] =	vst v55  }
0x84: {  	v62 =	vld [tilespmem:$0x8640];
	v44 =	vadd.s32 $0x8000, v61;
	v59 =	vand.u32 $0xFFFF0000, v57;
	[tilespmem:$0x89D0] =	vst v42  }
0x85: {  	v46 =	vand.u32 $0xFFFF0000, v44;
	[tilespmem:$0x8DB0] =	vst v59;
	v51 =	vadd.s32 $0x8000, v26;
	v26 =	vld [tilespmem:$0x81B0]  }
0x86: {  	v55 =	vld [tilespmem:$0x85F0];
	[tilespmem:$0x8A10] =	vst v46;
	v38 =	vand.u32 $0xFFFF0000, v37;
	v37 =	vadd.s32 $0x8000, v54  }
0x87: {  	v59 =	vld [tilespmem:$0x8630];
	[tilespmem:$0x8D10] =	vst v38;
	v54 =	vadd.s32 $0x8000, v41;
	v39 =	vand.u32 $0xFFFF0000, v37  }
0x88: {  	v38 =	vld [tilespmem:$0x8590];
	v41 =	vadd.s32 $0x8000, v58;
	v56 =	vand.u32 $0xFFFF0000, v54;
	[tilespmem:$0x89C0] =	vst v39  }
0x89: {  	v42 =	vld [tilespmem:$0x8250];
	v58 =	vadd.s32 $0x8000, v45;
	v43 =	vand.u32 $0xFFFF0000, v41;
	[tilespmem:$0x8DA0] =	vst v56  }
0x8a: {  	v45 =	vadd.s32 $0x8000, v62;
	v60 =	vand.u32 $0xFFFF0000, v58;
	[tilespmem:$0x8A00] =	vst v43;
	v35 =	vadd.s32 $0x8000, v26;
	v26 =	vld [tilespmem:$0x8580]  }
0x8b: {  	v9 =	vadd.f32 v11, v9;
	v5 =	vand.u32 $0xFFFF0000, v45;
	[tilespmem:$0x8A60] =	vst v60  }
0x8c: {  	v46 =	vmul.f32 v25, v25;
	v56 =	vld [tilespmem:$0x8620];
	v43 =	vadd.s32 $0x8000, v59;
	[tilespmem:$0x8E40] =	vst v5;
	v52 =	vand.u32 $0xFFFF0000, v51  }
0x8d: {  	v58 =	vmul.f32 v16, v16;
	v1 =	vand.u32 $0xFFFF0000, v43;
	[tilespmem:$0x8D60] =	vst v52;
	v51 =	vadd.s32 $0x8000, v38;
	v52 =	vld [tilespmem:$0x85E0]  }
0x8e: {  	v39 =	vld [tilespmem:$0x8240];
	[tilespmem:$0x8E30] =	vst v1;
	v1 =	vadd.f32 v46, v9;
	v38 =	vadd.s32 $0x8000, v55;
	v53 =	vand.u32 $0xFFFF0000, v51  }
0x8f: {  	v55 =	vadd.s32 $0x8000, v42;
	v40 =	vand.u32 $0xFFFF0000, v38;
	[tilespmem:$0x8D90] =	vst v53;
	v49 =	vadd.s32 $0x8000, v26;
	v26 =	vld [tilespmem:$0x85D0]  }
0x90: {  	v57 =	vand.u32 $0xFFFF0000, v55;
	v38 =	vld [tilespmem:$0x8660];
	[tilespmem:$0x8DF0] =	vst v40  }
0x91: {  	v1 =	vadd.f32 v58, v1;
	v53 =	vld [tilespmem:$0x8610];
	[tilespmem:$0x8A50] =	vst v57;
	v36 =	vand.u32 $0xFFFF0000, v35  }
0x92: {  	v40 =	vadd.s32 $0x8000, v56;
	[tilespmem:$0x89B0] =	vst v36;
	v35 =	vadd.s32 $0x8000, v52;
	v36 =	vld [tilespmem:$0x8230]  }
0x93: {  	v19 =	vmul.f32 v19, v19;
	v42 =	vand.u32 $0xFFFF0000, v40;
	[tilespmem:$0x1FF90] =	vst v1;
	v37 =	vand.u32 $0xFFFF0000, v35;
	v35 =	vld [tilespmem:$0x8650]  }
0x94: {  	v14 =	vmul.f32 v14, v14;
	[tilespmem:$0x8E20] =	vst v42;
	v52 =	vadd.s32 $0x8000, v39;
	v63 =	vadd.s32 $0x8000, v26;
	v26 =	vld [tilespmem:$0x8220]  }
0x95: {  	v12 =	vmul.f32 v12, v12;
	v10 =	vadd.f32 v19, v10;
	v54 =	vand.u32 $0xFFFF0000, v52;
	[tilespmem:$0x8DE0] =	vst v37  }
0x96: {  	v13 =	vadd.f32 v14, v13;
	v41 =	vld [tilespmem:$0x8670];
	[tilespmem:$0x8A40] =	vst v54;
	v37 =	vadd.s32 $0x8000, v53;
	v50 =	vand.u32 $0xFFFF0000, v49  }
0x97: {  	v8 =	vadd.f32 v12, v8;
	v39 =	vand.u32 $0xFFFF0000, v37;
	[tilespmem:$0x8D80] =	vst v50;
	v49 =	vadd.s32 $0x8000, v36;
	v50 =	vld [tilespmem:$0x8600]  }
0x98: {  	v44 =	vmul.f32 v7, v7;
	v3 =	vadd.s32 $0x8000, v38;
	[tilespmem:$0x8E10] =	vst v39;
	v51 =	vand.u32 $0xFFFF0000, v49  }
0x99: {  	v2 =	vadd.s32 $0x8000, v35;
	v49 =	vand.u32 $0xFFFF0000, v3;
	[tilespmem:$0x8A30] =	vst v51;
	v47 =	vadd.s32 $0x8000, v26;
	v26 =	vld [tilespmem:$0x8270]  }
0x9a: {  	v0 =	vadd.f32 v44, v6;
	v59 =	vmul.f32 v17, v17;
	v2 =	vand.u32 $0xFFFF0000, v2;
	[tilespmem:$0x8E60] =	vst v49  }
0x9b: {  	[tilespmem:$0x8E50] =	vst v2;
	v34 =	vand.u32 $0xFFFF0000, v63;
	v48 =	vand.u32 $0xFFFF0000, v47;
	v47 =	vmul.f32 v24, v24  }
0x9c: {  	v57 =	vmul.f32 v20, v20;
	[tilespmem:$0x8DD0] =	vst v34;
	v34 =	vadd.s32 $0x8000, v50;
	v50 =	vadd.s32 $0x8000, v41  }
0x9d: {  	v36 =	vand.u32 $0xFFFF0000, v34;
	[tilespmem:$0x8A20] =	vst v48;
	v48 =	vmul.f32 v23, v23;
	v53 =	vadd.f32 v47, v10  }
0x9e: {  	v51 =	vmul.f32 v22, v22;
	v52 =	vand.u32 $0xFFFF0000, v50;
	[tilespmem:$0x8E00] =	vst v36;
	v61 =	vadd.s32 $0x8000, v26  }
0x9f: {  	[tilespmem:$0x8E70] =	vst v52;
	v54 =	vadd.f32 v48, v13;
	v3 =	vadd.f32 v57, v53;
	v63 =	vand.u32 $0xFFFF0000, v61  }
0xa0: {  	v60 =	vmul.f32 v18, v18;
	v55 =	vmul.f32 v21, v21;
	v56 =	vadd.f32 v51, v8;
	[tilespmem:$0x8A70] =	vst v63  }
0xa1: {  	s19 =	simm.s32 $0x0;
	v62 =	vadd.f32 v59, v54;
	[tilespmem:$0x1FF70] =	vst v3  }
0xa2: {  	v0 =	vadd.f32 v55, v0;
	v61 =	vmul.f32 v15, v15;
	v63 =	vadd.f32 v60, v56;
	[tilespmem:s19], [sflag:$0x1] =	stream.linear.gather [hbm4b:s5+s19], $0x4000, $0x38;
	[tilespmem:$0x9300] =	vst v63  }
0xa3: {  	[tilespmem:$0x1FF80] =	vst v62  }
0xa4: {  	v0 =	vadd.f32 v61, v0;
	[tilespmem:$0x1FFA0] =	vst v63  }
0xa5: {  	[tilespmem:s13], [sflag:$0x2] =	stream.linear.gather [hbm4b:s6+s19], $0x4000, $0x38;
	[tilespmem:$0x9300] =	vst v63  }
0xa6: {  	s20 =	simm.s32 $0x0;
	[tilespmem:$0x1FFB0] =	vst v0  }
.LBB2_4:
0xa7: {  	v0 =	vadd.s32 s19, v27  }
0xa8: {  	v1 =	vshll.u32 v0, $0x3  }
0xa9: {  	v0 =	vand.u32 $0x7F, v0;
	v1 =	vand.u32 $0x400, v1  }
0xaa: {  	v0 =	vor.u32 v0, v1  }
0xab: {  	v1 =	vor.u32 $0x80, v0  }
0xac: {  	_ =	swait.ge [sflag:s14], $0x4000;
	v2 =	vor.u32 $0x100, v0  }
0xad: {  	s21 =	simm.s32 $0x3;
	[sflag:s14] =	ssyncset.done $0x0;
	v3 =	vor.u32 $0x180, v0  }
0xae: {  	v5 =	vadd.s32 s21, v27;
	[sflag:s14] =	ssyncadd.s32 $0xFFFFC000;
	v4 =	vor.u32 v28, v0  }
0xaf: {  	v8 =	vshll.u32 v5, $0x3;
	v7 =	vor.u32 v30, v0;
	v6 =	vld.idx.msk [tilespmem:v0+s15+$0x0], $0xffff  }
0xb0: {  	v5 =	vand.u32 $0x7F, v5;
	v8 =	vand.u32 $0x400, v8;
	v9 =	vor.u32 v32, v0;
	v1 =	vld.idx.msk [tilespmem:v1+s15+$0x0], $0xffff  }
0xb1: {  	s30 =	simm.s32 $0x2;
	v10 =	vor.u32 v33, v0;
	v5 =	vor.u32 v5, v8;
	v2 =	vld.idx.msk [tilespmem:v2+s15+$0x0], $0xffff  }
0xb2: {  	v8 =	vadd.s32 s30, v27;
	v11 =	vor.u32 v28, v5;
	v3 =	vld.idx.msk [tilespmem:v3+s15+$0x0], $0xffff  }
0xb3: {  	v12 =	vshll.u32 v8, $0x3;
	v13 =	vor.u32 v30, v5;
	v4 =	vld.idx.msk [tilespmem:v4+s4+$0x0], $0xffff  }
0xb4: {  	v8 =	vand.u32 $0x7F, v8;
	v14 =	vor.u32 v32, v5;
	v12 =	vand.u32 $0x400, v12;
	v7 =	vld.idx.msk [tilespmem:v7+s4+$0x0], $0xffff  }
0xb5: {  	v15 =	vor.u32 v33, v5;
	v8 =	vor.u32 v8, v12;
	v9 =	vld.idx.msk [tilespmem:v9+s4+$0x0], $0xffff  }
0xb6: {  	s31 =	simm.s32 $0x1;
	v16 =	vor.u32 v28, v8;
	v10 =	vld.idx.msk [tilespmem:v10+s4+$0x0], $0xffff  }
0xb7: {  	v12 =	vadd.s32 s31, v27;
	v18 =	vor.u32 v30, v8;
	v11 =	vld.idx.msk [tilespmem:v11+s4+$0x0], $0xffff  }
0xb8: {  	v17 =	vshll.u32 v12, $0x3;
	v0 =	vor.u32 $0x200, v0;
	v13 =	vld.idx.msk [tilespmem:v13+s4+$0x0], $0xffff  }
0xb9: {  	v12 =	vand.u32 $0x7F, v12;
	v17 =	vand.u32 $0x400, v17;
	v14 =	vld.idx.msk [tilespmem:v14+s4+$0x0], $0xffff  }
0xba: {  	v34 =	vimm.f32 $0.0e+00;
	v19 =	vor.u32 v32, v8;
	v12 =	vor.u32 v12, v17;
	v15 =	vld.idx.msk [tilespmem:v15+s4+$0x0], $0xffff  }
0xbb: {  	v21 =	vor.u32 $0x100, v5;
	v20 =	vor.u32 v33, v8;
	v24 =	vor.u32 $0x200, v12;
	v16 =	vld.idx.msk [tilespmem:v16+s4+$0x0], $0xffff  }
0xbc: {  	v22 =	vor.u32 $0x180, v5;
	v25 =	vor.u32 $0x200, v5;
	v46 =	vor.u32 $0x80, v8;
	v18 =	vld.idx.msk [tilespmem:v18+s4+$0x0], $0xffff;
	[tilespmem:$0x1FF20] =	vst v24  }
0xbd: {  	v58 =	vor.u32 $0x100, v8;
	v50 =	vor.u32 $0x180, v8;
	v23 =	vor.u32 v28, v12;
	v0 =	vld.idx.msk [tilespmem:v0+s15+$0x0], $0xffff  }
0xbe: {  	v51 =	vor.u32 $0x200, v8;
	v31 =	vor.u32 v30, v12;
	v4 =	vadd.s32 $0x8000, v4  }
0xbf: {  	v17 =	vor.u32 $0x80, v5;
	v57 =	vor.u32 v32, v12;
	v19 =	vld.idx.msk [tilespmem:v19+s4+$0x0], $0xffff;
	v4 =	vand.u32 $0xFFFF0000, v4  }
0xc0: {  	v29 =	vor.u32 $0x80, v12;
	v49 =	vor.u32 $0x100, v12;
	v20 =	vld.idx.msk [tilespmem:v20+s4+$0x0], $0xffff;
	v63 =	vmul.f32 v4, v6  }
0xc1: {  	v59 =	vor.u32 v33, v12;
	v44 =	vld.idx.msk [tilespmem:v5+s15+$0x0], $0xffff;
	v28 =	vmul.f32 v4, v1;
	v27 =	vmul.f32 v4, v2  }
0xc2: {  	v7 =	vadd.s32 $0x8000, v7;
	v23 =	vld.idx.msk [tilespmem:v23+s4+$0x0], $0xffff;
	v26 =	vmul.f32 v4, v3;
	v4 =	vmul.f32 v4, v0  }
0xc3: {  	v48 =	vor.u32 $0x180, v12;
	v9 =	vadd.s32 $0x8000, v9;
	v5 =	vand.u32 $0xFFFF0000, v7;
	v31 =	vld.idx.msk [tilespmem:v31+s4+$0x0], $0xffff  }
0xc4: {  	v10 =	vadd.s32 $0x8000, v10;
	v7 =	vadd.s32 $0x8000, v19;
	v19 =	vld.idx.msk [tilespmem:v57+s4+$0x0], $0xffff;
	[tilespmem:$0x1FF50] =	vst v4;
	v4 =	vmul.f32 v5, v6  }
0xc5: {  	v11 =	vadd.s32 $0x8000, v11;
	v37 =	vmul.f32 v5, v2;
	v56 =	vmul.f32 v5, v3  }
0xc6: {  	v13 =	vadd.s32 $0x8000, v13;
	[tilespmem:$0x1FF60] =	vst v4;
	v4 =	vmul.f32 v5, v1;
	v5 =	vmul.f32 v5, v0  }
0xc7: {  	v14 =	vadd.s32 $0x8000, v14;
	v15 =	vadd.s32 $0x8000, v15;
	v10 =	vand.u32 $0xFFFF0000, v10;
	v43 =	vld.idx.msk [tilespmem:v59+s4+$0x0], $0xffff  }
0xc8: {  	v42 =	vmul.f32 v10, v6;
	v41 =	vmul.f32 v10, v1;
	v17 =	vld.idx.msk [tilespmem:v17+s15+$0x0], $0xffff;
	[tilespmem:$0x1FEF0] =	vst v5;
	v5 =	vand.u32 $0xFFFF0000, v9  }
0xc9: {  	v52 =	vmul.f32 v10, v2;
	v40 =	vadd.s32 $0x8000, v18;
	v18 =	vmul.f32 v5, v6  }
0xca: {  	v35 =	vmul.f32 v10, v3;
	v16 =	vadd.s32 $0x8000, v16;
	v26 =	vadd.f32 v26, v34  }
0xcb: {  	v38 =	vmul.f32 v10, v0;
	v10 =	vand.u32 $0xFFFF0000, v14;
	v21 =	vld.idx.msk [tilespmem:v21+s15+$0x0], $0xffff;
	[tilespmem:$0x1FF00] =	vst v18;
	v18 =	vmul.f32 v5, v1  }
0xcc: {  	v20 =	vadd.s32 $0x8000, v20;
	v62 =	vand.u32 $0xFFFF0000, v7;
	v7 =	vmul.f32 v10, v44  }
0xcd: {  	v9 =	vadd.s32 $0x8000, v23;
	v23 =	vadd.s32 $0x8000, v31;
	v53 =	vmul.f32 v5, v2;
	[tilespmem:$0x1FF10] =	vst v18  }
0xce: {  	v31 =	vand.u32 $0xFFFF0000, v15;
	v55 =	vmul.f32 v5, v3;
	v39 =	vmul.f32 v5, v0;
	v18 =	vld.idx.msk [tilespmem:v22+s15+$0x0], $0xffff  }
0xcf: {  	v0 =	vand.u32 $0xFFFF0000, v11;
	v2 =	vand.u32 $0xFFFF0000, v13;
	v61 =	vmul.f32 v31, v44;
	v22 =	vld.idx.msk [tilespmem:v25+s15+$0x0], $0xffff  }
0xd0: {  	v19 =	vadd.s32 $0x8000, v19;
	v11 =	vmul.f32 v0, v44;
	v30 =	vmul.f32 v2, v44;
	v45 =	vld.idx.msk [tilespmem:v8+s15+$0x0], $0xffff  }
0xd1: {  	v9 =	vand.u32 $0xFFFF0000, v9;
	v44 =	vmul.f32 v31, v17;
	v25 =	vmul.f32 v0, v17;
	v54 =	vld.idx.msk [tilespmem:v12+s15+$0x0], $0xffff  }
0xd2: {  	v3 =	vadd.s32 $0x8000, v43;
	v13 =	vmul.f32 v0, v21;
	v47 =	vld.idx.msk [tilespmem:v46+s15+$0x0], $0xffff;
	v1 =	vmul.f32 v2, v21  }
0xd3: {  	v12 =	vand.u32 $0xFFFF0000, v16;
	v46 =	vld.idx.msk [tilespmem:v29+s15+$0x0], $0xffff;
	v8 =	vmul.f32 v10, v17;
	v57 =	vmul.f32 v10, v21  }
0xd4: {  	v16 =	vand.u32 $0xFFFF0000, v40;
	v49 =	vld.idx.msk [tilespmem:v49+s15+$0x0], $0xffff;
	v40 =	vmul.f32 v31, v21;
	v36 =	vmul.f32 v0, v18  }
0xd5: {  	v43 =	vand.u32 $0xFFFF0000, v20;
	v48 =	vld.idx.msk [tilespmem:v48+s15+$0x0], $0xffff;
	v24 =	vmul.f32 v0, v22;
	v0 =	vmul.f32 v2, v17  }
0xd6: {  	v20 =	vadd.f32 v28, v34;
	v58 =	vld.idx.msk [tilespmem:v58+s15+$0x0], $0xffff;
	v5 =	vmul.f32 v2, v18;
	v6 =	vmul.f32 v2, v22  }
0xd7: {  	v50 =	vld.idx.msk [tilespmem:v50+s15+$0x0], $0xffff;
	v59 =	vmul.f32 v10, v18;
	v60 =	vmul.f32 v10, v22;
	v10 =	vand.u32 $0xFFFF0000, v19  }
0xd8: {  	v51 =	vld.idx.msk [tilespmem:v51+s15+$0x0], $0xffff;
	v15 =	vmul.f32 v9, v54;
	v17 =	vmul.f32 v9, v46;
	v19 =	vadd.f32 v63, v34  }
0xd9: {  	v2 =	vand.u32 $0xFFFF0000, v23;
	v21 =	vmul.f32 v9, v49;
	v23 =	vadd.f32 v27, v34  }
0xda: {  	v15 =	vadd.f32 v15, v19;
	v19 =	vmul.f32 v9, v48;
	v17 =	vadd.f32 v17, v20  }
0xdb: {  	v27 =	vld [tilespmem:$0x1FF20];
	v20 =	vmul.f32 v12, v47;
	v21 =	vadd.f32 v21, v23;
	v23 =	vmul.f32 v12, v58  }
0xdc: {  	v14 =	vmul.f32 v12, v45;
	v19 =	vadd.f32 v19, v26;
	v26 =	vmul.f32 v12, v50  }
0xdd: {  	v17 =	vadd.f32 v20, v17;
	v20 =	vmul.f32 v12, v51;
	v12 =	vadd.f32 v23, v21;
	_ =	sdelay $0x1  }
0xde: {  	v32 =	vadd.f32 v13, v12;
	v13 =	vld [tilespmem:$0x1FF50]  }
0xdf: {  	v14 =	vadd.f32 v14, v15;
	_ =	sdelay $0x1  }
0xe0: {  	v33 =	vimm.f32 $0.0e+00;
	v11 =	vadd.f32 v11, v14  }
0xe1: {  	v34 =	vimm.f32 $0.0e+00;
	v21 =	vmul.f32 v16, v45;
	v12 =	vimm.f32 $0.0e+00;
	v63 =	vld.idx.msk [tilespmem:v27+s15+$0x0], $0xffff  }
0xe2: {  	v23 =	vmul.f32 v2, v46;
	[tilespmem:$0x1FF30] =	vst v11;
	v11 =	vadd.f32 v25, v17;
	v17 =	vadd.f32 v13, v12;
	v13 =	vld [tilespmem:$0x1FF60]  }
0xe3: {  	v15 =	vimm.f32 $0.0e+00;
	v19 =	vadd.f32 v26, v19;
	v4 =	vadd.f32 v4, v12  }
0xe4: {  	v26 =	vmul.f32 v2, v49;
	v14 =	vimm.f32 $0.0e+00;
	v25 =	vadd.f32 v37, v12  }
0xe5: {  	v27 =	vadd.f32 v36, v19;
	v36 =	vmul.f32 v2, v48;
	v4 =	vadd.f32 v23, v4  }
0xe6: {  	v23 =	vadd.f32 v26, v25;
	v25 =	vmul.f32 v16, v58;
	v9 =	vmul.f32 v9, v63  }
0xe7: {  	[tilespmem:$0x1FF40] =	vst v11;
	v11 =	vmul.f32 v2, v54;
	v26 =	vimm.f32 $0.0e+00;
	v19 =	vadd.f32 v13, v12  }
0xe8: {  	v37 =	vadd.f32 v25, v23;
	v23 =	vimm.f32 $0.0e+00;
	v17 =	vadd.f32 v9, v17  }
0xe9: {  	v9 =	vand.u32 $0xFFFF0000, v3;
	v11 =	vadd.f32 v11, v19;
	v19 =	vmul.f32 v16, v47  }
0xea: {  	v3 =	vmul.f32 v16, v50;
	v13 =	vimm.f32 $0.0e+00;
	v17 =	vadd.f32 v20, v17  }
0xeb: {  	v20 =	vadd.f32 v21, v11;
	v11 =	vadd.f32 v19, v4;
	v4 =	vmul.f32 v16, v51  }
0xec: {  	v21 =	vadd.f32 v24, v17;
	v24 =	vimm.f32 $0.0e+00;
	v17 =	vimm.f32 $0.0e+00  }
0xed: {  	s21 =	simm.s32 $0x4;
	v19 =	vimm.f32 $0.0e+00;
	v25 =	vadd.f32 v30, v20;
	v20 =	vimm.f32 $0.0e+00  }
.LBB2_5:
0xee: {  	v0 =	vadd.f32 v0, v11;
	_ =	sdelay $0x1  }
0xef: {  	[tilespmem:$0x1FE50] =	vst v0;
	v0 =	vadd.f32 v1, v37;
	_ =	sdelay $0x1  }
0xf0: {  	[tilespmem:$0x1FE70] =	vst v0;
	v0 =	vadd.f32 v56, v12;
	v12 =	vld [tilespmem:$0x1FF00];
	_ =	sdelay $0x1  }
0xf1: {  	v1 =	vld [tilespmem:$0x1FEF0];
	_ =	sdelay $0x2  }
0xf2: {  	v28 =	vadd.f32 v12, v14;
	v12 =	vld [tilespmem:$0x1FF10];
	_ =	sdelay $0x1  }
0xf3: {  	v2 =	vmul.f32 v2, v63;
	v0 =	vadd.f32 v36, v0;
	v1 =	vadd.f32 v1, v13  }
0xf4: {  	v11 =	vmul.f32 v10, v54  }
0xf5: {  	v30 =	vmul.f32 v10, v46;
	v0 =	vadd.f32 v3, v0;
	v1 =	vadd.f32 v2, v1  }
0xf6: {  	v2 =	vmul.f32 v62, v45;
	v11 =	vadd.f32 v11, v28;
	v29 =	vadd.f32 v12, v15  }
0xf7: {  	v0 =	vadd.f32 v5, v0;
	v1 =	vadd.f32 v4, v1  }
0xf8: {  	v2 =	vadd.f32 v2, v11;
	v28 =	vadd.f32 v30, v29;
	v29 =	vmul.f32 v62, v47  }
0xf9: {  	[tilespmem:$0x1FEA0] =	vst v0;
	v0 =	vadd.f32 v6, v1  }
0xfa: {  	v1 =	vadd.f32 v7, v2;
	v4 =	vadd.f32 v29, v28;
	_ =	sdelay $0x1  }
0xfb: {  	[tilespmem:$0x1FEC0] =	vst v1;
	v1 =	vadd.f32 v8, v4;
	_ =	sdelay $0x1  }
0xfc: {  	v56 =	vmul.f32 v10, v49;
	[tilespmem:$0x1FEE0] =	vst v1;
	v1 =	vadd.f32 v53, v33  }
0xfd: {  	v3 =	vmul.f32 v62, v58;
	[tilespmem:$0x1FEB0] =	vst v0;
	v0 =	vmul.f32 v10, v48;
	v2 =	vadd.f32 v55, v34  }
0xfe: {  	v5 =	vadd.f32 v39, v24;
	v4 =	vmul.f32 v10, v63;
	v1 =	vadd.f32 v56, v1  }
0xff: {  	v6 =	vadd.f32 v42, v26;
	v7 =	vmul.f32 v9, v54;
	v0 =	vadd.f32 v0, v2  }
0x100: {  	v2 =	vmul.f32 v62, v51;
	v4 =	vadd.f32 v4, v5;
	v1 =	vadd.f32 v3, v1  }
0x101: {  	v5 =	vadd.f32 v7, v6  }
0x102: {  	v6 =	vmul.f32 v43, v45;
	v2 =	vadd.f32 v2, v4;
	v1 =	vadd.f32 v57, v1  }
0x103: {  	v11 =	vmul.f32 v62, v50  }
0x104: {  	v4 =	vadd.f32 v6, v5;
	[tilespmem:$0x1FED0] =	vst v1;
	v1 =	vadd.f32 v60, v2  }
0x105: {  	v0 =	vadd.f32 v11, v0  }
0x106: {  	[tilespmem:$0x1FE10] =	vst v1;
	v1 =	vadd.f32 v61, v4  }
0x107: {  	v0 =	vadd.f32 v59, v0  }
0x108: {  	v14 =	vlaneseq.u32;
	v6 =	vmul.f32 v9, v46;
	[tilespmem:$0x1FE00] =	vst v1;
	v1 =	vadd.f32 v41, v17  }
0x109: {  	v7 =	vadd.f32 v35, v19;
	[tilespmem:$0x1FE20] =	vst v0;
	v0 =	vmul.f32 v9, v49;
	v2 =	vadd.f32 v52, v23  }
0x10a: {  	v3 =	vmul.f32 v43, v47;
	v4 =	vmul.f32 v9, v48;
	v1 =	vadd.f32 v6, v1  }
0x10b: {  	v8 =	vadd.f32 v38, v20;
	v9 =	vmul.f32 v9, v63;
	v0 =	vadd.f32 v0, v2  }
0x10c: {  	v2 =	vmul.f32 v43, v50;
	v4 =	vadd.f32 v4, v7;
	v1 =	vadd.f32 v3, v1  }
0x10d: {  	v5 =	vmul.f32 v43, v58;
	v7 =	vmul.f32 v43, v51;
	v6 =	vadd.f32 v9, v8  }
0x10e: {  	s31 =	sadd.s32 $0x1, s21;
	v2 =	vadd.f32 v2, v4;
	v3 =	vmul.f32 v31, v18;
	v1 =	vadd.f32 v44, v1  }
0x10f: {  	v13 =	vld [tilespmem:$0x1FFD0];
	v59 =	vadd.s32 s31, v14;
	v0 =	vadd.f32 v5, v0  }
0x110: {  	v5 =	vmul.f32 v31, v22;
	v4 =	vadd.f32 v7, v6;
	[tilespmem:$0x1FE40] =	vst v1;
	v1 =	vadd.f32 v3, v2  }
0x111: {  	[tilespmem:$0x1FDF0] =	vst v32;
	v32 =	vand.u32 $0x7F, v59;
	v61 =	vshll.u32 v59, $0x3;
	v0 =	vadd.f32 v40, v0  }
0x112: {  	v34 =	vand.u32 $0x400, v61;
	v6 =	vadd.s32 s21, v14;
	[tilespmem:$0x1FE80] =	vst v1;
	v1 =	vadd.f32 v5, v4  }
0x113: {  	v40 =	vor.u32 v32, v34;
	[tilespmem:$0x1FE90] =	vst v0;
	v0 =	vshll.u32 v6, $0x3  }
0x114: {  	v55 =	vor.u32 v13, v40;
	v0 =	vand.u32 $0x400, v0;
	[tilespmem:$0x1FE60] =	vst v1;
	v1 =	vand.u32 $0x7F, v6  }
0x115: {  	v12 =	vld [tilespmem:$0x1FFC0];
	v2 =	vor.u32 v1, v0  }
0x116: {  	v15 =	vld [tilespmem:$0x1FFE0];
	v1 =	vor.u32 $0x80, v2  }
0x117: {  	v16 =	vld [tilespmem:$0x1FFF0];
	v3 =	vor.u32 $0x100, v2  }
0x118: {  	v4 =	vor.u32 $0x180, v2  }
0x119: {  	s22 =	sadd.s32 $0x3, s21;
	v41 =	vld.idx.msk [tilespmem:v55+s4+$0x0], $0xffff;
	v5 =	vor.u32 v13, v2  }
0x11a: {  	v6 =	vadd.s32 s22, v14;
	v7 =	vor.u32 v12, v2;
	v0 =	vld.idx.msk [tilespmem:v2+s15+$0x0], $0xffff  }
0x11b: {  	v8 =	vshll.u32 v6, $0x3;
	v9 =	vor.u32 v15, v2;
	v1 =	vld.idx.msk [tilespmem:v1+s15+$0x0], $0xffff  }
0x11c: {  	v6 =	vand.u32 $0x7F, v6;
	v8 =	vand.u32 $0x400, v8;
	v10 =	vor.u32 v16, v2;
	v3 =	vld.idx.msk [tilespmem:v3+s15+$0x0], $0xffff  }
0x11d: {  	v6 =	vor.u32 v6, v8;
	v4 =	vld.idx.msk [tilespmem:v4+s15+$0x0], $0xffff  }
0x11e: {  	s30 =	sadd.s32 $0x2, s21;
	v11 =	vor.u32 v13, v6;
	v5 =	vld.idx.msk [tilespmem:v5+s4+$0x0], $0xffff  }
0x11f: {  	v8 =	vadd.s32 s30, v14;
	v22 =	vor.u32 v12, v6;
	v7 =	vld.idx.msk [tilespmem:v7+s4+$0x0], $0xffff  }
0x120: {  	v18 =	vshll.u32 v8, $0x3;
	v31 =	vor.u32 v15, v6;
	v9 =	vld.idx.msk [tilespmem:v9+s4+$0x0], $0xffff  }
0x121: {  	v8 =	vand.u32 $0x7F, v8;
	v32 =	vor.u32 $0x80, v6;
	v18 =	vand.u32 $0x400, v18;
	v10 =	vld.idx.msk [tilespmem:v10+s4+$0x0], $0xffff  }
0x122: {  	v46 =	vor.u32 $0x80, v40;
	v8 =	vor.u32 v8, v18;
	v18 =	vor.u32 v16, v6;
	v61 =	vld.idx.msk [tilespmem:v6+s15+$0x0], $0xffff  }
0x123: {  	v48 =	vor.u32 $0x100, v40;
	v45 =	vor.u32 v12, v40;
	v2 =	vor.u32 $0x200, v2;
	v11 =	vld.idx.msk [tilespmem:v11+s4+$0x0], $0xffff  }
0x124: {  	v57 =	vor.u32 $0x180, v40;
	v47 =	vor.u32 v15, v40;
	v63 =	vor.u32 v15, v8;
	v22 =	vld.idx.msk [tilespmem:v22+s4+$0x0], $0xffff  }
0x125: {  	v49 =	vor.u32 v16, v40;
	v23 =	vadd.s32 $0x8000, v41;
	v60 =	vor.u32 v13, v8;
	v31 =	vld.idx.msk [tilespmem:v31+s4+$0x0], $0xffff  }
0x126: {  	v38 =	vor.u32 $0x100, v6;
	v39 =	vor.u32 $0x180, v6;
	v62 =	vor.u32 v12, v8;
	v24 =	vld.idx.msk [tilespmem:v32+s15+$0x0], $0xffff  }
0x127: {  	v42 =	vor.u32 $0x200, v6;
	v54 =	vor.u32 v16, v8;
	v43 =	vor.u32 $0x80, v8;
	v18 =	vld.idx.msk [tilespmem:v18+s4+$0x0], $0xffff  }
0x128: {  	v44 =	vor.u32 $0x100, v8;
	v50 =	vor.u32 $0x180, v8;
	v2 =	vld.idx.msk [tilespmem:v2+s15+$0x0], $0xffff;
	v5 =	vadd.s32 $0x8000, v5  }
0x129: {  	v51 =	vor.u32 $0x200, v8;
	v36 =	vld.idx.msk [tilespmem:v63+s4+$0x0], $0xffff;
	v63 =	vor.u32 $0x200, v40;
	v5 =	vand.u32 $0xFFFF0000, v5  }
0x12a: {  	v33 =	vld.idx.msk [tilespmem:v60+s4+$0x0], $0xffff;
	v7 =	vadd.s32 $0x8000, v7;
	v12 =	vmul.f32 v5, v0;
	v13 =	vmul.f32 v5, v1  }
0x12b: {  	v35 =	vld.idx.msk [tilespmem:v62+s4+$0x0], $0xffff;
	v6 =	vand.u32 $0xFFFF0000, v7;
	v14 =	vmul.f32 v5, v3;
	v15 =	vmul.f32 v5, v4  }
0x12c: {  	v34 =	vld.idx.msk [tilespmem:v54+s4+$0x0], $0xffff;
	v9 =	vadd.s32 $0x8000, v9;
	v17 =	vmul.f32 v6, v0;
	v20 =	vmul.f32 v6, v1  }
0x12d: {  	v10 =	vadd.s32 $0x8000, v10;
	v7 =	vld.idx.msk [tilespmem:v47+s4+$0x0], $0xffff;
	v37 =	vmul.f32 v6, v3;
	v5 =	vmul.f32 v5, v2  }
0x12e: {  	v16 =	vmul.f32 v6, v4;
	v58 =	vadd.s32 $0x8000, v18;
	v18 =	vld.idx.msk [tilespmem:v45+s4+$0x0], $0xffff;
	v6 =	vmul.f32 v6, v2  }
0x12f: {  	v10 =	vand.u32 $0xFFFF0000, v10;
	v11 =	vadd.s32 $0x8000, v11;
	v54 =	vadd.s32 $0x8000, v22;
	v45 =	vld.idx.msk [tilespmem:v8+s15+$0x0], $0xffff;
	[tilespmem:$0x1FE30] =	vst v5  }
0x130: {  	v31 =	vadd.s32 $0x8000, v31;
	v41 =	vmul.f32 v10, v1;
	v5 =	vld.idx.msk [tilespmem:v49+s4+$0x0], $0xffff;
	[tilespmem:$0x1FEF0] =	vst v6;
	v6 =	vand.u32 $0xFFFF0000, v9  }
0x131: {  	v52 =	vmul.f32 v10, v3;
	v59 =	vadd.s32 $0x8000, v33;
	v9 =	vld.idx.msk [tilespmem:v38+s15+$0x0], $0xffff;
	v22 =	vmul.f32 v6, v0  }
0x132: {  	v60 =	vadd.s32 $0x8000, v35;
	v36 =	vadd.s32 $0x8000, v36;
	v35 =	vmul.f32 v10, v4;
	v49 =	vld.idx.msk [tilespmem:v48+s15+$0x0], $0xffff  }
0x133: {  	v19 =	vadd.s32 $0x8000, v34;
	v38 =	vmul.f32 v10, v2;
	v48 =	vld.idx.msk [tilespmem:v57+s15+$0x0], $0xffff;
	[tilespmem:$0x1FF00] =	vst v22;
	v22 =	vmul.f32 v6, v1  }
0x134: {  	v56 =	vmovc v25;
	v62 =	vand.u32 $0xFFFF0000, v36;
	v53 =	vmul.f32 v6, v3;
	v25 =	vadd.s32 $0x8000, v18;
	v18 =	vld.idx.msk [tilespmem:v39+s15+$0x0], $0xffff  }
0x135: {  	v39 =	vmul.f32 v6, v2;
	v2 =	vand.u32 $0xFFFF0000, v54;
	[tilespmem:$0x1FF10] =	vst v22;
	v22 =	vld.idx.msk [tilespmem:v42+s15+$0x0], $0xffff;
	v42 =	vmul.f32 v10, v0  }
0x136: {  	v36 =	vld [tilespmem:$0x1FDF0];
	v3 =	vadd.s32 $0x8000, v5;
	v0 =	vand.u32 $0xFFFF0000, v11;
	v10 =	vand.u32 $0xFFFF0000, v31  }
0x137: {  	v54 =	vld.idx.msk [tilespmem:v40+s15+$0x0], $0xffff;
	v31 =	vand.u32 $0xFFFF0000, v58;
	v1 =	vmul.f32 v2, v9;
	v34 =	vmul.f32 v0, v9  }
0x138: {  	v57 =	vmul.f32 v10, v9;
	v40 =	vmul.f32 v31, v9;
	v9 =	vand.u32 $0xFFFF0000, v3;
	v3 =	vld [tilespmem:$0x1FF30]  }
0x139: {  	v47 =	vld.idx.msk [tilespmem:v43+s15+$0x0], $0xffff;
	v32 =	vand.u32 $0xFFFF0000, v59;
	v43 =	vand.u32 $0xFFFF0000, v19;
	v55 =	vmul.f32 v6, v4  }
0x13a: {  	v19 =	vand.u32 $0xFFFF0000, v23;
	v23 =	vmul.f32 v32, v45;
	v30 =	vmul.f32 v2, v61  }
0x13b: {  	v14 =	vadd.f32 v14, v36;
	v36 =	vmul.f32 v19, v48;
	v4 =	vmul.f32 v0, v61  }
0x13c: {  	v26 =	vadd.s32 $0x8000, v7;
	v58 =	vld.idx.msk [tilespmem:v44+s15+$0x0], $0xffff;
	v11 =	vmul.f32 v0, v24;
	v7 =	vmul.f32 v10, v61  }
0x13d: {  	v8 =	vmul.f32 v10, v24;
	v44 =	vmul.f32 v31, v24;
	v3 =	vadd.f32 v12, v3;
	v12 =	vld [tilespmem:$0x1FF40]  }
0x13e: {  	v46 =	vld.idx.msk [tilespmem:v46+s15+$0x0], $0xffff;
	v28 =	vmul.f32 v0, v18;
	v5 =	vmul.f32 v2, v18  }
0x13f: {  	v15 =	vadd.f32 v15, v27;
	v29 =	vmul.f32 v0, v22;
	v0 =	vmul.f32 v2, v24  }
0x140: {  	v50 =	vld.idx.msk [tilespmem:v50+s15+$0x0], $0xffff;
	v6 =	vmul.f32 v2, v22;
	v2 =	vand.u32 $0xFFFF0000, v25;
	v25 =	vmul.f32 v19, v54  }
0x141: {  	v33 =	vand.u32 $0xFFFF0000, v60;
	v59 =	vmul.f32 v10, v18;
	v60 =	vmul.f32 v10, v22  }
0x142: {  	v3 =	vadd.f32 v25, v3;
	v12 =	vadd.f32 v13, v12;
	v13 =	vmul.f32 v19, v49  }
0x143: {  	v51 =	vld.idx.msk [tilespmem:v51+s15+$0x0], $0xffff;
	v10 =	vand.u32 $0xFFFF0000, v26;
	v24 =	vmul.f32 v32, v47;
	v26 =	vmul.f32 v19, v46  }
0x144: {  	v25 =	vmul.f32 v32, v58;
	v3 =	vadd.f32 v23, v3;
	v13 =	vadd.f32 v13, v14  }
0x145: {  	v12 =	vadd.f32 v26, v12;
	v14 =	vadd.f32 v36, v15;
	v15 =	vmul.f32 v32, v50  }
0x146: {  	v63 =	vld.idx.msk [tilespmem:v63+s15+$0x0], $0xffff;
	v3 =	vadd.f32 v4, v3;
	v13 =	vadd.f32 v25, v13  }
0x147: {  	v4 =	vld [tilespmem:$0x1FE30];
	v12 =	vadd.f32 v24, v12;
	v14 =	vadd.f32 v15, v14  }
0x148: {  	v23 =	vmul.f32 v32, v51;
	v32 =	vadd.f32 v34, v13;
	v13 =	vld [tilespmem:$0x1FE50]  }
0x149: {  	[tilespmem:$0x1FF30] =	vst v3;
	v3 =	vadd.f32 v11, v12;
	v27 =	vadd.f32 v28, v14;
	v14 =	vld [tilespmem:$0x1FE70]  }
0x14a: {  	v26 =	vld [tilespmem:$0x1FE00]  }
0x14b: {  	v24 =	vld [tilespmem:$0x1FE10];
	v11 =	vadd.f32 v17, v56;
	[tilespmem:$0x1FF40] =	vst v3;
	v3 =	vmul.f32 v2, v54  }
0x14c: {  	v19 =	vmul.f32 v19, v63;
	v15 =	vmul.f32 v33, v45;
	v34 =	vld [tilespmem:$0x1FE20];
	v4 =	vadd.f32 v4, v21  }
0x14d: {  	v17 =	vld [tilespmem:$0x1FE40];
	v12 =	vmul.f32 v2, v46;
	v3 =	vadd.f32 v3, v11;
	v13 =	vadd.f32 v20, v13  }
0x14e: {  	v56 =	vmovc v16;
	v16 =	vmul.f32 v2, v49;
	v4 =	vadd.f32 v19, v4;
	v19 =	vld [tilespmem:$0x1FE80];
	v14 =	vadd.f32 v37, v14  }
0x14f: {  	v11 =	vmul.f32 v33, v47;
	v20 =	vld [tilespmem:$0x1FE60];
	v15 =	vadd.f32 v15, v3;
	v12 =	vadd.f32 v12, v13  }
0x150: {  	p0 =	slt.u32 s21, $0xFC;
	v3 =	vmul.f32 v33, v50;
	v13 =	vadd.f32 v16, v14;
	v16 =	vadd.f32 v23, v4;
	v23 =	vld [tilespmem:$0x1FE90]  }
.Ltmp3:
0x151: {  	v14 =	vmul.f32 v33, v58;
	v4 =	vmul.f32 v33, v51;
	v33 =	vld [tilespmem:$0x1FED0];
	(pc) =	sbr.rel @p0 .LBB2_5-.Ltmp3, $4  }
0x152: {  	v25 =	vadd.f32 v30, v15;
	v15 =	vld [tilespmem:$0x1FEE0]  }
0x153: {  	v11 =	vadd.f32 v11, v12;
	v12 =	vld [tilespmem:$0x1FEA0]  }
0x154: {  	v37 =	vadd.f32 v14, v13;
	v13 =	vld [tilespmem:$0x1FEB0]  }
0x155: {  	s21 =	sadd.s32 $0x4, s21;
	v61 =	vmul.f32 v31, v61;
	v36 =	vmul.f32 v2, v48;
	v14 =	vld [tilespmem:$0x1FEC0];
	v21 =	vadd.f32 v29, v16  }
0x156: {  	_ = 	snop  }
0x157: {  	v16 =	vld [tilespmem:$0x1FF00]  }
0x158: {  	v0 =	vadd.f32 v0, v11;
	v11 =	vadd.f32 v56, v12;
	v12 =	vld [tilespmem:$0x1FEF0];
	_ =	sdelay $0x3  }
0x159: {  	v14 =	vadd.f32 v16, v14;
	v16 =	vld [tilespmem:$0x1FF10]  }
0x15a: {  	v2 =	vmul.f32 v2, v63;
	v12 =	vadd.f32 v12, v13  }
0x15b: {  	v1 =	vadd.f32 v1, v37;
	v11 =	vadd.f32 v36, v11;
	v13 =	vmul.f32 v10, v54  }
0x15c: {  	v0 =	vadd.f32 v0, v0;
	v2 =	vadd.f32 v2, v12  }
0x15d: {  	v3 =	vadd.f32 v3, v11;
	v12 =	vmul.f32 v62, v45;
	v13 =	vadd.f32 v13, v14  }
0x15e: {  	v15 =	vadd.f32 v16, v15;
	v16 =	vmul.f32 v10, v46;
	v2 =	vadd.f32 v4, v2  }
0x15f: {  	v3 =	vadd.f32 v5, v3;
	v11 =	vadd.f32 v12, v13  }
0x160: {  	v14 =	vadd.f32 v16, v15;
	v15 =	vmul.f32 v62, v47;
	v2 =	vadd.f32 v6, v2  }
0x161: {  	v5 =	vmul.f32 v10, v48;
	v6 =	vadd.f32 v7, v11;
	v11 =	vadd.f32 v55, v34  }
0x162: {  	v4 =	vmul.f32 v62, v58;
	v13 =	vmul.f32 v62, v50;
	v12 =	vadd.f32 v15, v14  }
0x163: {  	v16 =	vmul.f32 v9, v54;
	v14 =	vmul.f32 v10, v49;
	v5 =	vadd.f32 v5, v11  }
0x164: {  	v10 =	vmul.f32 v10, v63;
	v7 =	vadd.f32 v8, v12;
	v12 =	vadd.f32 v39, v24  }
0x165: {  	v15 =	vadd.f32 v42, v26;
	v11 =	vmul.f32 v62, v51;
	v8 =	vadd.f32 v53, v33  }
0x166: {  	v5 =	vadd.f32 v13, v5;
	v13 =	vmul.f32 v9, v49;
	v10 =	vadd.f32 v10, v12  }
0x167: {  	v8 =	vadd.f32 v14, v8;
	v12 =	vadd.f32 v16, v15;
	v14 =	vmul.f32 v43, v45  }
0x168: {  	v15 =	vadd.f32 v52, v23;
	v16 =	vmul.f32 v9, v48;
	v10 =	vadd.f32 v11, v10  }
0x169: {  	v11 =	vadd.f32 v14, v12;
	v12 =	vmul.f32 v9, v46;
	v14 =	vadd.f32 v41, v17  }
0x16a: {  	v4 =	vadd.f32 v4, v8;
	v8 =	vmul.f32 v43, v47;
	v17 =	vadd.f32 v35, v19  }
0x16b: {  	v19 =	vadd.f32 v38, v20;
	v20 =	vmul.f32 v43, v58;
	v12 =	vadd.f32 v12, v14  }
0x16c: {  	v13 =	vadd.f32 v13, v15;
	v14 =	vmul.f32 v43, v50;
	v15 =	vadd.f32 v16, v17  }
0x16d: {  	v1 =	vadd.f32 v1, v1;
	v24 =	vld [tilespmem:$0x1FFA0];
	v8 =	vadd.f32 v8, v12  }
0x16e: {  	v12 =	vadd.f32 v20, v13;
	v13 =	vadd.f32 v14, v15;
	v14 =	vld [tilespmem:$0x1FF30]  }
0x16f: {  	v3 =	vadd.f32 v3, v3;
	v2 =	vadd.f32 v2, v2;
	v9 =	vmul.f32 v9, v63;
	v15 =	vld [tilespmem:$0x1FF40]  }
0x170: {  	v6 =	vadd.f32 v6, v6;
	v23 =	vld [tilespmem:$0x1FF90];
	v7 =	vadd.f32 v7, v7  }
0x171: {  	v9 =	vadd.f32 v9, v19;
	v16 =	vmul.f32 v43, v51;
	v17 =	vmul.f32 v31, v22;
	v22 =	vld [tilespmem:$0x1FF80]  }
0x172: {  	v5 =	vadd.f32 v59, v5;
	v1 =	vsub.f32 v24, v1  }
0x173: {  	v19 =	vadd.f32 v25, v25;
	v9 =	vadd.f32 v16, v9;
	v16 =	vmul.f32 v31, v18  }
0x174: {  	v14 =	vadd.f32 v14, v14;
	v15 =	vadd.f32 v15, v15  }
0x175: {  	v18 =	vadd.f32 v32, v32;
	v13 =	vadd.f32 v16, v13  }
0x176: {  	v25 =	vld [tilespmem:$0x1FFB0];
	v14 =	vsub.f32 v23, v14;
	v15 =	vsub.f32 v22, v15  }
0x177: {  	v16 =	vsub.f32 v24, v18;
	v18 =	vadd.f32 v21, v21;
	v21 =	vld [tilespmem:$0x1FF70]  }
0x178: {  	v4 =	vadd.f32 v57, v4;
	v10 =	vadd.f32 v60, v10;
	vm0 =	vlt.f32 v15, v14  }
0x179: {  	v9 =	vadd.f32 v17, v9;
	v17 =	vadd.f32 v27, v27;
	v14 =	vsel vm0, v15, v14  }
0x17a: {  	v11 =	vadd.f32 v61, v11;
	v6 =	vsub.f32 v23, v6;
	vm4 =	vlt.f32 v16, v14  }
0x17b: {  	v0 =	vsub.f32 v22, v0;
	v14 =	vsel vm4, v16, v14;
	v16 =	vsub.f32 v25, v17  }
0x17c: {  	v17 =	vsub.f32 v21, v18;
	v18 =	vsub.f32 v23, v19  }
0x17d: {  	v20 =	vimm.s32 $0x0;
	v4 =	vadd.f32 v4, v4;
	v8 =	vadd.f32 v44, v8  }
0x17e: {  	v12 =	vadd.f32 v40, v12;
	v3 =	vsub.f32 v25, v3;
	vm1 =	vlt.f32 v0, v18  }
0x17f: {  	v2 =	vsub.f32 v21, v2;
	v15 =	vsel vm0, $0x1, v20;
	v0 =	vsel vm1, v0, v18  }
0x180: {  	v15 =	vsel vm4, $0x2, v15;
	vm5 =	vlt.f32 v16, v14;
	vm7 =	vlt.f32 v1, v0  }
0x181: {  	v14 =	vsel vm5, v16, v14;
	v15 =	vsel vm5, $0x3, v15;
	v0 =	vsel vm7, v1, v0  }
0x182: {  	vm6 =	vlt.f32 v17, v14;
	v14 =	vsel vm1, $0x1, v20;
	vm8 =	vlt.f32 v3, v0  }
0x183: {  	v1 =	vsel vm7, $0x2, v14;
	v0 =	vsel vm8, v3, v0;
	v3 =	vsub.f32 v22, v7  }
0x184: {  	v7 =	vsel vm6, $0x4, v15;
	v1 =	vsel vm8, $0x3, v1;
	vm9 =	vlt.f32 v2, v0  }
0x185: {  	v0 =	vsub.f32 v24, v4;
	v2 =	vadd.f32 v5, v5;
	vm10 =	vlt.f32 v3, v6  }
0x186: {  	v15 =	vlaneseq.u32;
	v5 =	vadd.f32 v11, v11;
	v3 =	vsel vm10, v3, v6  }
0x187: {  	v2 =	vsub.f32 v25, v2;
	v6 =	vadd.f32 v8, v8;
	vm11 =	vlt.f32 v0, v3  }
0x188: {  	v5 =	vsub.f32 v23, v5;
	v0 =	vsel vm11, v0, v3;
	v3 =	vadd.f32 v10, v10  }
0x189: {  	v8 =	vadd.f32 v12, v12;
	v6 =	vsub.f32 v22, v6;
	vm2 =	vlt.f32 v2, v0  }
0x18a: {  	v4 =	vsel vm10, $0x1, v20;
	v0 =	vsel vm2, v2, v0;
	v2 =	vsub.f32 v21, v3  }
0x18b: {  	vm12 =	vlt.f32 v6, v5;
	v3 =	vsub.f32 v24, v8;
	v8 =	vadd.f32 v13, v13  }
0x18c: {  	v4 =	vsel vm11, $0x2, v4;
	vm13 =	vlt.f32 v2, v0;
	v0 =	vsel vm12, v6, v5  }
0x18d: {  	v2 =	vsub.f32 v25, v8;
	v5 =	vadd.f32 v9, v9;
	vm3 =	vlt.f32 v3, v0  }
0x18e: {  	s21 =	sshll.u32 s20, $0x7;
	v1 =	vsel vm9, $0x4, v1;
	v4 =	vsel vm2, $0x3, v4;
	v0 =	vsel vm3, v3, v0  }
0x18f: {  	s21 =	sand.u32 $0x3FFFFF80, s21;
	v3 =	vsel vm12, $0x1, v20;
	v5 =	vsub.f32 v21, v5;
	vm14 =	vlt.f32 v2, v0  }
0x190: {  	s23 =	simm.s32 $0x0;
	s22 =	sshll.u32 s20, $0xF;
	p0 =	seq.s32 s20, $0x5;
	[tilespmem:s21+$0x9000] =	vst v7;
	v4 =	vsel vm13, $0x4, v4;
	v3 =	vsel vm3, $0x2, v3;
	v0 =	vsel vm14, v2, v0  }
0x191: {  	[tilespmem:s21+$0x9010] =	vst v1;
	v2 =	vadd.s32 s23, v15;
	v1 =	vsel vm14, $0x3, v3;
	s23 =	sadd.s32 @!p0 s22, s7;
	vm15 =	vlt.f32 v5, v0  }
0x192: {  	[tilespmem:s21+$0x9020] =	vst v4;
	s23 =	sshrl.u32 @!p0 s23, $0x3;
	v1 =	vsel vm15, $0x4, v1  }
0x193: {  	s24 =	simm.s32 @!p0 $0x0;
	s23 =	sadd.s32 @!p0 s0, s23;
	[tilespmem:s21+$0x9030] =	vst v1  }
0x194: {  	[tilespmem:s24], [sflag:$0x1] =	stream.linear.gather @!p0 [hbm4b:s23+s24], $0x4000, $0x38;
	[tilespmem:$0x9300] =	vst v63  }
0x195: {  	v0 =	vshll.u32 v2, $0x3;
	_ =	swait.ge [sflag:s16], $0x4000  }
0x196: {  	v2 =	vand.u32 $0x7F, v2;
	v0 =	vand.u32 $0x400, v0;
	v23 =	vld [tilespmem:$0x1FFD0]  }
0x197: {  	v0 =	vor.u32 v2, v0;
	v25 =	vld [tilespmem:$0x1FFC0]  }
0x198: {  	v1 =	vor.u32 $0x80, v0;
	v26 =	vld [tilespmem:$0x1FFE0]  }
0x199: {  	v2 =	vor.u32 $0x100, v0;
	v27 =	vld [tilespmem:$0x1FFF0]  }
0x19a: {  	s29 =	simm.s32 $0x3;
	v3 =	vor.u32 $0x180, v0;
	[sflag:s16] =	ssyncset.done $0x0  }
0x19b: {  	v5 =	vadd.s32 s29, v15;
	[sflag:s16] =	ssyncadd.s32 $0xFFFFC000;
	v4 =	vor.u32 v23, v0  }
0x19c: {  	v8 =	vshll.u32 v5, $0x3;
	v6 =	vld.idx.msk [tilespmem:v0+s15+$0x0], $0xffff;
	v7 =	vor.u32 v25, v0  }
0x19d: {  	v5 =	vand.u32 $0x7F, v5;
	v8 =	vand.u32 $0x400, v8;
	v1 =	vld.idx.msk [tilespmem:v1+s15+$0x0], $0xffff;
	v9 =	vor.u32 v26, v0  }
0x19e: {  	s30 =	simm.s32 $0x2;
	v5 =	vor.u32 v5, v8;
	v2 =	vld.idx.msk [tilespmem:v2+s15+$0x0], $0xffff;
	v10 =	vor.u32 v27, v0  }
0x19f: {  	v8 =	vadd.s32 s30, v15;
	v3 =	vld.idx.msk [tilespmem:v3+s15+$0x0], $0xffff;
	v11 =	vor.u32 v23, v5  }
0x1a0: {  	v12 =	vshll.u32 v8, $0x3;
	v13 =	vor.u32 v25, v5;
	v4 =	vld.idx.msk [tilespmem:v4+s13+$0x0], $0xffff  }
0x1a1: {  	s31 =	simm.s32 $0x1;
	v8 =	vand.u32 $0x7F, v8;
	v12 =	vand.u32 $0x400, v12;
	v14 =	vor.u32 v26, v5;
	v7 =	vld.idx.msk [tilespmem:v7+s13+$0x0], $0xffff  }
0x1a2: {  	v8 =	vor.u32 v8, v12;
	v12 =	vadd.s32 s31, v15;
	v15 =	vor.u32 v27, v5;
	v9 =	vld.idx.msk [tilespmem:v9+s13+$0x0], $0xffff  }
0x1a3: {  	v17 =	vshll.u32 v12, $0x3;
	v16 =	vor.u32 v23, v8;
	v10 =	vld.idx.msk [tilespmem:v10+s13+$0x0], $0xffff  }
0x1a4: {  	v12 =	vand.u32 $0x7F, v12;
	v17 =	vand.u32 $0x400, v17;
	v0 =	vor.u32 $0x200, v0;
	v11 =	vld.idx.msk [tilespmem:v11+s13+$0x0], $0xffff  }
0x1a5: {  	v17 =	vor.u32 v12, v17;
	v18 =	vor.u32 v25, v8;
	v12 =	vld.idx.msk [tilespmem:v13+s13+$0x0], $0xffff  }
0x1a6: {  	v35 =	vimm.f32 $0.0e+00;
	v21 =	vor.u32 $0x100, v5;
	v19 =	vor.u32 v26, v8;
	v14 =	vld.idx.msk [tilespmem:v14+s13+$0x0], $0xffff  }
0x1a7: {  	v22 =	vor.u32 $0x180, v5;
	v24 =	vor.u32 $0x200, v5;
	v20 =	vor.u32 v27, v8;
	v15 =	vld.idx.msk [tilespmem:v15+s13+$0x0], $0xffff  }
0x1a8: {  	v41 =	vor.u32 $0x80, v8;
	v55 =	vor.u32 $0x100, v8;
	v37 =	vor.u32 $0x180, v8;
	v16 =	vld.idx.msk [tilespmem:v16+s13+$0x0], $0xffff  }
0x1a9: {  	v43 =	vor.u32 $0x200, v8;
	v23 =	vor.u32 v23, v17;
	v29 =	vor.u32 $0x80, v17;
	v0 =	vld.idx.msk [tilespmem:v0+s15+$0x0], $0xffff  }
0x1aa: {  	v30 =	vor.u32 v25, v17;
	v52 =	vor.u32 v26, v17;
	v18 =	vld.idx.msk [tilespmem:v18+s13+$0x0], $0xffff;
	v4 =	vadd.s32 $0x8000, v4  }
0x1ab: {  	v53 =	vor.u32 v27, v17;
	v13 =	vor.u32 $0x80, v5;
	v19 =	vld.idx.msk [tilespmem:v19+s13+$0x0], $0xffff;
	v4 =	vand.u32 $0xFFFF0000, v4  }
0x1ac: {  	v20 =	vld.idx.msk [tilespmem:v20+s13+$0x0], $0xffff;
	v7 =	vadd.s32 $0x8000, v7;
	v40 =	vmul.f32 v4, v6;
	v62 =	vmul.f32 v4, v1  }
0x1ad: {  	v5 =	vld.idx.msk [tilespmem:v5+s15+$0x0], $0xffff;
	v7 =	vand.u32 $0xFFFF0000, v7;
	v28 =	vmul.f32 v4, v2;
	v27 =	vmul.f32 v4, v3  }
0x1ae: {  	v36 =	vadd.s32 $0x8000, v12;
	v12 =	vld.idx.msk [tilespmem:v23+s13+$0x0], $0xffff;
	v32 =	vmul.f32 v4, v0;
	v4 =	vmul.f32 v7, v6  }
0x1af: {  	v45 =	vor.u32 $0x100, v17;
	v46 =	vor.u32 $0x180, v17;
	v48 =	vor.u32 $0x200, v17;
	v23 =	vld.idx.msk [tilespmem:v30+s13+$0x0], $0xffff  }
0x1b0: {  	v9 =	vadd.s32 $0x8000, v9;
	v30 =	vld.idx.msk [tilespmem:v52+s13+$0x0], $0xffff;
	v39 =	vmul.f32 v7, v2;
	v57 =	vmul.f32 v7, v3;
	[tilespmem:$0x1FDE0] =	vst v4  }
0x1b1: {  	v58 =	vmul.f32 v7, v0;
	v4 =	vmul.f32 v7, v1;
	v7 =	vand.u32 $0xFFFF0000, v9;
	v54 =	vld.idx.msk [tilespmem:v53+s13+$0x0], $0xffff  }
0x1b2: {  	v10 =	vadd.s32 $0x8000, v10;
	v11 =	vadd.s32 $0x8000, v11;
	v42 =	vld.idx.msk [tilespmem:v13+s15+$0x0], $0xffff;
	v9 =	vmul.f32 v7, v2  }
0x1b3: {  	v14 =	vadd.s32 $0x8000, v14;
	v15 =	vadd.s32 $0x8000, v15;
	v16 =	vadd.s32 $0x8000, v16;
	v21 =	vld.idx.msk [tilespmem:v21+s15+$0x0], $0xffff  }
0x1b4: {  	v18 =	vadd.s32 $0x8000, v18;
	v47 =	vadd.s32 $0x8000, v12;
	v12 =	vld.idx.msk [tilespmem:v22+s15+$0x0], $0xffff;
	[tilespmem:$0x1FD60] =	vst v9;
	v9 =	vand.u32 $0xFFFF0000, v10  }
0x1b5: {  	v19 =	vadd.s32 $0x8000, v19;
	v60 =	vmul.f32 v7, v1;
	v1 =	vmul.f32 v9, v1  }
0x1b6: {  	v20 =	vadd.s32 $0x8000, v20;
	v14 =	vand.u32 $0xFFFF0000, v14;
	v63 =	vand.u32 $0xFFFF0000, v19  }
0x1b7: {  	v38 =	vand.u32 $0xFFFF0000, v20;
	v61 =	vmul.f32 v7, v6;
	v13 =	vld.idx.msk [tilespmem:v24+s15+$0x0], $0xffff;
	[tilespmem:$0x1FD70] =	vst v1;
	v1 =	vmul.f32 v9, v2  }
0x1b8: {  	v19 =	vadd.f32 v40, v35;
	v51 =	vmul.f32 v7, v0;
	v0 =	vmul.f32 v9, v0  }
0x1b9: {  	v20 =	vadd.f32 v62, v35;
	v49 =	vmul.f32 v7, v3;
	[tilespmem:$0x1FD80] =	vst v1;
	v1 =	vmul.f32 v9, v3  }
0x1ba: {  	v50 =	vmul.f32 v9, v6;
	v24 =	vand.u32 $0xFFFF0000, v15;
	[tilespmem:$0x1FDA0] =	vst v0;
	v0 =	vand.u32 $0xFFFF0000, v11  }
0x1bb: {  	v2 =	vand.u32 $0xFFFF0000, v36;
	v56 =	vmul.f32 v14, v12;
	v36 =	vmul.f32 v24, v42;
	[tilespmem:$0x1FD90] =	vst v1  }
0x1bc: {  	v10 =	vadd.s32 $0x8000, v23;
	v11 =	vmul.f32 v0, v5;
	v23 =	vmul.f32 v0, v42;
	v52 =	vld.idx.msk [tilespmem:v8+s15+$0x0], $0xffff  }
0x1bd: {  	v27 =	vadd.f32 v27, v35;
	v26 =	vmul.f32 v0, v21;
	v33 =	vmul.f32 v0, v12;
	v59 =	vld.idx.msk [tilespmem:v17+s15+$0x0], $0xffff  }
0x1be: {  	v22 =	vadd.s32 $0x8000, v30;
	v31 =	vmul.f32 v2, v5;
	v6 =	vmul.f32 v2, v12;
	v41 =	vld.idx.msk [tilespmem:v41+s15+$0x0], $0xffff  }
0x1bf: {  	v3 =	vadd.s32 $0x8000, v54;
	v9 =	vmul.f32 v14, v42;
	v54 =	vmul.f32 v14, v21;
	v44 =	vld.idx.msk [tilespmem:v29+s15+$0x0], $0xffff  }
0x1c0: {  	v15 =	vand.u32 $0xFFFF0000, v16;
	v25 =	vmul.f32 v0, v13;
	v0 =	vmul.f32 v2, v42;
	v45 =	vld.idx.msk [tilespmem:v45+s15+$0x0], $0xffff  }
0x1c1: {  	v16 =	vand.u32 $0xFFFF0000, v18;
	v7 =	vmul.f32 v2, v13;
	v53 =	vmul.f32 v14, v13;
	v46 =	vld.idx.msk [tilespmem:v46+s15+$0x0], $0xffff  }
0x1c2: {  	v1 =	vmul.f32 v2, v21;
	v8 =	vmul.f32 v14, v5;
	v17 =	vand.u32 $0xFFFF0000, v47;
	v47 =	vld.idx.msk [tilespmem:v55+s15+$0x0], $0xffff  }
0x1c3: {  	v2 =	vand.u32 $0xFFFF0000, v10;
	v55 =	vmul.f32 v24, v5;
	v42 =	vld.idx.msk [tilespmem:v37+s15+$0x0], $0xffff;
	v37 =	vmul.f32 v24, v21  }
0x1c4: {  	v10 =	vand.u32 $0xFFFF0000, v22;
	v43 =	vld.idx.msk [tilespmem:v43+s15+$0x0], $0xffff;
	v14 =	vmul.f32 v17, v59;
	v18 =	vmul.f32 v17, v44  }
0x1c5: {  	v22 =	vadd.f32 v28, v35;
	v5 =	vmul.f32 v15, v52;
	v21 =	vmul.f32 v17, v45  }
0x1c6: {  	v14 =	vadd.f32 v14, v19;
	v19 =	vmul.f32 v17, v46;
	v18 =	vadd.f32 v18, v20  }
0x1c7: {  	v62 =	vld.idx.msk [tilespmem:v48+s15+$0x0], $0xffff;
	v20 =	vmul.f32 v15, v41;
	v21 =	vadd.f32 v21, v22;
	v22 =	vmul.f32 v15, v47  }
0x1c8: {  	v19 =	vadd.f32 v19, v27;
	v27 =	vmul.f32 v15, v42;
	v5 =	vadd.f32 v5, v14  }
0x1c9: {  	v14 =	vadd.f32 v20, v18;
	v20 =	vmul.f32 v15, v43;
	v15 =	vadd.f32 v22, v21  }
0x1ca: {  	v34 =	vimm.f32 $0.0e+00;
	v35 =	vimm.f32 $0.0e+00;
	v48 =	vimm.f32 $0.0e+00  }
0x1cb: {  	v21 =	vmul.f32 v16, v52;
	v5 =	vadd.f32 v11, v5;
	v11 =	vadd.f32 v26, v15;
	v15 =	vld [tilespmem:$0x1FDE0]  }
0x1cc: {  	v22 =	vmul.f32 v17, v62;
	v17 =	vimm.f32 $0.0e+00;
	v19 =	vadd.f32 v27, v19  }
0x1cd: {  	v27 =	vmul.f32 v2, v45;
	[tilespmem:$0x1FDB0] =	vst v5;
	v5 =	vadd.f32 v23, v14;
	v14 =	vimm.f32 $0.0e+00  }
0x1ce: {  	[tilespmem:$0x1FDD0] =	vst v11;
	v29 =	vadd.f32 v33, v19;
	v23 =	vmul.f32 v2, v44;
	v11 =	vadd.f32 v32, v14  }
0x1cf: {  	v4 =	vadd.f32 v4, v14;
	v26 =	vadd.f32 v39, v14;
	v39 =	vmul.f32 v2, v46  }
0x1d0: {  	v32 =	vimm.f32 $0.0e+00;
	[tilespmem:$0x1FDC0] =	vst v5;
	v5 =	vmul.f32 v2, v59;
	v19 =	vadd.f32 v15, v14  }
0x1d1: {  	v11 =	vadd.f32 v22, v11;
	v22 =	vmul.f32 v16, v41;
	v4 =	vadd.f32 v23, v4  }
0x1d2: {  	v23 =	vadd.f32 v27, v26;
	v26 =	vmul.f32 v16, v47;
	v15 =	vimm.f32 $0.0e+00  }
0x1d3: {  	v27 =	vimm.f32 $0.0e+00;
	v19 =	vadd.f32 v5, v19;
	v5 =	vand.u32 $0xFFFF0000, v3  }
0x1d4: {  	v20 =	vadd.f32 v20, v11;
	v3 =	vmul.f32 v16, v42;
	v40 =	vadd.f32 v22, v4  }
0x1d5: {  	v11 =	vadd.f32 v26, v23;
	v4 =	vmul.f32 v16, v43;
	v19 =	vadd.f32 v21, v19  }
0x1d6: {  	v16 =	vimm.f32 $0.0e+00;
	v26 =	vimm.f32 $0.0e+00;
	v23 =	vadd.f32 v25, v20  }
0x1d7: {  	s23 =	simm.s32 $0x4;
	v25 =	vimm.f32 $0.0e+00;
	v20 =	vimm.f32 $0.0e+00;
	v19 =	vadd.f32 v31, v19  }
.LBB2_7:
0x1d8: {  	v0 =	vadd.f32 v0, v40;
	_ =	sdelay $0x1  }
0x1d9: {  	[tilespmem:$0x1FCB0] =	vst v0;
	v0 =	vadd.f32 v1, v11;
	_ =	sdelay $0x1  }
0x1da: {  	[tilespmem:$0x1FCD0] =	vst v0;
	v0 =	vadd.f32 v57, v14  }
0x1db: {  	v2 =	vmul.f32 v2, v62;
	v1 =	vadd.f32 v58, v16  }
0x1dc: {  	v11 =	vmul.f32 v10, v59;
	v31 =	vadd.f32 v61, v15;
	v0 =	vadd.f32 v39, v0  }
0x1dd: {  	[tilespmem:$0x1FC80] =	vst v29;
	v33 =	vmul.f32 v10, v44;
	v29 =	vadd.f32 v60, v17;
	v1 =	vadd.f32 v2, v1  }
0x1de: {  	v2 =	vmul.f32 v63, v52;
	v11 =	vadd.f32 v11, v31;
	v0 =	vadd.f32 v3, v0  }
0x1df: {  	v29 =	vadd.f32 v33, v29;
	v31 =	vmul.f32 v63, v41;
	v1 =	vadd.f32 v4, v1  }
0x1e0: {  	v2 =	vadd.f32 v2, v11;
	v0 =	vadd.f32 v6, v0  }
0x1e1: {  	v4 =	vadd.f32 v31, v29  }
0x1e2: {  	[tilespmem:$0x1FD00] =	vst v0;
	v0 =	vadd.f32 v7, v1;
	v1 =	vadd.f32 v8, v2;
	_ =	sdelay $0x1  }
0x1e3: {  	[tilespmem:$0x1FD10] =	vst v1;
	v1 =	vadd.f32 v9, v4;
	_ =	sdelay $0x1  }
0x1e4: {  	[tilespmem:$0x1FD20] =	vst v1;
	v1 =	vld [tilespmem:$0x1FD60];
	_ =	sdelay $0x4  }
0x1e5: {  	v33 =	vmul.f32 v10, v45;
	v1 =	vadd.f32 v1, v27  }
0x1e6: {  	v3 =	vmul.f32 v63, v47;
	v2 =	vadd.f32 v49, v48;
	[tilespmem:$0x1FD40] =	vst v0;
	v0 =	vmul.f32 v10, v46  }
0x1e7: {  	v6 =	vadd.f32 v51, v26;
	v4 =	vmul.f32 v10, v62;
	v1 =	vadd.f32 v33, v1  }
0x1e8: {  	v7 =	vadd.f32 v50, v25;
	v8 =	vmul.f32 v5, v59;
	v0 =	vadd.f32 v0, v2  }
0x1e9: {  	v2 =	vmul.f32 v63, v43;
	v4 =	vadd.f32 v4, v6;
	v1 =	vadd.f32 v3, v1  }
0x1ea: {  	v6 =	vadd.f32 v8, v7  }
0x1eb: {  	v7 =	vmul.f32 v38, v52;
	v2 =	vadd.f32 v2, v4;
	v1 =	vadd.f32 v54, v1;
	_ =	sdelay $0x1  }
0x1ec: {  	v4 =	vadd.f32 v7, v6;
	[tilespmem:$0x1FC90] =	vst v1;
	v1 =	vadd.f32 v53, v2  }
0x1ed: {  	v9 =	vld [tilespmem:$0x1FDA0]  }
0x1ee: {  	v8 =	vld [tilespmem:$0x1FD90];
	[tilespmem:$0x1FCA0] =	vst v1;
	v1 =	vadd.f32 v55, v4  }
0x1ef: {  	v11 =	vmul.f32 v63, v42;
	v2 =	vld [tilespmem:$0x1FD80]  }
0x1f0: {  	[tilespmem:$0x1FCE0] =	vst v1;
	v1 =	vld [tilespmem:$0x1FD70]  }
0x1f1: {  	v0 =	vadd.f32 v11, v0;
	_ =	sdelay $0x1  }
0x1f2: {  	v7 =	vmul.f32 v5, v44;
	v0 =	vadd.f32 v56, v0  }
0x1f3: {  	v9 =	vadd.f32 v9, v20;
	v8 =	vadd.f32 v8, v32;
	v4 =	vmul.f32 v5, v46  }
0x1f4: {  	[tilespmem:$0x1FCC0] =	vst v0;
	v0 =	vmul.f32 v5, v45;
	v2 =	vadd.f32 v2, v34;
	v1 =	vadd.f32 v1, v35  }
0x1f5: {  	v3 =	vmul.f32 v38, v41;
	v5 =	vmul.f32 v5, v62;
	v4 =	vadd.f32 v4, v8  }
0x1f6: {  	v0 =	vadd.f32 v0, v2;
	v2 =	vmul.f32 v38, v42;
	v1 =	vadd.f32 v7, v1  }
0x1f7: {  	v6 =	vmul.f32 v38, v47;
	v5 =	vadd.f32 v5, v9;
	v7 =	vmul.f32 v38, v43  }
0x1f8: {  	v2 =	vadd.f32 v2, v4;
	v1 =	vadd.f32 v3, v1;
	v3 =	vmul.f32 v24, v12  }
0x1f9: {  	v0 =	vadd.f32 v6, v0;
	v4 =	vadd.f32 v7, v5  }
0x1fa: {  	v5 =	vmul.f32 v24, v13;
	v40 =	vadd.f32 v36, v1;
	v1 =	vadd.f32 v3, v2  }
0x1fb: {  	v16 =	vlaneseq.u32;
	v0 =	vadd.f32 v37, v0  }
0x1fc: {  	v6 =	vadd.s32 s23, v16;
	[tilespmem:$0x1FD50] =	vst v1;
	v1 =	vadd.f32 v5, v4  }
0x1fd: {  	[tilespmem:$0x1FD30] =	vst v0;
	v0 =	vshll.u32 v6, $0x3  }
0x1fe: {  	v14 =	vld [tilespmem:$0x1FFD0];
	v0 =	vand.u32 $0x400, v0;
	[tilespmem:$0x1FCF0] =	vst v1;
	v1 =	vand.u32 $0x7F, v6  }
0x1ff: {  	v15 =	vld [tilespmem:$0x1FFC0];
	v2 =	vor.u32 v1, v0  }
0x200: {  	v17 =	vld [tilespmem:$0x1FFE0];
	v1 =	vor.u32 $0x80, v2  }
0x201: {  	v18 =	vld [tilespmem:$0x1FFF0];
	v3 =	vor.u32 $0x100, v2  }
0x202: {  	v4 =	vor.u32 $0x180, v2  }
0x203: {  	s24 =	sadd.s32 $0x3, s23;
	v5 =	vor.u32 v14, v2  }
0x204: {  	s31 =	sadd.s32 $0x1, s23;
	v6 =	vadd.s32 s24, v16;
	v7 =	vor.u32 v15, v2;
	v0 =	vld.idx.msk [tilespmem:v2+s15+$0x0], $0xffff  }
0x205: {  	v30 =	vadd.s32 s31, v16;
	v8 =	vshll.u32 v6, $0x3;
	v9 =	vor.u32 v17, v2;
	v1 =	vld.idx.msk [tilespmem:v1+s15+$0x0], $0xffff  }
0x206: {  	v6 =	vand.u32 $0x7F, v6;
	v8 =	vand.u32 $0x400, v8;
	v10 =	vor.u32 v18, v2;
	v3 =	vld.idx.msk [tilespmem:v3+s15+$0x0], $0xffff  }
0x207: {  	s30 =	sadd.s32 $0x2, s23;
	v55 =	vshll.u32 v30, $0x3;
	v30 =	vand.u32 $0x7F, v30;
	v6 =	vor.u32 v6, v8;
	v4 =	vld.idx.msk [tilespmem:v4+s15+$0x0], $0xffff  }
0x208: {  	v34 =	vand.u32 $0x400, v55;
	v8 =	vadd.s32 s30, v16;
	v13 =	vor.u32 v15, v6;
	v5 =	vld.idx.msk [tilespmem:v5+s13+$0x0], $0xffff  }
0x209: {  	v37 =	vor.u32 v30, v34;
	v12 =	vshll.u32 v8, $0x3;
	v24 =	vor.u32 v17, v6;
	v7 =	vld.idx.msk [tilespmem:v7+s13+$0x0], $0xffff  }
0x20a: {  	v8 =	vand.u32 $0x7F, v8;
	v38 =	vor.u32 $0x100, v6;
	v12 =	vand.u32 $0x400, v12;
	v9 =	vld.idx.msk [tilespmem:v9+s13+$0x0], $0xffff  }
0x20b: {  	v59 =	vor.u32 v14, v37;
	v8 =	vor.u32 v8, v12;
	v2 =	vor.u32 $0x200, v2;
	v10 =	vld.idx.msk [tilespmem:v10+s13+$0x0], $0xffff  }
0x20c: {  	v63 =	vor.u32 v18, v37;
	v12 =	vor.u32 v18, v6;
	v58 =	vor.u32 v18, v8;
	v18 =	vld.idx.msk [tilespmem:v6+s15+$0x0], $0xffff  }
0x20d: {  	v45 =	vor.u32 $0x100, v37;
	v60 =	vor.u32 v15, v37;
	v56 =	vor.u32 v15, v8;
	v13 =	vld.idx.msk [tilespmem:v13+s13+$0x0], $0xffff  }
0x20e: {  	v53 =	vor.u32 $0x180, v37;
	v61 =	vor.u32 v17, v37;
	v54 =	vor.u32 v14, v8;
	v24 =	vld.idx.msk [tilespmem:v24+s13+$0x0], $0xffff  }
0x20f: {  	v11 =	vor.u32 v14, v6;
	v30 =	vor.u32 $0x80, v6;
	v57 =	vor.u32 v17, v8;
	v28 =	vld.idx.msk [tilespmem:v38+s15+$0x0], $0xffff  }
0x210: {  	v39 =	vor.u32 $0x180, v6;
	v43 =	vor.u32 $0x200, v6;
	v42 =	vor.u32 $0x80, v8;
	v2 =	vld.idx.msk [tilespmem:v2+s15+$0x0], $0xffff  }
0x211: {  	v47 =	vor.u32 $0x100, v8;
	v12 =	vld.idx.msk [tilespmem:v12+s13+$0x0], $0xffff;
	v5 =	vadd.s32 $0x8000, v5;
	v7 =	vadd.s32 $0x8000, v7  }
0x212: {  	v62 =	vor.u32 $0x180, v8;
	v35 =	vld.idx.msk [tilespmem:v56+s13+$0x0], $0xffff;
	v5 =	vand.u32 $0xFFFF0000, v5;
	v6 =	vand.u32 $0xFFFF0000, v7  }
0x213: {  	v32 =	vld.idx.msk [tilespmem:v54+s13+$0x0], $0xffff;
	v9 =	vadd.s32 $0x8000, v9;
	v16 =	vmul.f32 v5, v0;
	v22 =	vmul.f32 v6, v0  }
0x214: {  	v36 =	vld.idx.msk [tilespmem:v57+s13+$0x0], $0xffff;
	v10 =	vadd.s32 $0x8000, v10;
	v48 =	vmul.f32 v6, v1;
	v25 =	vmul.f32 v6, v3  }
0x215: {  	v34 =	vld.idx.msk [tilespmem:v58+s13+$0x0], $0xffff;
	v57 =	vmul.f32 v6, v4;
	v58 =	vmul.f32 v6, v2;
	v6 =	vand.u32 $0xFFFF0000, v9  }
0x216: {  	v17 =	vmul.f32 v5, v1;
	v54 =	vadd.s32 $0x8000, v12;
	v12 =	vld.idx.msk [tilespmem:v60+s13+$0x0], $0xffff;
	v9 =	vmul.f32 v6, v3  }
0x217: {  	v7 =	vld.idx.msk [tilespmem:v61+s13+$0x0], $0xffff;
	v20 =	vmul.f32 v5, v4;
	v21 =	vmul.f32 v5, v2;
	v55 =	vadd.s32 $0x8000, v35;
	v35 =	vmovc v19  }
0x218: {  	v19 =	vmul.f32 v5, v3;
	v5 =	vld.idx.msk [tilespmem:v63+s13+$0x0], $0xffff;
	v61 =	vmul.f32 v6, v0;
	[tilespmem:$0x1FD60] =	vst v9;
	v9 =	vand.u32 $0xFFFF0000, v10  }
0x219: {  	v52 =	vadd.s32 $0x8000, v13;
	v13 =	vld.idx.msk [tilespmem:v43+s15+$0x0], $0xffff;
	v50 =	vmul.f32 v9, v0;
	v0 =	vmul.f32 v9, v1  }
0x21a: {  	v14 =	vor.u32 $0x200, v8;
	v27 =	vld.idx.msk [tilespmem:v30+s15+$0x0], $0xffff;
	v24 =	vadd.s32 $0x8000, v24;
	v46 =	vadd.s32 $0x8000, v32  }
0x21b: {  	v56 =	vadd.s32 $0x8000, v34;
	v29 =	vadd.s32 $0x8000, v12;
	v12 =	vld.idx.msk [tilespmem:v39+s15+$0x0], $0xffff;
	[tilespmem:$0x1FD70] =	vst v0;
	v0 =	vmul.f32 v9, v3  }
0x21c: {  	v51 =	vmul.f32 v6, v2;
	v33 =	vand.u32 $0xFFFF0000, v46;
	v38 =	vand.u32 $0xFFFF0000, v56  }
0x21d: {  	v41 =	vld.idx.msk [tilespmem:v59+s13+$0x0], $0xffff;
	v3 =	vadd.s32 $0x8000, v5;
	v5 =	vand.u32 $0xFFFF0000, v24;
	[tilespmem:$0x1FD80] =	vst v0;
	v0 =	vmul.f32 v9, v4  }
0x21e: {  	v46 =	vld.idx.msk [tilespmem:v53+s15+$0x0], $0xffff;
	v24 =	vand.u32 $0xFFFF0000, v54;
	v54 =	vmul.f32 v5, v28;
	v53 =	vmul.f32 v5, v13  }
0x21f: {  	[tilespmem:$0x1FD90] =	vst v0;
	v0 =	vmul.f32 v9, v2;
	v2 =	vand.u32 $0xFFFF0000, v52;
	v52 =	vld.idx.msk [tilespmem:v8+s15+$0x0], $0xffff;
	v8 =	vmul.f32 v5, v18  }
0x220: {  	v9 =	vmul.f32 v5, v27;
	v56 =	vmul.f32 v5, v12;
	v5 =	vand.u32 $0xFFFF0000, v3;
	v3 =	vld [tilespmem:$0x1FDB0]  }
0x221: {  	v45 =	vld.idx.msk [tilespmem:v45+s15+$0x0], $0xffff  }
0x222: {  	v15 =	vor.u32 $0x200, v37;
	v11 =	vld.idx.msk [tilespmem:v11+s13+$0x0], $0xffff  }
0x223: {  	v59 =	vld.idx.msk [tilespmem:v37+s15+$0x0], $0xffff  }
0x224: {  	v44 =	vor.u32 $0x80, v37;
	v26 =	vadd.s32 $0x8000, v41;
	v41 =	vld.idx.msk [tilespmem:v42+s15+$0x0], $0xffff  }
0x225: {  	v3 =	vadd.f32 v16, v3;
	v16 =	vld [tilespmem:$0x1FDC0]  }
0x226: {  	v26 =	vand.u32 $0xFFFF0000, v26;
	v42 =	vld.idx.msk [tilespmem:v62+s15+$0x0], $0xffff  }
0x227: {  	v62 =	vld.idx.msk [tilespmem:v15+s15+$0x0], $0xffff;
	v15 =	vmul.f32 v26, v45;
	v11 =	vadd.s32 $0x8000, v11  }
0x228: {  	v36 =	vadd.s32 $0x8000, v36;
	v49 =	vmul.f32 v6, v4;
	[tilespmem:$0x1FDA0] =	vst v0;
	v0 =	vand.u32 $0xFFFF0000, v11  }
0x229: {  	v44 =	vld.idx.msk [tilespmem:v44+s15+$0x0], $0xffff;
	v63 =	vand.u32 $0xFFFF0000, v36;
	v36 =	vmul.f32 v24, v27;
	v4 =	vmul.f32 v0, v18  }
0x22a: {  	v11 =	vmul.f32 v0, v27;
	v39 =	vmul.f32 v0, v28;
	v16 =	vadd.f32 v17, v16;
	v17 =	vld [tilespmem:$0x1FDD0]  }
0x22b: {  	v30 =	vmul.f32 v0, v12;
	v31 =	vmul.f32 v0, v13  }
0x22c: {  	v47 =	vld.idx.msk [tilespmem:v47+s15+$0x0], $0xffff;
	v0 =	vmul.f32 v2, v27;
	v27 =	vmul.f32 v26, v59  }
0x22d: {  	v60 =	vmul.f32 v6, v1;
	v34 =	vand.u32 $0xFFFF0000, v55;
	v55 =	vmul.f32 v24, v18  }
0x22e: {  	v43 =	vld.idx.msk [tilespmem:v14+s15+$0x0], $0xffff;
	v37 =	vmul.f32 v24, v28;
	v14 =	vmul.f32 v33, v52;
	v3 =	vadd.f32 v27, v3  }
0x22f: {  	v1 =	vmul.f32 v2, v28;
	v28 =	vmul.f32 v26, v44;
	v17 =	vadd.f32 v19, v17;
	v19 =	vld [tilespmem:$0x1FC80]  }
0x230: {  	v32 =	vmul.f32 v2, v18;
	v18 =	vmul.f32 v33, v41;
	v3 =	vadd.f32 v14, v3  }
0x231: {  	v27 =	vmul.f32 v33, v47;
	v16 =	vadd.f32 v28, v16;
	v15 =	vadd.f32 v15, v17  }
0x232: {  	v3 =	vadd.f32 v4, v3  }
0x233: {  	v10 =	vadd.s32 $0x8000, v7;
	v14 =	vadd.f32 v18, v16;
	v15 =	vadd.f32 v27, v15  }
0x234: {  	v6 =	vmul.f32 v2, v12;
	v19 =	vadd.f32 v20, v19;
	v20 =	vmul.f32 v26, v46  }
0x235: {  	v7 =	vmul.f32 v2, v13;
	[tilespmem:$0x1FDB0] =	vst v3;
	v3 =	vadd.f32 v11, v14;
	v4 =	vadd.f32 v39, v15;
	v15 =	vld [tilespmem:$0x1FCB0]  }
0x236: {  	v2 =	vand.u32 $0xFFFF0000, v29;
	v17 =	vadd.f32 v20, v19;
	v19 =	vmul.f32 v33, v42  }
0x237: {  	v11 =	vadd.f32 v22, v35;
	[tilespmem:$0x1FDC0] =	vst v3;
	v3 =	vmul.f32 v2, v59  }
0x238: {  	v18 =	vmul.f32 v34, v52;
	v17 =	vadd.f32 v19, v17  }
0x239: {  	v27 =	vld [tilespmem:$0x1FC90];
	v3 =	vadd.f32 v3, v11;
	[tilespmem:$0x1FDD0] =	vst v4;
	v4 =	vadd.f32 v21, v23;
	v19 =	vmul.f32 v26, v62  }
0x23a: {  	v14 =	vmul.f32 v2, v44;
	v29 =	vadd.f32 v30, v17;
	v15 =	vadd.f32 v48, v15;
	v17 =	vld [tilespmem:$0x1FCD0]  }
0x23b: {  	v16 =	vmul.f32 v33, v43;
	v18 =	vadd.f32 v18, v3;
	v26 =	vld [tilespmem:$0x1FCA0];
	v4 =	vadd.f32 v19, v4  }
0x23c: {  	v11 =	vmul.f32 v34, v41;
	v48 =	vld [tilespmem:$0x1FCC0];
	v14 =	vadd.f32 v14, v15  }
0x23d: {  	v19 =	vadd.f32 v32, v18;
	v32 =	vld [tilespmem:$0x1FD50];
	v16 =	vadd.f32 v16, v4  }
0x23e: {  	v35 =	vmov v40;
	v40 =	vadd.f32 v11, v14;
	v14 =	vld [tilespmem:$0x1FD00]  }
0x23f: {  	p1 =	slt.u32 s23, $0xFC;
	v20 =	vmul.f32 v2, v45;
	v23 =	vadd.f32 v31, v16;
	v16 =	vld [tilespmem:$0x1FD40];
	v17 =	vadd.f32 v25, v17  }
.Ltmp4:
0x240: {  	v25 =	vld [tilespmem:$0x1FCE0];
	(pc) =	sbr.rel @p1 .LBB2_7-.Ltmp4, $4  }
0x241: {  	v15 =	vadd.f32 v20, v17;
	v20 =	vld [tilespmem:$0x1FCF0];
	v17 =	vmul.f32 v34, v47  }
0x242: {  	v3 =	vmul.f32 v34, v42;
	v4 =	vmul.f32 v34, v43;
	v34 =	vld [tilespmem:$0x1FD30]  }
0x243: {  	v11 =	vadd.f32 v17, v15;
	v15 =	vld [tilespmem:$0x1FD10]  }
0x244: {  	s23 =	sadd.s32 $0x4, s23;
	v10 =	vand.u32 $0xFFFF0000, v10;
	v39 =	vmul.f32 v2, v46;
	v17 =	vld [tilespmem:$0x1FD20]  }
0x245: {  	v57 =	vadd.f32 v57, v14;
	v33 =	vadd.f32 v58, v16;
	v2 =	vmul.f32 v2, v62  }
0x246: {  	v0 =	vadd.f32 v0, v40;
	v1 =	vadd.f32 v1, v11  }
0x247: {  	v11 =	vadd.f32 v39, v57;
	v2 =	vadd.f32 v2, v33  }
0x248: {  	v0 =	vadd.f32 v0, v0;
	v1 =	vadd.f32 v1, v1  }
0x249: {  	v40 =	vmul.f32 v10, v59;
	v39 =	vld [tilespmem:$0x1FD60];
	v15 =	vadd.f32 v61, v15;
	v17 =	vadd.f32 v60, v17  }
0x24a: {  	v18 =	vmul.f32 v10, v44;
	v3 =	vadd.f32 v3, v11;
	v2 =	vadd.f32 v4, v2  }
0x24b: {  	v58 =	vmul.f32 v63, v52;
	v57 =	vadd.f32 v40, v15;
	v40 =	vadd.f32 v49, v48  }
0x24c: {  	v59 =	vmul.f32 v5, v59;
	v49 =	vadd.f32 v51, v26;
	v60 =	vadd.f32 v18, v17  }
0x24d: {  	v61 =	vmul.f32 v63, v41;
	v3 =	vadd.f32 v6, v3;
	v2 =	vadd.f32 v7, v2  }
0x24e: {  	v48 =	vmul.f32 v10, v45;
	v18 =	vadd.f32 v58, v57;
	v7 =	vadd.f32 v39, v27  }
0x24f: {  	v51 =	vmul.f32 v10, v46;
	v57 =	vadd.f32 v50, v25;
	v33 =	vadd.f32 v61, v60  }
0x250: {  	v58 =	vmul.f32 v10, v62;
	v3 =	vadd.f32 v3, v3;
	v4 =	vadd.f32 v8, v18  }
0x251: {  	v26 =	vmul.f32 v63, v42;
	v39 =	vld [tilespmem:$0x1FDC0];
	v7 =	vadd.f32 v48, v7;
	v8 =	vadd.f32 v51, v40  }
0x252: {  	v25 =	vld [tilespmem:$0x1FF80];
	v60 =	vmul.f32 v63, v47;
	v10 =	vadd.f32 v58, v49;
	v61 =	vadd.f32 v59, v57  }
0x253: {  	v27 =	vld [tilespmem:$0x1FFA0];
	v40 =	vmul.f32 v63, v43;
	v51 =	vadd.f32 v29, v29;
	v58 =	vadd.f32 v19, v19  }
0x254: {  	v48 =	vmul.f32 v38, v52;
	v6 =	vadd.f32 v9, v33;
	v7 =	vadd.f32 v60, v7  }
0x255: {  	v8 =	vadd.f32 v26, v8;
	v10 =	vadd.f32 v40, v10  }
0x256: {  	v49 =	vld [tilespmem:$0x1FDD0];
	v11 =	vadd.f32 v48, v61;
	v4 =	vadd.f32 v4, v4  }
0x257: {  	v29 =	vld [tilespmem:$0x1FFB0];
	v14 =	vadd.f32 v39, v39;
	v0 =	vsub.f32 v25, v0  }
0x258: {  	v33 =	vld [tilespmem:$0x1FDB0];
	v1 =	vsub.f32 v27, v1;
	v39 =	vadd.f32 v6, v6  }
0x259: {  	v7 =	vadd.f32 v54, v7;
	v8 =	vadd.f32 v56, v8  }
0x25a: {  	v63 =	vmul.f32 v5, v45;
	v54 =	vadd.f32 v23, v23;
	v10 =	vadd.f32 v53, v10  }
0x25b: {  	v57 =	vld [tilespmem:$0x1FD80];
	v45 =	vmul.f32 v38, v43;
	v11 =	vadd.f32 v55, v11;
	v14 =	vsub.f32 v25, v14  }
0x25c: {  	v26 =	vld [tilespmem:$0x1FF90];
	v61 =	vmul.f32 v5, v44;
	v17 =	vadd.f32 v49, v49;
	v52 =	vsub.f32 v29, v51  }
0x25d: {  	v3 =	vsub.f32 v29, v3;
	v9 =	vadd.f32 v33, v33;
	v33 =	vmul.f32 v38, v41  }
0x25e: {  	v56 =	vld [tilespmem:$0x1FD70];
	v41 =	vmul.f32 v38, v42;
	v42 =	vsub.f32 v25, v39;
	v44 =	vadd.f32 v7, v7  }
0x25f: {  	v40 =	vmul.f32 v38, v47;
	v8 =	vadd.f32 v8, v8;
	v49 =	vadd.f32 v10, v10  }
0x260: {  	v47 =	vmul.f32 v24, v12;
	v50 =	vsub.f32 v27, v17;
	v17 =	vadd.f32 v57, v34  }
0x261: {  	v48 =	vmul.f32 v24, v13;
	v23 =	vld [tilespmem:$0x1FF70];
	v34 =	vadd.f32 v2, v2;
	v9 =	vsub.f32 v26, v9  }
0x262: {  	v51 =	vimm.s32 $0x0;
	v4 =	vsub.f32 v26, v4;
	v8 =	vsub.f32 v29, v8  }
0x263: {  	v15 =	vadd.f32 v56, v35;
	v17 =	vadd.f32 v63, v17;
	vm0 =	vlt.f32 v14, v9  }
0x264: {  	vm8 =	vlt.f32 v42, v4;
	v9 =	vsel vm0, v14, v9;
	v14 =	vsub.f32 v26, v58  }
0x265: {  	v15 =	vadd.f32 v61, v15;
	v6 =	vadd.f32 v40, v17;
	vm1 =	vlt.f32 v50, v9  }
0x266: {  	v59 =	vld [tilespmem:$0x1FD90];
	v16 =	vsub.f32 v23, v54;
	v58 =	vsel vm8, $0x1, v51;
	v9 =	vsel vm1, v50, v9  }
0x267: {  	v60 =	vld [tilespmem:$0x1FDA0];
	vm4 =	vlt.f32 v0, v14;
	v35 =	vadd.f32 v33, v15;
	v6 =	vadd.f32 v37, v6  }
0x268: {  	v50 =	vadd.f32 v11, v11;
	vm2 =	vlt.f32 v52, v9;
	v0 =	vsel vm4, v0, v14  }
0x269: {  	v57 =	vsel vm4, $0x1, v51;
	v9 =	vsel vm2, v52, v9;
	vm5 =	vlt.f32 v1, v0  }
0x26a: {  	v2 =	vadd.f32 v36, v35;
	v52 =	vsel vm0, $0x1, v51;
	v53 =	vsub.f32 v26, v50  }
0x26b: {  	v6 =	vadd.f32 v6, v6;
	vm3 =	vlt.f32 v16, v9;
	v9 =	vadd.f32 v59, v32  }
0x26c: {  	v16 =	vadd.f32 v60, v20;
	v20 =	vmul.f32 v5, v46;
	v32 =	vmul.f32 v5, v62  }
0x26d: {  	v0 =	vsel vm5, v1, v0;
	v1 =	vsub.f32 v23, v34;
	v7 =	vsel vm1, $0x2, v52  }
0x26e: {  	vm6 =	vlt.f32 v3, v0;
	v2 =	vadd.f32 v2, v2;
	v55 =	vsel vm2, $0x3, v7  }
0x26f: {  	v56 =	vsub.f32 v27, v6;
	v9 =	vadd.f32 v20, v9;
	v0 =	vsel vm6, v3, v0  }
0x270: {  	v5 =	vadd.f32 v32, v16;
	vm7 =	vlt.f32 v1, v0;
	v1 =	vsub.f32 v27, v44  }
0x271: {  	v0 =	vsel vm8, v42, v4;
	v2 =	vsub.f32 v25, v2;
	v46 =	vadd.f32 v41, v9  }
0x272: {  	v3 =	vadd.f32 v45, v5;
	v5 =	vsel vm5, $0x2, v57;
	vm10 =	vlt.f32 v1, v0  }
0x273: {  	vm12 =	vlt.f32 v2, v53;
	v5 =	vsel vm6, $0x3, v5;
	v4 =	vadd.f32 v47, v46  }
0x274: {  	v0 =	vsel vm10, v1, v0;
	v1 =	vsub.f32 v23, v49;
	v54 =	vadd.f32 v48, v3  }
0x275: {  	v2 =	vsel vm12, v2, v53;
	vm9 =	vlt.f32 v8, v0;
	v4 =	vadd.f32 v4, v4  }
0x276: {  	v3 =	vsel vm10, $0x2, v58;
	vm13 =	vlt.f32 v56, v2;
	v0 =	vsel vm9, v8, v0  }
0x277: {  	vm11 =	vlt.f32 v1, v0;
	v0 =	vadd.f32 v54, v54;
	v4 =	vsub.f32 v29, v4  }
0x278: {  	v59 =	vsel vm12, $0x1, v51;
	v60 =	vsel vm7, $0x4, v5;
	v2 =	vsel vm13, v56, v2  }
.Ltmp5:
0x279: {  	v3 =	vsel vm9, $0x3, v3;
	v0 =	vsub.f32 v23, v0;
	vm14 =	vlt.f32 v4, v2;
	(pc) =	sbr.rel @p0 .LBB2_10-.Ltmp5, $4  }
0x27a: {  	v22 =	vld [tilespmem:$0x1FFF0];
	[tilespmem:s21+$0x9050] =	vst v60;
	v1 =	vsel vm3, $0x4, v55;
	v2 =	vsel vm14, v4, v2;
	v4 =	vsel vm13, $0x2, v59  }
0x27b: {  	v21 =	vld [tilespmem:$0x1FFE0];
	[tilespmem:s21+$0x9040] =	vst v1;
	v61 =	vsel vm11, $0x4, v3;
	vm15 =	vlt.f32 v0, v2;
	v62 =	vsel vm14, $0x3, v4  }
0x27c: {  	v30 =	vld [tilespmem:$0x1FFC0];
	[tilespmem:s21+$0x9060] =	vst v61;
	v63 =	vsel vm15, $0x4, v62  }
0x27d: {  	v28 =	vld [tilespmem:$0x1FFD0];
	[tilespmem:s21+$0x9070] =	vst v63  }
.Ltmp6:
0x27e: {  	(pc) =	sbr.rel .LBB2_4-.Ltmp6, $4  }
0x27f: {  	s21 =	sadd.s32 s22, s8  }
0x280: {  	s21 =	sshrl.u32 s21, $0x3  }
0x281: {  	s20 =	sadd.s32 $0x1, s20;
	s21 =	sadd.s32 s0, s21  }
0x282: {  	v27 =	vlaneseq.u32;
	v33 =	vmov v22;
	v32 =	vmov v21;
	[tilespmem:s13], [sflag:$0x2] =	stream.linear.gather [hbm4b:s21+s4], $0x4000, $0x38;
	[tilespmem:$0x9300] =	vst v63  }
.LBB2_11:
0x283: {  	_ =	sfence.sel $0x180000  }
0x284: {  	[bflag:$0x0] =	sbarrier.arrive $0xFFFF  }
0x285: {  	p0 =	sne.s32 s2, $0x0;
	_ =	strace $0x90000047  }
0x286: {  	s0 =	sadd.s32 @!p0 $0x100000, s3;
	[bflag:$0x2] =	sbarrier.arrive $0xFFFF  }
0x287: {  	[sflag:s0] =	ssyncadd.tile.s32 @!p0 $0x1;
	_ =	shalt  }
.Lfunc_end2:
_tile_overlayer_lowered:
.L_overlay_start_2:
0x288: {  	(tag) =	ssettag $0x2  }
0x289: {  	s0 =	rddreg [dreg:$0x0];
	s2 =	stileid.u32  }
0x28a: {  	s1 =	rddreg [dreg:$0x1];
	p0 =	sne.s32 s2, $0x0  }
0x28b: {  	s3 =	rddreg [dreg:$0x2];
	[bflag:$0x3] =	sbarrier.arrive $0xFFFF;
	s2 =	simm.s32 @!p0 $0x1C03  }
0x28c: {  	[timem:s3], [sflag:s2] =	dma.local @!p0 [hbm:s0], s1  }
0x28d: {  	s0 =	simm.s32 @!p0 $0x3  }
0x28e: {  	_ =	swait.ge @!p0 [sflag:s0], s1  }
0x28f: {  	s1 =	ssub.s32 @!p0 $0x0, s1;
	[sflag:s0] =	ssyncset.done @!p0 $0x0  }
0x290: {  	[sflag:s0] =	ssyncadd.s32 @!p0 s1  }
0x291: {  	[bflag:$0x3] =	sbarrier.arrive $0xFFFF  }
0x292: {  	_ =	shalt  }

</sc_bundles>
